<compile_context>
chip_gen: v7x
topology: tpu7x:2x2x1
jax: 0.10.2.dev20260603
libtpu: 0.0.44.dev20260713+nightly
codegen_flags: <defaults>
</compile_context>

<pallas_src>
import jax
import jax.numpy as jnp
from jax import lax
from jax.experimental import pallas as pl
from jax.experimental.pallas import tpu as pltpu
from jax.experimental.pallas import tpu_sc as plsc

N_ATOMS = 10000
N_PAIRS = 640000
NC = 2
NS = 16
NW = NC * NS
PER_TILE = N_PAIRS // NW
CHUNK = 4000
NCHUNK = PER_TILE // CHUNK
LANES = 16
UN = 5
UN2 = 25
NPAD = 10240


def _sc_pair_force(xs, ys, zs, pi, pj, out,
                   xb0, yb0, zb0, xb1, yb1, zb1, ib0, ib1, jb0, jb1,
                   accx, accy, accz, afx, afy, afz, ihead,
                   s00, s01, s02, s03, s04, s10, s11, s12, s13, s14, semh):
    c = lax.axis_index("c")
    s = lax.axis_index("s")
    wid = s * NC + c
    base0 = wid * PER_TILE
    zero16 = jnp.zeros((LANES,), jnp.float32)

    xbufs = (xb0, xb1)
    ybufs = (yb0, yb1)
    zbufs = (zb0, zb1)
    ibufs = (ib0, ib1)
    jbufs = (jb0, jb1)
    sems = ((s00, s01, s02, s03, s04), (s10, s11, s12, s13, s14))

    def start(ch):
        slot = ch % 2
        b = base0 + ch * CHUNK
        return (
            pltpu.async_copy(xs.at[pl.ds(b, CHUNK)], xbufs[slot], sems[slot][0]),
            pltpu.async_copy(ys.at[pl.ds(b, CHUNK)], ybufs[slot], sems[slot][1]),
            pltpu.async_copy(zs.at[pl.ds(b, CHUNK)], zbufs[slot], sems[slot][2]),
            pltpu.async_copy(pi.at[pl.ds(b, CHUNK)], ibufs[slot], sems[slot][3]),
            pltpu.async_copy(pj.at[pl.ds(b, CHUNK)], jbufs[slot], sems[slot][4]),
        )

    pending = {0: start(0)}
    hcp = pltpu.async_copy(pi.at[pl.ds(0, N_ATOMS)], ihead, semh)

    @plsc.parallel_loop(0, N_ATOMS // LANES, unroll=UN2)
    def zero_body(t):
        sl = pl.ds(t * LANES, LANES)
        accx[sl] = zero16
        accy[sl] = zero16
        accz[sl] = zero16
        afx[sl] = zero16
        afy[sl] = zero16
        afz[sl] = zero16

    for ch in range(NCHUNK):
        slot = ch % 2
        for h in pending.pop(ch):
            h.wait()
        if ch + 1 < NCHUNK:
            pending[ch + 1] = start(ch + 1)
        xbf = xbufs[slot]
        ybf = ybufs[slot]
        zbf = zbufs[slot]
        ibf = ibufs[slot]
        jbf = jbufs[slot]

        @plsc.parallel_loop(0, CHUNK // LANES, unroll=UN)
        def force_body(v):
            sl = pl.ds(v * LANES, LANES)
            x = xbf[sl]
            y = ybf[sl]
            z = zbf[sl]
            r2 = x * x + y * y + z * z + 0.01
            inv = 1.0 / r2
            inv3 = inv * inv * inv
            coef = inv3 * inv * (24.0 - 48.0 * inv3)
            fx = coef * x
            fy = coef * y
            fz = coef * z
            ii = ibf[sl]
            jj = jbf[sl]
            plsc.addupdate_scatter(accx, [ii], fx)
            plsc.addupdate_scatter(accy, [ii], fy)
            plsc.addupdate_scatter(accz, [ii], fz)
            plsc.addupdate_scatter(accx, [jj], -fx)
            plsc.addupdate_scatter(accy, [jj], -fy)
            plsc.addupdate_scatter(accz, [jj], -fz)

    hcp.wait()

    @plsc.parallel_loop(0, N_ATOMS // LANES, unroll=UN2)
    def stage2_body(t):
        sl = pl.ds(t * LANES, LANES)
        idx = ihead[sl]
        plsc.addupdate_scatter(afx, [idx], accx[sl])
        plsc.addupdate_scatter(afy, [idx], accy[sl])
        plsc.addupdate_scatter(afz, [idx], accz[sl])

    pltpu.sync_copy(afx, out.at[pl.ds(wid * NPAD, N_ATOMS)])
    pltpu.sync_copy(afy, out.at[pl.ds((NW + wid) * NPAD, N_ATOMS)])
    pltpu.sync_copy(afz, out.at[pl.ds((2 * NW + wid) * NPAD, N_ATOMS)])


def _combine_body(x_ref, o_ref):
    for comp in range(3):
        acc = x_ref[pl.ds(comp * NW * NPAD, NPAD)]
        for w in range(1, NW):
            acc = acc + x_ref[pl.ds((comp * NW + w) * NPAD, NPAD)]
        o_ref[comp, :] = acc


@jax.jit
def kernel(pair_dist, pair_i, pair_j, atom_batch):
    xs = pair_dist[:, 0]
    ys = pair_dist[:, 1]
    zs = pair_dist[:, 2]

    mesh = plsc.VectorSubcoreMesh(core_axis_name="c", subcore_axis_name="s")
    sc_fn = pl.kernel(
        _sc_pair_force,
        out_type=jax.ShapeDtypeStruct((3 * NW * NPAD,), jnp.float32),
        mesh=mesh,
        compiler_params=pltpu.CompilerParams(needs_layout_passes=False),
        scratch_types=[
            pltpu.VMEM((CHUNK,), jnp.float32),
            pltpu.VMEM((CHUNK,), jnp.float32),
            pltpu.VMEM((CHUNK,), jnp.float32),
            pltpu.VMEM((CHUNK,), jnp.float32),
            pltpu.VMEM((CHUNK,), jnp.float32),
            pltpu.VMEM((CHUNK,), jnp.float32),
            pltpu.VMEM((CHUNK,), jnp.int32),
            pltpu.VMEM((CHUNK,), jnp.int32),
            pltpu.VMEM((CHUNK,), jnp.int32),
            pltpu.VMEM((CHUNK,), jnp.int32),
            pltpu.VMEM((N_ATOMS,), jnp.float32),
            pltpu.VMEM((N_ATOMS,), jnp.float32),
            pltpu.VMEM((N_ATOMS,), jnp.float32),
            pltpu.VMEM((N_ATOMS,), jnp.float32),
            pltpu.VMEM((N_ATOMS,), jnp.float32),
            pltpu.VMEM((N_ATOMS,), jnp.float32),
            pltpu.VMEM((N_ATOMS,), jnp.int32),
            pltpu.SemaphoreType.DMA,
            pltpu.SemaphoreType.DMA,
            pltpu.SemaphoreType.DMA,
            pltpu.SemaphoreType.DMA,
            pltpu.SemaphoreType.DMA,
            pltpu.SemaphoreType.DMA,
            pltpu.SemaphoreType.DMA,
            pltpu.SemaphoreType.DMA,
            pltpu.SemaphoreType.DMA,
            pltpu.SemaphoreType.DMA,
            pltpu.SemaphoreType.DMA,
        ],
    )
    partials = sc_fn(xs, ys, zs, pair_i, pair_j)

    combined = pl.pallas_call(
        _combine_body,
        out_shape=jax.ShapeDtypeStruct((3, NPAD), jnp.float32),
    )(partials)

    return combined[:, :N_ATOMS].T

# --- scband reference (transcript-rebuilt; emitter-appended) ---
"""Pipeline reference for scband-pair-force-51488067945075 (READ-ONLY COPY).

The authoritative reference and input builder live on the scoring server;
editing this copy changes nothing except your own understanding.
"""

import jax, jax.numpy as jnp
import numpy as np

N_ATOMS = 10000
N_PAIRS = 640000


def setup_inputs(seed: int = 0) -> dict:
    key = jax.random.key(seed)
    k1, k2, k3 = jax.random.split(key, 3)
    pair_dist = jax.random.normal(k1, (N_PAIRS, 3), dtype=jnp.float32)
    pair_i = jax.random.randint(k2, (N_PAIRS,), 0, N_ATOMS, dtype=jnp.int32)
    pair_j = jax.random.randint(k3, (N_PAIRS,), 0, N_ATOMS, dtype=jnp.int32)
    atom_batch = jnp.arange(N_ATOMS, dtype=jnp.int32)
    return {"pair_dist": pair_dist, "pair_i": pair_i, "pair_j": pair_j, "atom_batch": atom_batch}


def _energy(dx):
    # Lennard-Jones-style pairwise potential: fx = sum_k phi(|dx_k|).
    # This plays the role of inputs[fx_key], which in the original torch module is a
    # scalar energy differentiably connected to dx (pair_dist) via the upstream graph.
    r2 = jnp.sum(dx * dx, axis=-1) + 1e-2
    inv_r6 = 1.0 / (r2 ** 3)
    inv_r12 = inv_r6 * inv_r6
    return jnp.sum(4.0 * (inv_r12 - inv_r6))


def reference(pair_dist, pair_i, pair_j, atom_batch):
    # dfdx, = torch.autograd.grad(fx, dx)
    dfdx = jax.grad(_energy)(pair_dist)
    E = pair_dist.shape[0]
    # pair_force = zeros_like(pair_i) per-pair buffer (float [E,3] so index_add is well-typed)
    pair_force = jnp.zeros((E, 3), dtype=pair_dist.dtype)
    pair_force = pair_force.at[pair_i].add(dfdx)
    pair_force = pair_force.at[pair_j].add(-dfdx)
    # atom_force = zeros((max(atom_batch)+1, 3)); index_add(0, pair_i, pair_force)
    n_out = atom_batch.shape[0]
    atom_force = jnp.zeros((n_out, 3), dtype=pair_dist.dtype)
    atom_force = atom_force.at[pair_i].add(pair_force)
    return atom_force

if __name__ == "__main__":
    import jax
    _d = setup_inputs()
    print(jax.jit(kernel)(*tuple(_d.values())))

</pallas_src>

<mosaic_0001>
#map = affine_map<(d0, d1) -> (0)>
module attributes {stable_mosaic.version = 14 : i64} {
  func.func @_sc_pair_force(%arg0: i32, %arg1: i32, %arg2: memref<640000xf32, #tpu.memory_space<hbm>>, %arg3: memref<640000xf32, #tpu.memory_space<hbm>>, %arg4: memref<640000xf32, #tpu.memory_space<hbm>>, %arg5: memref<640000xi32, #tpu.memory_space<hbm>>, %arg6: memref<640000xi32, #tpu.memory_space<hbm>>, %arg7: memref<983040xf32, #tpu.memory_space<hbm>>, %arg8: memref<4000xf32, #tpu.memory_space<vmem>>, %arg9: memref<4000xf32, #tpu.memory_space<vmem>>, %arg10: memref<4000xf32, #tpu.memory_space<vmem>>, %arg11: memref<4000xf32, #tpu.memory_space<vmem>>, %arg12: memref<4000xf32, #tpu.memory_space<vmem>>, %arg13: memref<4000xf32, #tpu.memory_space<vmem>>, %arg14: memref<4000xi32, #tpu.memory_space<vmem>>, %arg15: memref<4000xi32, #tpu.memory_space<vmem>>, %arg16: memref<4000xi32, #tpu.memory_space<vmem>>, %arg17: memref<4000xi32, #tpu.memory_space<vmem>>, %arg18: memref<10000xf32, #tpu.memory_space<vmem>>, %arg19: memref<10000xf32, #tpu.memory_space<vmem>>, %arg20: memref<10000xf32, #tpu.memory_space<vmem>>, %arg21: memref<10000xf32, #tpu.memory_space<vmem>>, %arg22: memref<10000xf32, #tpu.memory_space<vmem>>, %arg23: memref<10000xf32, #tpu.memory_space<vmem>>, %arg24: memref<10000xi32, #tpu.memory_space<vmem>>, %arg25: memref<!tpu.dma_semaphore, #tpu.memory_space<semaphore_mem>>, %arg26: memref<!tpu.dma_semaphore, #tpu.memory_space<semaphore_mem>>, %arg27: memref<!tpu.dma_semaphore, #tpu.memory_space<semaphore_mem>>, %arg28: memref<!tpu.dma_semaphore, #tpu.memory_space<semaphore_mem>>, %arg29: memref<!tpu.dma_semaphore, #tpu.memory_space<semaphore_mem>>, %arg30: memref<!tpu.dma_semaphore, #tpu.memory_space<semaphore_mem>>, %arg31: memref<!tpu.dma_semaphore, #tpu.memory_space<semaphore_mem>>, %arg32: memref<!tpu.dma_semaphore, #tpu.memory_space<semaphore_mem>>, %arg33: memref<!tpu.dma_semaphore, #tpu.memory_space<semaphore_mem>>, %arg34: memref<!tpu.dma_semaphore, #tpu.memory_space<semaphore_mem>>, %arg35: memref<!tpu.dma_semaphore, #tpu.memory_space<semaphore_mem>>) attributes {dimension_semantics = [#tpu.dimension_semantics<core_parallel>, #tpu.dimension_semantics<subcore_parallel>], iteration_bounds = array<i64: 2, 16>, scalar_prefetch = 0 : i64, scratch_operands = 28 : i64, tpu.core_type = #tpu.core_type<sc_vector_subcore>, window_params = [{transform_indices = #map}, {transform_indices = #map}, {transform_indices = #map}, {transform_indices = #map}, {transform_indices = #map}, {transform_indices = #map}]} {
    %mul3A = arith.constant 2 : i32
    %mul3A_0 = arith.muli %arg1, %mul3A : i32
    %add3A = arith.addi %mul3A_0, %arg0 : i32
    %mul3A_1 = arith.constant 20000 : i32
    %mul3A_2 = arith.muli %add3A, %mul3A_1 : i32
    %broadcast_in_dim3A = arith.constant 0.000000e+00 : f32
    %broadcast_in_dim3A_3 = vector.broadcast %broadcast_in_dim3A : f32 to vector<16xf32>
    %add3A_4 = arith.constant 0 : i32
    %add3A_5 = arith.addi %mul3A_2, %add3A_4 : i32
    %dma_start3A = tpu.memref_slice %arg2[%add3A_5] : memref<640000xf32, #tpu.memory_space<hbm>> -> memref<4000xf32, #tpu.memory_space<hbm>>
    %dma_start3A_6 = tpu.memref_slice %arg2[%add3A_5] : memref<640000xf32, #tpu.memory_space<hbm>> -> memref<4000xf32, #tpu.memory_space<hbm>>
    tpu.enqueue_dma source(%dma_start3A_6 : memref<4000xf32, #tpu.memory_space<hbm>>) target(%arg8 : memref<4000xf32, #tpu.memory_space<vmem>>) target_semaphore(%arg25 : memref<!tpu.dma_semaphore, #tpu.memory_space<semaphore_mem>>)
    %dma_start3A_7 = tpu.memref_slice %arg3[%add3A_5] : memref<640000xf32, #tpu.memory_space<hbm>> -> memref<4000xf32, #tpu.memory_space<hbm>>
    %dma_start3A_8 = tpu.memref_slice %arg3[%add3A_5] : memref<640000xf32, #tpu.memory_space<hbm>> -> memref<4000xf32, #tpu.memory_space<hbm>>
    tpu.enqueue_dma source(%dma_start3A_8 : memref<4000xf32, #tpu.memory_space<hbm>>) target(%arg9 : memref<4000xf32, #tpu.memory_space<vmem>>) target_semaphore(%arg26 : memref<!tpu.dma_semaphore, #tpu.memory_space<semaphore_mem>>)
    %dma_start3A_9 = tpu.memref_slice %arg4[%add3A_5] : memref<640000xf32, #tpu.memory_space<hbm>> -> memref<4000xf32, #tpu.memory_space<hbm>>
    %dma_start3A_10 = tpu.memref_slice %arg4[%add3A_5] : memref<640000xf32, #tpu.memory_space<hbm>> -> memref<4000xf32, #tpu.memory_space<hbm>>
    tpu.enqueue_dma source(%dma_start3A_10 : memref<4000xf32, #tpu.memory_space<hbm>>) target(%arg10 : memref<4000xf32, #tpu.memory_space<vmem>>) target_semaphore(%arg27 : memref<!tpu.dma_semaphore, #tpu.memory_space<semaphore_mem>>)
    %dma_start3A_11 = tpu.memref_slice %arg5[%add3A_5] : memref<640000xi32, #tpu.memory_space<hbm>> -> memref<4000xi32, #tpu.memory_space<hbm>>
    %dma_start3A_12 = tpu.memref_slice %arg5[%add3A_5] : memref<640000xi32, #tpu.memory_space<hbm>> -> memref<4000xi32, #tpu.memory_space<hbm>>
    tpu.enqueue_dma source(%dma_start3A_12 : memref<4000xi32, #tpu.memory_space<hbm>>) target(%arg14 : memref<4000xi32, #tpu.memory_space<vmem>>) target_semaphore(%arg28 : memref<!tpu.dma_semaphore, #tpu.memory_space<semaphore_mem>>)
    %dma_start3A_13 = tpu.memref_slice %arg6[%add3A_5] : memref<640000xi32, #tpu.memory_space<hbm>> -> memref<4000xi32, #tpu.memory_space<hbm>>
    %dma_start3A_14 = tpu.memref_slice %arg6[%add3A_5] : memref<640000xi32, #tpu.memory_space<hbm>> -> memref<4000xi32, #tpu.memory_space<hbm>>
    tpu.enqueue_dma source(%dma_start3A_14 : memref<4000xi32, #tpu.memory_space<hbm>>) target(%arg16 : memref<4000xi32, #tpu.memory_space<vmem>>) target_semaphore(%arg29 : memref<!tpu.dma_semaphore, #tpu.memory_space<semaphore_mem>>)
    %dma_start3A_15 = arith.constant 0 : i32
    %dma_start3A_16 = tpu.memref_slice %arg5[%dma_start3A_15] : memref<640000xi32, #tpu.memory_space<hbm>> -> memref<10000xi32, #tpu.memory_space<hbm>>
    %dma_start3A_17 = arith.constant 0 : i32
    %dma_start3A_18 = tpu.memref_slice %arg5[%dma_start3A_17] : memref<640000xi32, #tpu.memory_space<hbm>> -> memref<10000xi32, #tpu.memory_space<hbm>>
    tpu.enqueue_dma source(%dma_start3A_18 : memref<10000xi32, #tpu.memory_space<hbm>>) target(%arg24 : memref<10000xi32, #tpu.memory_space<vmem>>) target_semaphore(%arg35 : memref<!tpu.dma_semaphore, #tpu.memory_space<semaphore_mem>>)
    %parallel_loop3A = arith.constant 0 : i32
    %parallel_loop3A_19 = arith.constant 625 : i32
    %parallel_loop3A_20 = arith.constant 1 : i32
    scf.for %parallel_loop3A_150 = %parallel_loop3A to %parallel_loop3A_19 step %parallel_loop3A_20  : i32 {
      %parallel_loop3A_151 = arith.constant 16 : i32
      %parallel_loop3A_152 = arith.muli %parallel_loop3A_150, %parallel_loop3A_151 : i32
      %parallel_loop3A_153 = arith.index_cast %parallel_loop3A_152 : i32 to index
      %parallel_loop3A_154 = tpu.vector_load %arg18[%parallel_loop3A_153] {strides = array<i32>} : memref<10000xf32, #tpu.memory_space<vmem>>, vector<16xf32>,
      tpu.vector_store %arg18[%parallel_loop3A_153], %broadcast_in_dim3A_3 {strides = array<i32>} : memref<10000xf32, #tpu.memory_space<vmem>>, vector<16xf32>,
      %parallel_loop3A_155 = arith.index_cast %parallel_loop3A_152 : i32 to index
      %parallel_loop3A_156 = tpu.vector_load %arg19[%parallel_loop3A_155] {strides = array<i32>} : memref<10000xf32, #tpu.memory_space<vmem>>, vector<16xf32>,
      tpu.vector_store %arg19[%parallel_loop3A_155], %broadcast_in_dim3A_3 {strides = array<i32>} : memref<10000xf32, #tpu.memory_space<vmem>>, vector<16xf32>,
      %parallel_loop3A_157 = arith.index_cast %parallel_loop3A_152 : i32 to index
      %parallel_loop3A_158 = tpu.vector_load %arg20[%parallel_loop3A_157] {strides = array<i32>} : memref<10000xf32, #tpu.memory_space<vmem>>, vector<16xf32>,
      tpu.vector_store %arg20[%parallel_loop3A_157], %broadcast_in_dim3A_3 {strides = array<i32>} : memref<10000xf32, #tpu.memory_space<vmem>>, vector<16xf32>,
      %parallel_loop3A_159 = arith.index_cast %parallel_loop3A_152 : i32 to index
      %parallel_loop3A_160 = tpu.vector_load %arg21[%parallel_loop3A_159] {strides = array<i32>} : memref<10000xf32, #tpu.memory_space<vmem>>, vector<16xf32>,
      tpu.vector_store %arg21[%parallel_loop3A_159], %broadcast_in_dim3A_3 {strides = array<i32>} : memref<10000xf32, #tpu.memory_space<vmem>>, vector<16xf32>,
      %parallel_loop3A_161 = arith.index_cast %parallel_loop3A_152 : i32 to index
      %parallel_loop3A_162 = tpu.vector_load %arg22[%parallel_loop3A_161] {strides = array<i32>} : memref<10000xf32, #tpu.memory_space<vmem>>, vector<16xf32>,
      tpu.vector_store %arg22[%parallel_loop3A_161], %broadcast_in_dim3A_3 {strides = array<i32>} : memref<10000xf32, #tpu.memory_space<vmem>>, vector<16xf32>,
      %parallel_loop3A_163 = arith.index_cast %parallel_loop3A_152 : i32 to index
      %parallel_loop3A_164 = tpu.vector_load %arg23[%parallel_loop3A_163] {strides = array<i32>} : memref<10000xf32, #tpu.memory_space<vmem>>, vector<16xf32>,
      tpu.vector_store %arg23[%parallel_loop3A_163], %broadcast_in_dim3A_3 {strides = array<i32>} : memref<10000xf32, #tpu.memory_space<vmem>>, vector<16xf32>,
    } {sc.loop_unroll_factor = 25 : i64, sc.parallel_access}
    %dma_wait3A = tpu.memref_slice %arg2[%add3A_5] : memref<640000xf32, #tpu.memory_space<hbm>> -> memref<4000xf32, #tpu.memory_space<hbm>>
    %dma_wait3A_21 = tpu.memref_slice %arg2[%add3A_5] : memref<640000xf32, #tpu.memory_space<hbm>> -> memref<4000xf32, #tpu.memory_space<hbm>>
    tpu.wait_dma2 semaphore(%arg25 : memref<!tpu.dma_semaphore, #tpu.memory_space<semaphore_mem>>) src(%dma_wait3A_21 : memref<4000xf32, #tpu.memory_space<hbm>>) dst(%arg8 : memref<4000xf32, #tpu.memory_space<vmem>>)
    %dma_wait3A_22 = tpu.memref_slice %arg3[%add3A_5] : memref<640000xf32, #tpu.memory_space<hbm>> -> memref<4000xf32, #tpu.memory_space<hbm>>
    %dma_wait3A_23 = tpu.memref_slice %arg3[%add3A_5] : memref<640000xf32, #tpu.memory_space<hbm>> -> memref<4000xf32, #tpu.memory_space<hbm>>
    tpu.wait_dma2 semaphore(%arg26 : memref<!tpu.dma_semaphore, #tpu.memory_space<semaphore_mem>>) src(%dma_wait3A_23 : memref<4000xf32, #tpu.memory_space<hbm>>) dst(%arg9 : memref<4000xf32, #tpu.memory_space<vmem>>)
    %dma_wait3A_24 = tpu.memref_slice %arg4[%add3A_5] : memref<640000xf32, #tpu.memory_space<hbm>> -> memref<4000xf32, #tpu.memory_space<hbm>>
    %dma_wait3A_25 = tpu.memref_slice %arg4[%add3A_5] : memref<640000xf32, #tpu.memory_space<hbm>> -> memref<4000xf32, #tpu.memory_space<hbm>>
    tpu.wait_dma2 semaphore(%arg27 : memref<!tpu.dma_semaphore, #tpu.memory_space<semaphore_mem>>) src(%dma_wait3A_25 : memref<4000xf32, #tpu.memory_space<hbm>>) dst(%arg10 : memref<4000xf32, #tpu.memory_space<vmem>>)
    %dma_wait3A_26 = tpu.memref_slice %arg5[%add3A_5] : memref<640000xi32, #tpu.memory_space<hbm>> -> memref<4000xi32, #tpu.memory_space<hbm>>
    %dma_wait3A_27 = tpu.memref_slice %arg5[%add3A_5] : memref<640000xi32, #tpu.memory_space<hbm>> -> memref<4000xi32, #tpu.memory_space<hbm>>
    tpu.wait_dma2 semaphore(%arg28 : memref<!tpu.dma_semaphore, #tpu.memory_space<semaphore_mem>>) src(%dma_wait3A_27 : memref<4000xi32, #tpu.memory_space<hbm>>) dst(%arg14 : memref<4000xi32, #tpu.memory_space<vmem>>)
    %dma_wait3A_28 = tpu.memref_slice %arg6[%add3A_5] : memref<640000xi32, #tpu.memory_space<hbm>> -> memref<4000xi32, #tpu.memory_space<hbm>>
    %dma_wait3A_29 = tpu.memref_slice %arg6[%add3A_5] : memref<640000xi32, #tpu.memory_space<hbm>> -> memref<4000xi32, #tpu.memory_space<hbm>>
    tpu.wait_dma2 semaphore(%arg29 : memref<!tpu.dma_semaphore, #tpu.memory_space<semaphore_mem>>) src(%dma_wait3A_29 : memref<4000xi32, #tpu.memory_space<hbm>>) dst(%arg16 : memref<4000xi32, #tpu.memory_space<vmem>>)
    %add3A_30 = arith.constant 4000 : i32
    %add3A_31 = arith.addi %mul3A_2, %add3A_30 : i32
    %dma_start3A_32 = tpu.memref_slice %arg2[%add3A_31] : memref<640000xf32, #tpu.memory_space<hbm>> -> memref<4000xf32, #tpu.memory_space<hbm>>
    %dma_start3A_33 = tpu.memref_slice %arg2[%add3A_31] : memref<640000xf32, #tpu.memory_space<hbm>> -> memref<4000xf32, #tpu.memory_space<hbm>>
    tpu.enqueue_dma source(%dma_start3A_33 : memref<4000xf32, #tpu.memory_space<hbm>>) target(%arg11 : memref<4000xf32, #tpu.memory_space<vmem>>) target_semaphore(%arg30 : memref<!tpu.dma_semaphore, #tpu.memory_space<semaphore_mem>>)
    %dma_start3A_34 = tpu.memref_slice %arg3[%add3A_31] : memref<640000xf32, #tpu.memory_space<hbm>> -> memref<4000xf32, #tpu.memory_space<hbm>>
    %dma_start3A_35 = tpu.memref_slice %arg3[%add3A_31] : memref<640000xf32, #tpu.memory_space<hbm>> -> memref<4000xf32, #tpu.memory_space<hbm>>
    tpu.enqueue_dma source(%dma_start3A_35 : memref<4000xf32, #tpu.memory_space<hbm>>) target(%arg12 : memref<4000xf32, #tpu.memory_space<vmem>>) target_semaphore(%arg31 : memref<!tpu.dma_semaphore, #tpu.memory_space<semaphore_mem>>)
    %dma_start3A_36 = tpu.memref_slice %arg4[%add3A_31] : memref<640000xf32, #tpu.memory_space<hbm>> -> memref<4000xf32, #tpu.memory_space<hbm>>
    %dma_start3A_37 = tpu.memref_slice %arg4[%add3A_31] : memref<640000xf32, #tpu.memory_space<hbm>> -> memref<4000xf32, #tpu.memory_space<hbm>>
    tpu.enqueue_dma source(%dma_start3A_37 : memref<4000xf32, #tpu.memory_space<hbm>>) target(%arg13 : memref<4000xf32, #tpu.memory_space<vmem>>) target_semaphore(%arg32 : memref<!tpu.dma_semaphore, #tpu.memory_space<semaphore_mem>>)
    %dma_start3A_38 = tpu.memref_slice %arg5[%add3A_31] : memref<640000xi32, #tpu.memory_space<hbm>> -> memref<4000xi32, #tpu.memory_space<hbm>>
    %dma_start3A_39 = tpu.memref_slice %arg5[%add3A_31] : memref<640000xi32, #tpu.memory_space<hbm>> -> memref<4000xi32, #tpu.memory_space<hbm>>
    tpu.enqueue_dma source(%dma_start3A_39 : memref<4000xi32, #tpu.memory_space<hbm>>) target(%arg15 : memref<4000xi32, #tpu.memory_space<vmem>>) target_semaphore(%arg33 : memref<!tpu.dma_semaphore, #tpu.memory_space<semaphore_mem>>)
    %dma_start3A_40 = tpu.memref_slice %arg6[%add3A_31] : memref<640000xi32, #tpu.memory_space<hbm>> -> memref<4000xi32, #tpu.memory_space<hbm>>
    %dma_start3A_41 = tpu.memref_slice %arg6[%add3A_31] : memref<640000xi32, #tpu.memory_space<hbm>> -> memref<4000xi32, #tpu.memory_space<hbm>>
    tpu.enqueue_dma source(%dma_start3A_41 : memref<4000xi32, #tpu.memory_space<hbm>>) target(%arg17 : memref<4000xi32, #tpu.memory_space<vmem>>) target_semaphore(%arg34 : memref<!tpu.dma_semaphore, #tpu.memory_space<semaphore_mem>>)
    %parallel_loop3A_42 = arith.constant 0 : i32
    %parallel_loop3A_43 = arith.constant 250 : i32
    %parallel_loop3A_44 = arith.constant 1 : i32
    scf.for %parallel_loop3A_150 = %parallel_loop3A_42 to %parallel_loop3A_43 step %parallel_loop3A_44  : i32 {
      %parallel_loop3A_151 = arith.constant 16 : i32
      %parallel_loop3A_152 = arith.muli %parallel_loop3A_150, %parallel_loop3A_151 : i32
      %parallel_loop3A_153 = arith.index_cast %parallel_loop3A_152 : i32 to index
      %parallel_loop3A_154 = tpu.vector_load %arg8[%parallel_loop3A_153] {strides = array<i32>} : memref<4000xf32, #tpu.memory_space<vmem>>, vector<16xf32>,
      %parallel_loop3A_155 = arith.index_cast %parallel_loop3A_152 : i32 to index
      %parallel_loop3A_156 = tpu.vector_load %arg9[%parallel_loop3A_155] {strides = array<i32>} : memref<4000xf32, #tpu.memory_space<vmem>>, vector<16xf32>,
      %parallel_loop3A_157 = arith.index_cast %parallel_loop3A_152 : i32 to index
      %parallel_loop3A_158 = tpu.vector_load %arg10[%parallel_loop3A_157] {strides = array<i32>} : memref<4000xf32, #tpu.memory_space<vmem>>, vector<16xf32>,
      %parallel_loop3A_159 = arith.mulf %parallel_loop3A_154, %parallel_loop3A_154 : vector<16xf32>
      %parallel_loop3A_160 = arith.mulf %parallel_loop3A_156, %parallel_loop3A_156 : vector<16xf32>
      %parallel_loop3A_161 = arith.addf %parallel_loop3A_159, %parallel_loop3A_160 : vector<16xf32>
      %parallel_loop3A_162 = arith.mulf %parallel_loop3A_158, %parallel_loop3A_158 : vector<16xf32>
      %parallel_loop3A_163 = arith.addf %parallel_loop3A_161, %parallel_loop3A_162 : vector<16xf32>
      %parallel_loop3A_164 = arith.constant 0.00999999977 : f32
      %parallel_loop3A_165 = vector.broadcast %parallel_loop3A_164 : f32 to vector<16xf32>
      %parallel_loop3A_166 = arith.addf %parallel_loop3A_163, %parallel_loop3A_165 : vector<16xf32>
      %parallel_loop3A_167 = arith.constant 1.000000e+00 : f32
      %parallel_loop3A_168 = vector.broadcast %parallel_loop3A_167 : f32 to vector<16xf32>
      %parallel_loop3A_169 = arith.divf %parallel_loop3A_168, %parallel_loop3A_166 : vector<16xf32>
      %parallel_loop3A_170 = arith.mulf %parallel_loop3A_169, %parallel_loop3A_169 : vector<16xf32>
      %parallel_loop3A_171 = arith.mulf %parallel_loop3A_170, %parallel_loop3A_169 : vector<16xf32>
      %parallel_loop3A_172 = arith.mulf %parallel_loop3A_171, %parallel_loop3A_169 : vector<16xf32>
      %parallel_loop3A_173 = arith.constant 4.800000e+01 : f32
      %parallel_loop3A_174 = vector.broadcast %parallel_loop3A_173 : f32 to vector<16xf32>
      %parallel_loop3A_175 = arith.mulf %parallel_loop3A_174, %parallel_loop3A_171 : vector<16xf32>
      %parallel_loop3A_176 = arith.constant 2.400000e+01 : f32
      %parallel_loop3A_177 = vector.broadcast %parallel_loop3A_176 : f32 to vector<16xf32>
      %parallel_loop3A_178 = arith.subf %parallel_loop3A_177, %parallel_loop3A_175 : vector<16xf32>
      %parallel_loop3A_179 = arith.mulf %parallel_loop3A_172, %parallel_loop3A_178 : vector<16xf32>
      %parallel_loop3A_180 = arith.mulf %parallel_loop3A_179, %parallel_loop3A_154 : vector<16xf32>
      %parallel_loop3A_181 = arith.mulf %parallel_loop3A_179, %parallel_loop3A_156 : vector<16xf32>
      %parallel_loop3A_182 = arith.mulf %parallel_loop3A_179, %parallel_loop3A_158 : vector<16xf32>
      %parallel_loop3A_183 = arith.index_cast %parallel_loop3A_152 : i32 to index
      %parallel_loop3A_184 = tpu.vector_load %arg14[%parallel_loop3A_183] {strides = array<i32>} : memref<4000xi32, #tpu.memory_space<vmem>>, vector<16xi32>,
      %parallel_loop3A_185 = arith.index_cast %parallel_loop3A_152 : i32 to index
      %parallel_loop3A_186 = tpu.vector_load %arg16[%parallel_loop3A_185] {strides = array<i32>} : memref<4000xi32, #tpu.memory_space<vmem>>, vector<16xi32>,
      tpu.vector_store_idx %arg18[%parallel_loop3A_184], %parallel_loop3A_180 {add = true} : memref<10000xf32, #tpu.memory_space<vmem>>[vector<16xi32>], vector<16xf32>,
      tpu.vector_store_idx %arg19[%parallel_loop3A_184], %parallel_loop3A_181 {add = true} : memref<10000xf32, #tpu.memory_space<vmem>>[vector<16xi32>], vector<16xf32>,
      tpu.vector_store_idx %arg20[%parallel_loop3A_184], %parallel_loop3A_182 {add = true} : memref<10000xf32, #tpu.memory_space<vmem>>[vector<16xi32>], vector<16xf32>,
      %parallel_loop3A_187 = arith.constant 0.000000e+00 : f32
      %parallel_loop3A_188 = vector.broadcast %parallel_loop3A_187 : f32 to vector<16xf32>
      %parallel_loop3A_189 = arith.subf %parallel_loop3A_188, %parallel_loop3A_180 : vector<16xf32>
      tpu.vector_store_idx %arg18[%parallel_loop3A_186], %parallel_loop3A_189 {add = true} : memref<10000xf32, #tpu.memory_space<vmem>>[vector<16xi32>], vector<16xf32>,
      %parallel_loop3A_190 = arith.constant 0.000000e+00 : f32
      %parallel_loop3A_191 = vector.broadcast %parallel_loop3A_190 : f32 to vector<16xf32>
      %parallel_loop3A_192 = arith.subf %parallel_loop3A_191, %parallel_loop3A_181 : vector<16xf32>
      tpu.vector_store_idx %arg19[%parallel_loop3A_186], %parallel_loop3A_192 {add = true} : memref<10000xf32, #tpu.memory_space<vmem>>[vector<16xi32>], vector<16xf32>,
      %parallel_loop3A_193 = arith.constant 0.000000e+00 : f32
      %parallel_loop3A_194 = vector.broadcast %parallel_loop3A_193 : f32 to vector<16xf32>
      %parallel_loop3A_195 = arith.subf %parallel_loop3A_194, %parallel_loop3A_182 : vector<16xf32>
      tpu.vector_store_idx %arg20[%parallel_loop3A_186], %parallel_loop3A_195 {add = true} : memref<10000xf32, #tpu.memory_space<vmem>>[vector<16xi32>], vector<16xf32>,
    } {sc.loop_unroll_factor = 5 : i64, sc.parallel_access}
    %dma_wait3A_45 = tpu.memref_slice %arg2[%add3A_31] : memref<640000xf32, #tpu.memory_space<hbm>> -> memref<4000xf32, #tpu.memory_space<hbm>>
    %dma_wait3A_46 = tpu.memref_slice %arg2[%add3A_31] : memref<640000xf32, #tpu.memory_space<hbm>> -> memref<4000xf32, #tpu.memory_space<hbm>>
    tpu.wait_dma2 semaphore(%arg30 : memref<!tpu.dma_semaphore, #tpu.memory_space<semaphore_mem>>) src(%dma_wait3A_46 : memref<4000xf32, #tpu.memory_space<hbm>>) dst(%arg11 : memref<4000xf32, #tpu.memory_space<vmem>>)
    %dma_wait3A_47 = tpu.memref_slice %arg3[%add3A_31] : memref<640000xf32, #tpu.memory_space<hbm>> -> memref<4000xf32, #tpu.memory_space<hbm>>
    %dma_wait3A_48 = tpu.memref_slice %arg3[%add3A_31] : memref<640000xf32, #tpu.memory_space<hbm>> -> memref<4000xf32, #tpu.memory_space<hbm>>
    tpu.wait_dma2 semaphore(%arg31 : memref<!tpu.dma_semaphore, #tpu.memory_space<semaphore_mem>>) src(%dma_wait3A_48 : memref<4000xf32, #tpu.memory_space<hbm>>) dst(%arg12 : memref<4000xf32, #tpu.memory_space<vmem>>)
    %dma_wait3A_49 = tpu.memref_slice %arg4[%add3A_31] : memref<640000xf32, #tpu.memory_space<hbm>> -> memref<4000xf32, #tpu.memory_space<hbm>>
    %dma_wait3A_50 = tpu.memref_slice %arg4[%add3A_31] : memref<640000xf32, #tpu.memory_space<hbm>> -> memref<4000xf32, #tpu.memory_space<hbm>>
    tpu.wait_dma2 semaphore(%arg32 : memref<!tpu.dma_semaphore, #tpu.memory_space<semaphore_mem>>) src(%dma_wait3A_50 : memref<4000xf32, #tpu.memory_space<hbm>>) dst(%arg13 : memref<4000xf32, #tpu.memory_space<vmem>>)
    %dma_wait3A_51 = tpu.memref_slice %arg5[%add3A_31] : memref<640000xi32, #tpu.memory_space<hbm>> -> memref<4000xi32, #tpu.memory_space<hbm>>
    %dma_wait3A_52 = tpu.memref_slice %arg5[%add3A_31] : memref<640000xi32, #tpu.memory_space<hbm>> -> memref<4000xi32, #tpu.memory_space<hbm>>
    tpu.wait_dma2 semaphore(%arg33 : memref<!tpu.dma_semaphore, #tpu.memory_space<semaphore_mem>>) src(%dma_wait3A_52 : memref<4000xi32, #tpu.memory_space<hbm>>) dst(%arg15 : memref<4000xi32, #tpu.memory_space<vmem>>)
    %dma_wait3A_53 = tpu.memref_slice %arg6[%add3A_31] : memref<640000xi32, #tpu.memory_space<hbm>> -> memref<4000xi32, #tpu.memory_space<hbm>>
    %dma_wait3A_54 = tpu.memref_slice %arg6[%add3A_31] : memref<640000xi32, #tpu.memory_space<hbm>> -> memref<4000xi32, #tpu.memory_space<hbm>>
    tpu.wait_dma2 semaphore(%arg34 : memref<!tpu.dma_semaphore, #tpu.memory_space<semaphore_mem>>) src(%dma_wait3A_54 : memref<4000xi32, #tpu.memory_space<hbm>>) dst(%arg17 : memref<4000xi32, #tpu.memory_space<vmem>>)
    %add3A_55 = arith.constant 8000 : i32
    %add3A_56 = arith.addi %mul3A_2, %add3A_55 : i32
    %dma_start3A_57 = tpu.memref_slice %arg2[%add3A_56] : memref<640000xf32, #tpu.memory_space<hbm>> -> memref<4000xf32, #tpu.memory_space<hbm>>
    %dma_start3A_58 = tpu.memref_slice %arg2[%add3A_56] : memref<640000xf32, #tpu.memory_space<hbm>> -> memref<4000xf32, #tpu.memory_space<hbm>>
    tpu.enqueue_dma source(%dma_start3A_58 : memref<4000xf32, #tpu.memory_space<hbm>>) target(%arg8 : memref<4000xf32, #tpu.memory_space<vmem>>) target_semaphore(%arg25 : memref<!tpu.dma_semaphore, #tpu.memory_space<semaphore_mem>>)
    %dma_start3A_59 = tpu.memref_slice %arg3[%add3A_56] : memref<640000xf32, #tpu.memory_space<hbm>> -> memref<4000xf32, #tpu.memory_space<hbm>>
    %dma_start3A_60 = tpu.memref_slice %arg3[%add3A_56] : memref<640000xf32, #tpu.memory_space<hbm>> -> memref<4000xf32, #tpu.memory_space<hbm>>
    tpu.enqueue_dma source(%dma_start3A_60 : memref<4000xf32, #tpu.memory_space<hbm>>) target(%arg9 : memref<4000xf32, #tpu.memory_space<vmem>>) target_semaphore(%arg26 : memref<!tpu.dma_semaphore, #tpu.memory_space<semaphore_mem>>)
    %dma_start3A_61 = tpu.memref_slice %arg4[%add3A_56] : memref<640000xf32, #tpu.memory_space<hbm>> -> memref<4000xf32, #tpu.memory_space<hbm>>
    %dma_start3A_62 = tpu.memref_slice %arg4[%add3A_56] : memref<640000xf32, #tpu.memory_space<hbm>> -> memref<4000xf32, #tpu.memory_space<hbm>>
    tpu.enqueue_dma source(%dma_start3A_62 : memref<4000xf32, #tpu.memory_space<hbm>>) target(%arg10 : memref<4000xf32, #tpu.memory_space<vmem>>) target_semaphore(%arg27 : memref<!tpu.dma_semaphore, #tpu.memory_space<semaphore_mem>>)
    %dma_start3A_63 = tpu.memref_slice %arg5[%add3A_56] : memref<640000xi32, #tpu.memory_space<hbm>> -> memref<4000xi32, #tpu.memory_space<hbm>>
    %dma_start3A_64 = tpu.memref_slice %arg5[%add3A_56] : memref<640000xi32, #tpu.memory_space<hbm>> -> memref<4000xi32, #tpu.memory_space<hbm>>
    tpu.enqueue_dma source(%dma_start3A_64 : memref<4000xi32, #tpu.memory_space<hbm>>) target(%arg14 : memref<4000xi32, #tpu.memory_space<vmem>>) target_semaphore(%arg28 : memref<!tpu.dma_semaphore, #tpu.memory_space<semaphore_mem>>)
    %dma_start3A_65 = tpu.memref_slice %arg6[%add3A_56] : memref<640000xi32, #tpu.memory_space<hbm>> -> memref<4000xi32, #tpu.memory_space<hbm>>
    %dma_start3A_66 = tpu.memref_slice %arg6[%add3A_56] : memref<640000xi32, #tpu.memory_space<hbm>> -> memref<4000xi32, #tpu.memory_space<hbm>>
    tpu.enqueue_dma source(%dma_start3A_66 : memref<4000xi32, #tpu.memory_space<hbm>>) target(%arg16 : memref<4000xi32, #tpu.memory_space<vmem>>) target_semaphore(%arg29 : memref<!tpu.dma_semaphore, #tpu.memory_space<semaphore_mem>>)
    %parallel_loop3A_67 = arith.constant 0 : i32
    %parallel_loop3A_68 = arith.constant 250 : i32
    %parallel_loop3A_69 = arith.constant 1 : i32
    scf.for %parallel_loop3A_150 = %parallel_loop3A_67 to %parallel_loop3A_68 step %parallel_loop3A_69  : i32 {
      %parallel_loop3A_151 = arith.constant 16 : i32
      %parallel_loop3A_152 = arith.muli %parallel_loop3A_150, %parallel_loop3A_151 : i32
      %parallel_loop3A_153 = arith.index_cast %parallel_loop3A_152 : i32 to index
      %parallel_loop3A_154 = tpu.vector_load %arg11[%parallel_loop3A_153] {strides = array<i32>} : memref<4000xf32, #tpu.memory_space<vmem>>, vector<16xf32>,
      %parallel_loop3A_155 = arith.index_cast %parallel_loop3A_152 : i32 to index
      %parallel_loop3A_156 = tpu.vector_load %arg12[%parallel_loop3A_155] {strides = array<i32>} : memref<4000xf32, #tpu.memory_space<vmem>>, vector<16xf32>,
      %parallel_loop3A_157 = arith.index_cast %parallel_loop3A_152 : i32 to index
      %parallel_loop3A_158 = tpu.vector_load %arg13[%parallel_loop3A_157] {strides = array<i32>} : memref<4000xf32, #tpu.memory_space<vmem>>, vector<16xf32>,
      %parallel_loop3A_159 = arith.mulf %parallel_loop3A_154, %parallel_loop3A_154 : vector<16xf32>
      %parallel_loop3A_160 = arith.mulf %parallel_loop3A_156, %parallel_loop3A_156 : vector<16xf32>
      %parallel_loop3A_161 = arith.addf %parallel_loop3A_159, %parallel_loop3A_160 : vector<16xf32>
      %parallel_loop3A_162 = arith.mulf %parallel_loop3A_158, %parallel_loop3A_158 : vector<16xf32>
      %parallel_loop3A_163 = arith.addf %parallel_loop3A_161, %parallel_loop3A_162 : vector<16xf32>
      %parallel_loop3A_164 = arith.constant 0.00999999977 : f32
      %parallel_loop3A_165 = vector.broadcast %parallel_loop3A_164 : f32 to vector<16xf32>
      %parallel_loop3A_166 = arith.addf %parallel_loop3A_163, %parallel_loop3A_165 : vector<16xf32>
      %parallel_loop3A_167 = arith.constant 1.000000e+00 : f32
      %parallel_loop3A_168 = vector.broadcast %parallel_loop3A_167 : f32 to vector<16xf32>
      %parallel_loop3A_169 = arith.divf %parallel_loop3A_168, %parallel_loop3A_166 : vector<16xf32>
      %parallel_loop3A_170 = arith.mulf %parallel_loop3A_169, %parallel_loop3A_169 : vector<16xf32>
      %parallel_loop3A_171 = arith.mulf %parallel_loop3A_170, %parallel_loop3A_169 : vector<16xf32>
      %parallel_loop3A_172 = arith.mulf %parallel_loop3A_171, %parallel_loop3A_169 : vector<16xf32>
      %parallel_loop3A_173 = arith.constant 4.800000e+01 : f32
      %parallel_loop3A_174 = vector.broadcast %parallel_loop3A_173 : f32 to vector<16xf32>
      %parallel_loop3A_175 = arith.mulf %parallel_loop3A_174, %parallel_loop3A_171 : vector<16xf32>
      %parallel_loop3A_176 = arith.constant 2.400000e+01 : f32
      %parallel_loop3A_177 = vector.broadcast %parallel_loop3A_176 : f32 to vector<16xf32>
      %parallel_loop3A_178 = arith.subf %parallel_loop3A_177, %parallel_loop3A_175 : vector<16xf32>
      %parallel_loop3A_179 = arith.mulf %parallel_loop3A_172, %parallel_loop3A_178 : vector<16xf32>
      %parallel_loop3A_180 = arith.mulf %parallel_loop3A_179, %parallel_loop3A_154 : vector<16xf32>
      %parallel_loop3A_181 = arith.mulf %parallel_loop3A_179, %parallel_loop3A_156 : vector<16xf32>
      %parallel_loop3A_182 = arith.mulf %parallel_loop3A_179, %parallel_loop3A_158 : vector<16xf32>
      %parallel_loop3A_183 = arith.index_cast %parallel_loop3A_152 : i32 to index
      %parallel_loop3A_184 = tpu.vector_load %arg15[%parallel_loop3A_183] {strides = array<i32>} : memref<4000xi32, #tpu.memory_space<vmem>>, vector<16xi32>,
      %parallel_loop3A_185 = arith.index_cast %parallel_loop3A_152 : i32 to index
      %parallel_loop3A_186 = tpu.vector_load %arg17[%parallel_loop3A_185] {strides = array<i32>} : memref<4000xi32, #tpu.memory_space<vmem>>, vector<16xi32>,
      tpu.vector_store_idx %arg18[%parallel_loop3A_184], %parallel_loop3A_180 {add = true} : memref<10000xf32, #tpu.memory_space<vmem>>[vector<16xi32>], vector<16xf32>,
      tpu.vector_store_idx %arg19[%parallel_loop3A_184], %parallel_loop3A_181 {add = true} : memref<10000xf32, #tpu.memory_space<vmem>>[vector<16xi32>], vector<16xf32>,
      tpu.vector_store_idx %arg20[%parallel_loop3A_184], %parallel_loop3A_182 {add = true} : memref<10000xf32, #tpu.memory_space<vmem>>[vector<16xi32>], vector<16xf32>,
      %parallel_loop3A_187 = arith.constant 0.000000e+00 : f32
      %parallel_loop3A_188 = vector.broadcast %parallel_loop3A_187 : f32 to vector<16xf32>
      %parallel_loop3A_189 = arith.subf %parallel_loop3A_188, %parallel_loop3A_180 : vector<16xf32>
      tpu.vector_store_idx %arg18[%parallel_loop3A_186], %parallel_loop3A_189 {add = true} : memref<10000xf32, #tpu.memory_space<vmem>>[vector<16xi32>], vector<16xf32>,
      %parallel_loop3A_190 = arith.constant 0.000000e+00 : f32
      %parallel_loop3A_191 = vector.broadcast %parallel_loop3A_190 : f32 to vector<16xf32>
      %parallel_loop3A_192 = arith.subf %parallel_loop3A_191, %parallel_loop3A_181 : vector<16xf32>
      tpu.vector_store_idx %arg19[%parallel_loop3A_186], %parallel_loop3A_192 {add = true} : memref<10000xf32, #tpu.memory_space<vmem>>[vector<16xi32>], vector<16xf32>,
      %parallel_loop3A_193 = arith.constant 0.000000e+00 : f32
      %parallel_loop3A_194 = vector.broadcast %parallel_loop3A_193 : f32 to vector<16xf32>
      %parallel_loop3A_195 = arith.subf %parallel_loop3A_194, %parallel_loop3A_182 : vector<16xf32>
      tpu.vector_store_idx %arg20[%parallel_loop3A_186], %parallel_loop3A_195 {add = true} : memref<10000xf32, #tpu.memory_space<vmem>>[vector<16xi32>], vector<16xf32>,
    } {sc.loop_unroll_factor = 5 : i64, sc.parallel_access}
    %dma_wait3A_70 = tpu.memref_slice %arg2[%add3A_56] : memref<640000xf32, #tpu.memory_space<hbm>> -> memref<4000xf32, #tpu.memory_space<hbm>>
    %dma_wait3A_71 = tpu.memref_slice %arg2[%add3A_56] : memref<640000xf32, #tpu.memory_space<hbm>> -> memref<4000xf32, #tpu.memory_space<hbm>>
    tpu.wait_dma2 semaphore(%arg25 : memref<!tpu.dma_semaphore, #tpu.memory_space<semaphore_mem>>) src(%dma_wait3A_71 : memref<4000xf32, #tpu.memory_space<hbm>>) dst(%arg8 : memref<4000xf32, #tpu.memory_space<vmem>>)
    %dma_wait3A_72 = tpu.memref_slice %arg3[%add3A_56] : memref<640000xf32, #tpu.memory_space<hbm>> -> memref<4000xf32, #tpu.memory_space<hbm>>
    %dma_wait3A_73 = tpu.memref_slice %arg3[%add3A_56] : memref<640000xf32, #tpu.memory_space<hbm>> -> memref<4000xf32, #tpu.memory_space<hbm>>
    tpu.wait_dma2 semaphore(%arg26 : memref<!tpu.dma_semaphore, #tpu.memory_space<semaphore_mem>>) src(%dma_wait3A_73 : memref<4000xf32, #tpu.memory_space<hbm>>) dst(%arg9 : memref<4000xf32, #tpu.memory_space<vmem>>)
    %dma_wait3A_74 = tpu.memref_slice %arg4[%add3A_56] : memref<640000xf32, #tpu.memory_space<hbm>> -> memref<4000xf32, #tpu.memory_space<hbm>>
    %dma_wait3A_75 = tpu.memref_slice %arg4[%add3A_56] : memref<640000xf32, #tpu.memory_space<hbm>> -> memref<4000xf32, #tpu.memory_space<hbm>>
    tpu.wait_dma2 semaphore(%arg27 : memref<!tpu.dma_semaphore, #tpu.memory_space<semaphore_mem>>) src(%dma_wait3A_75 : memref<4000xf32, #tpu.memory_space<hbm>>) dst(%arg10 : memref<4000xf32, #tpu.memory_space<vmem>>)
    %dma_wait3A_76 = tpu.memref_slice %arg5[%add3A_56] : memref<640000xi32, #tpu.memory_space<hbm>> -> memref<4000xi32, #tpu.memory_space<hbm>>
    %dma_wait3A_77 = tpu.memref_slice %arg5[%add3A_56] : memref<640000xi32, #tpu.memory_space<hbm>> -> memref<4000xi32, #tpu.memory_space<hbm>>
    tpu.wait_dma2 semaphore(%arg28 : memref<!tpu.dma_semaphore, #tpu.memory_space<semaphore_mem>>) src(%dma_wait3A_77 : memref<4000xi32, #tpu.memory_space<hbm>>) dst(%arg14 : memref<4000xi32, #tpu.memory_space<vmem>>)
    %dma_wait3A_78 = tpu.memref_slice %arg6[%add3A_56] : memref<640000xi32, #tpu.memory_space<hbm>> -> memref<4000xi32, #tpu.memory_space<hbm>>
    %dma_wait3A_79 = tpu.memref_slice %arg6[%add3A_56] : memref<640000xi32, #tpu.memory_space<hbm>> -> memref<4000xi32, #tpu.memory_space<hbm>>
    tpu.wait_dma2 semaphore(%arg29 : memref<!tpu.dma_semaphore, #tpu.memory_space<semaphore_mem>>) src(%dma_wait3A_79 : memref<4000xi32, #tpu.memory_space<hbm>>) dst(%arg16 : memref<4000xi32, #tpu.memory_space<vmem>>)
    %add3A_80 = arith.constant 12000 : i32
    %add3A_81 = arith.addi %mul3A_2, %add3A_80 : i32
    %dma_start3A_82 = tpu.memref_slice %arg2[%add3A_81] : memref<640000xf32, #tpu.memory_space<hbm>> -> memref<4000xf32, #tpu.memory_space<hbm>>
    %dma_start3A_83 = tpu.memref_slice %arg2[%add3A_81] : memref<640000xf32, #tpu.memory_space<hbm>> -> memref<4000xf32, #tpu.memory_space<hbm>>
    tpu.enqueue_dma source(%dma_start3A_83 : memref<4000xf32, #tpu.memory_space<hbm>>) target(%arg11 : memref<4000xf32, #tpu.memory_space<vmem>>) target_semaphore(%arg30 : memref<!tpu.dma_semaphore, #tpu.memory_space<semaphore_mem>>)
    %dma_start3A_84 = tpu.memref_slice %arg3[%add3A_81] : memref<640000xf32, #tpu.memory_space<hbm>> -> memref<4000xf32, #tpu.memory_space<hbm>>
    %dma_start3A_85 = tpu.memref_slice %arg3[%add3A_81] : memref<640000xf32, #tpu.memory_space<hbm>> -> memref<4000xf32, #tpu.memory_space<hbm>>
    tpu.enqueue_dma source(%dma_start3A_85 : memref<4000xf32, #tpu.memory_space<hbm>>) target(%arg12 : memref<4000xf32, #tpu.memory_space<vmem>>) target_semaphore(%arg31 : memref<!tpu.dma_semaphore, #tpu.memory_space<semaphore_mem>>)
    %dma_start3A_86 = tpu.memref_slice %arg4[%add3A_81] : memref<640000xf32, #tpu.memory_space<hbm>> -> memref<4000xf32, #tpu.memory_space<hbm>>
    %dma_start3A_87 = tpu.memref_slice %arg4[%add3A_81] : memref<640000xf32, #tpu.memory_space<hbm>> -> memref<4000xf32, #tpu.memory_space<hbm>>
    tpu.enqueue_dma source(%dma_start3A_87 : memref<4000xf32, #tpu.memory_space<hbm>>) target(%arg13 : memref<4000xf32, #tpu.memory_space<vmem>>) target_semaphore(%arg32 : memref<!tpu.dma_semaphore, #tpu.memory_space<semaphore_mem>>)
    %dma_start3A_88 = tpu.memref_slice %arg5[%add3A_81] : memref<640000xi32, #tpu.memory_space<hbm>> -> memref<4000xi32, #tpu.memory_space<hbm>>
    %dma_start3A_89 = tpu.memref_slice %arg5[%add3A_81] : memref<640000xi32, #tpu.memory_space<hbm>> -> memref<4000xi32, #tpu.memory_space<hbm>>
    tpu.enqueue_dma source(%dma_start3A_89 : memref<4000xi32, #tpu.memory_space<hbm>>) target(%arg15 : memref<4000xi32, #tpu.memory_space<vmem>>) target_semaphore(%arg33 : memref<!tpu.dma_semaphore, #tpu.memory_space<semaphore_mem>>)
    %dma_start3A_90 = tpu.memref_slice %arg6[%add3A_81] : memref<640000xi32, #tpu.memory_space<hbm>> -> memref<4000xi32, #tpu.memory_space<hbm>>
    %dma_start3A_91 = tpu.memref_slice %arg6[%add3A_81] : memref<640000xi32, #tpu.memory_space<hbm>> -> memref<4000xi32, #tpu.memory_space<hbm>>
    tpu.enqueue_dma source(%dma_start3A_91 : memref<4000xi32, #tpu.memory_space<hbm>>) target(%arg17 : memref<4000xi32, #tpu.memory_space<vmem>>) target_semaphore(%arg34 : memref<!tpu.dma_semaphore, #tpu.memory_space<semaphore_mem>>)
    %parallel_loop3A_92 = arith.constant 0 : i32
    %parallel_loop3A_93 = arith.constant 250 : i32
    %parallel_loop3A_94 = arith.constant 1 : i32
    scf.for %parallel_loop3A_150 = %parallel_loop3A_92 to %parallel_loop3A_93 step %parallel_loop3A_94  : i32 {
      %parallel_loop3A_151 = arith.constant 16 : i32
      %parallel_loop3A_152 = arith.muli %parallel_loop3A_150, %parallel_loop3A_151 : i32
      %parallel_loop3A_153 = arith.index_cast %parallel_loop3A_152 : i32 to index
      %parallel_loop3A_154 = tpu.vector_load %arg8[%parallel_loop3A_153] {strides = array<i32>} : memref<4000xf32, #tpu.memory_space<vmem>>, vector<16xf32>,
      %parallel_loop3A_155 = arith.index_cast %parallel_loop3A_152 : i32 to index
      %parallel_loop3A_156 = tpu.vector_load %arg9[%parallel_loop3A_155] {strides = array<i32>} : memref<4000xf32, #tpu.memory_space<vmem>>, vector<16xf32>,
      %parallel_loop3A_157 = arith.index_cast %parallel_loop3A_152 : i32 to index
      %parallel_loop3A_158 = tpu.vector_load %arg10[%parallel_loop3A_157] {strides = array<i32>} : memref<4000xf32, #tpu.memory_space<vmem>>, vector<16xf32>,
      %parallel_loop3A_159 = arith.mulf %parallel_loop3A_154, %parallel_loop3A_154 : vector<16xf32>
      %parallel_loop3A_160 = arith.mulf %parallel_loop3A_156, %parallel_loop3A_156 : vector<16xf32>
      %parallel_loop3A_161 = arith.addf %parallel_loop3A_159, %parallel_loop3A_160 : vector<16xf32>
      %parallel_loop3A_162 = arith.mulf %parallel_loop3A_158, %parallel_loop3A_158 : vector<16xf32>
      %parallel_loop3A_163 = arith.addf %parallel_loop3A_161, %parallel_loop3A_162 : vector<16xf32>
      %parallel_loop3A_164 = arith.constant 0.00999999977 : f32
      %parallel_loop3A_165 = vector.broadcast %parallel_loop3A_164 : f32 to vector<16xf32>
      %parallel_loop3A_166 = arith.addf %parallel_loop3A_163, %parallel_loop3A_165 : vector<16xf32>
      %parallel_loop3A_167 = arith.constant 1.000000e+00 : f32
      %parallel_loop3A_168 = vector.broadcast %parallel_loop3A_167 : f32 to vector<16xf32>
      %parallel_loop3A_169 = arith.divf %parallel_loop3A_168, %parallel_loop3A_166 : vector<16xf32>
      %parallel_loop3A_170 = arith.mulf %parallel_loop3A_169, %parallel_loop3A_169 : vector<16xf32>
      %parallel_loop3A_171 = arith.mulf %parallel_loop3A_170, %parallel_loop3A_169 : vector<16xf32>
      %parallel_loop3A_172 = arith.mulf %parallel_loop3A_171, %parallel_loop3A_169 : vector<16xf32>
      %parallel_loop3A_173 = arith.constant 4.800000e+01 : f32
      %parallel_loop3A_174 = vector.broadcast %parallel_loop3A_173 : f32 to vector<16xf32>
      %parallel_loop3A_175 = arith.mulf %parallel_loop3A_174, %parallel_loop3A_171 : vector<16xf32>
      %parallel_loop3A_176 = arith.constant 2.400000e+01 : f32
      %parallel_loop3A_177 = vector.broadcast %parallel_loop3A_176 : f32 to vector<16xf32>
      %parallel_loop3A_178 = arith.subf %parallel_loop3A_177, %parallel_loop3A_175 : vector<16xf32>
      %parallel_loop3A_179 = arith.mulf %parallel_loop3A_172, %parallel_loop3A_178 : vector<16xf32>
      %parallel_loop3A_180 = arith.mulf %parallel_loop3A_179, %parallel_loop3A_154 : vector<16xf32>
      %parallel_loop3A_181 = arith.mulf %parallel_loop3A_179, %parallel_loop3A_156 : vector<16xf32>
      %parallel_loop3A_182 = arith.mulf %parallel_loop3A_179, %parallel_loop3A_158 : vector<16xf32>
      %parallel_loop3A_183 = arith.index_cast %parallel_loop3A_152 : i32 to index
      %parallel_loop3A_184 = tpu.vector_load %arg14[%parallel_loop3A_183] {strides = array<i32>} : memref<4000xi32, #tpu.memory_space<vmem>>, vector<16xi32>,
      %parallel_loop3A_185 = arith.index_cast %parallel_loop3A_152 : i32 to index
      %parallel_loop3A_186 = tpu.vector_load %arg16[%parallel_loop3A_185] {strides = array<i32>} : memref<4000xi32, #tpu.memory_space<vmem>>, vector<16xi32>,
      tpu.vector_store_idx %arg18[%parallel_loop3A_184], %parallel_loop3A_180 {add = true} : memref<10000xf32, #tpu.memory_space<vmem>>[vector<16xi32>], vector<16xf32>,
      tpu.vector_store_idx %arg19[%parallel_loop3A_184], %parallel_loop3A_181 {add = true} : memref<10000xf32, #tpu.memory_space<vmem>>[vector<16xi32>], vector<16xf32>,
      tpu.vector_store_idx %arg20[%parallel_loop3A_184], %parallel_loop3A_182 {add = true} : memref<10000xf32, #tpu.memory_space<vmem>>[vector<16xi32>], vector<16xf32>,
      %parallel_loop3A_187 = arith.constant 0.000000e+00 : f32
      %parallel_loop3A_188 = vector.broadcast %parallel_loop3A_187 : f32 to vector<16xf32>
      %parallel_loop3A_189 = arith.subf %parallel_loop3A_188, %parallel_loop3A_180 : vector<16xf32>
      tpu.vector_store_idx %arg18[%parallel_loop3A_186], %parallel_loop3A_189 {add = true} : memref<10000xf32, #tpu.memory_space<vmem>>[vector<16xi32>], vector<16xf32>,
      %parallel_loop3A_190 = arith.constant 0.000000e+00 : f32
      %parallel_loop3A_191 = vector.broadcast %parallel_loop3A_190 : f32 to vector<16xf32>
      %parallel_loop3A_192 = arith.subf %parallel_loop3A_191, %parallel_loop3A_181 : vector<16xf32>
      tpu.vector_store_idx %arg19[%parallel_loop3A_186], %parallel_loop3A_192 {add = true} : memref<10000xf32, #tpu.memory_space<vmem>>[vector<16xi32>], vector<16xf32>,
      %parallel_loop3A_193 = arith.constant 0.000000e+00 : f32
      %parallel_loop3A_194 = vector.broadcast %parallel_loop3A_193 : f32 to vector<16xf32>
      %parallel_loop3A_195 = arith.subf %parallel_loop3A_194, %parallel_loop3A_182 : vector<16xf32>
      tpu.vector_store_idx %arg20[%parallel_loop3A_186], %parallel_loop3A_195 {add = true} : memref<10000xf32, #tpu.memory_space<vmem>>[vector<16xi32>], vector<16xf32>,
    } {sc.loop_unroll_factor = 5 : i64, sc.parallel_access}
    %dma_wait3A_95 = tpu.memref_slice %arg2[%add3A_81] : memref<640000xf32, #tpu.memory_space<hbm>> -> memref<4000xf32, #tpu.memory_space<hbm>>
    %dma_wait3A_96 = tpu.memref_slice %arg2[%add3A_81] : memref<640000xf32, #tpu.memory_space<hbm>> -> memref<4000xf32, #tpu.memory_space<hbm>>
    tpu.wait_dma2 semaphore(%arg30 : memref<!tpu.dma_semaphore, #tpu.memory_space<semaphore_mem>>) src(%dma_wait3A_96 : memref<4000xf32, #tpu.memory_space<hbm>>) dst(%arg11 : memref<4000xf32, #tpu.memory_space<vmem>>)
    %dma_wait3A_97 = tpu.memref_slice %arg3[%add3A_81] : memref<640000xf32, #tpu.memory_space<hbm>> -> memref<4000xf32, #tpu.memory_space<hbm>>
    %dma_wait3A_98 = tpu.memref_slice %arg3[%add3A_81] : memref<640000xf32, #tpu.memory_space<hbm>> -> memref<4000xf32, #tpu.memory_space<hbm>>
    tpu.wait_dma2 semaphore(%arg31 : memref<!tpu.dma_semaphore, #tpu.memory_space<semaphore_mem>>) src(%dma_wait3A_98 : memref<4000xf32, #tpu.memory_space<hbm>>) dst(%arg12 : memref<4000xf32, #tpu.memory_space<vmem>>)
    %dma_wait3A_99 = tpu.memref_slice %arg4[%add3A_81] : memref<640000xf32, #tpu.memory_space<hbm>> -> memref<4000xf32, #tpu.memory_space<hbm>>
    %dma_wait3A_100 = tpu.memref_slice %arg4[%add3A_81] : memref<640000xf32, #tpu.memory_space<hbm>> -> memref<4000xf32, #tpu.memory_space<hbm>>
    tpu.wait_dma2 semaphore(%arg32 : memref<!tpu.dma_semaphore, #tpu.memory_space<semaphore_mem>>) src(%dma_wait3A_100 : memref<4000xf32, #tpu.memory_space<hbm>>) dst(%arg13 : memref<4000xf32, #tpu.memory_space<vmem>>)
    %dma_wait3A_101 = tpu.memref_slice %arg5[%add3A_81] : memref<640000xi32, #tpu.memory_space<hbm>> -> memref<4000xi32, #tpu.memory_space<hbm>>
    %dma_wait3A_102 = tpu.memref_slice %arg5[%add3A_81] : memref<640000xi32, #tpu.memory_space<hbm>> -> memref<4000xi32, #tpu.memory_space<hbm>>
    tpu.wait_dma2 semaphore(%arg33 : memref<!tpu.dma_semaphore, #tpu.memory_space<semaphore_mem>>) src(%dma_wait3A_102 : memref<4000xi32, #tpu.memory_space<hbm>>) dst(%arg15 : memref<4000xi32, #tpu.memory_space<vmem>>)
    %dma_wait3A_103 = tpu.memref_slice %arg6[%add3A_81] : memref<640000xi32, #tpu.memory_space<hbm>> -> memref<4000xi32, #tpu.memory_space<hbm>>
    %dma_wait3A_104 = tpu.memref_slice %arg6[%add3A_81] : memref<640000xi32, #tpu.memory_space<hbm>> -> memref<4000xi32, #tpu.memory_space<hbm>>
    tpu.wait_dma2 semaphore(%arg34 : memref<!tpu.dma_semaphore, #tpu.memory_space<semaphore_mem>>) src(%dma_wait3A_104 : memref<4000xi32, #tpu.memory_space<hbm>>) dst(%arg17 : memref<4000xi32, #tpu.memory_space<vmem>>)
    %add3A_105 = arith.constant 16000 : i32
    %add3A_106 = arith.addi %mul3A_2, %add3A_105 : i32
    %dma_start3A_107 = tpu.memref_slice %arg2[%add3A_106] : memref<640000xf32, #tpu.memory_space<hbm>> -> memref<4000xf32, #tpu.memory_space<hbm>>
    %dma_start3A_108 = tpu.memref_slice %arg2[%add3A_106] : memref<640000xf32, #tpu.memory_space<hbm>> -> memref<4000xf32, #tpu.memory_space<hbm>>
    tpu.enqueue_dma source(%dma_start3A_108 : memref<4000xf32, #tpu.memory_space<hbm>>) target(%arg8 : memref<4000xf32, #tpu.memory_space<vmem>>) target_semaphore(%arg25 : memref<!tpu.dma_semaphore, #tpu.memory_space<semaphore_mem>>)
    %dma_start3A_109 = tpu.memref_slice %arg3[%add3A_106] : memref<640000xf32, #tpu.memory_space<hbm>> -> memref<4000xf32, #tpu.memory_space<hbm>>
    %dma_start3A_110 = tpu.memref_slice %arg3[%add3A_106] : memref<640000xf32, #tpu.memory_space<hbm>> -> memref<4000xf32, #tpu.memory_space<hbm>>
    tpu.enqueue_dma source(%dma_start3A_110 : memref<4000xf32, #tpu.memory_space<hbm>>) target(%arg9 : memref<4000xf32, #tpu.memory_space<vmem>>) target_semaphore(%arg26 : memref<!tpu.dma_semaphore, #tpu.memory_space<semaphore_mem>>)
    %dma_start3A_111 = tpu.memref_slice %arg4[%add3A_106] : memref<640000xf32, #tpu.memory_space<hbm>> -> memref<4000xf32, #tpu.memory_space<hbm>>
    %dma_start3A_112 = tpu.memref_slice %arg4[%add3A_106] : memref<640000xf32, #tpu.memory_space<hbm>> -> memref<4000xf32, #tpu.memory_space<hbm>>
    tpu.enqueue_dma source(%dma_start3A_112 : memref<4000xf32, #tpu.memory_space<hbm>>) target(%arg10 : memref<4000xf32, #tpu.memory_space<vmem>>) target_semaphore(%arg27 : memref<!tpu.dma_semaphore, #tpu.memory_space<semaphore_mem>>)
    %dma_start3A_113 = tpu.memref_slice %arg5[%add3A_106] : memref<640000xi32, #tpu.memory_space<hbm>> -> memref<4000xi32, #tpu.memory_space<hbm>>
    %dma_start3A_114 = tpu.memref_slice %arg5[%add3A_106] : memref<640000xi32, #tpu.memory_space<hbm>> -> memref<4000xi32, #tpu.memory_space<hbm>>
    tpu.enqueue_dma source(%dma_start3A_114 : memref<4000xi32, #tpu.memory_space<hbm>>) target(%arg14 : memref<4000xi32, #tpu.memory_space<vmem>>) target_semaphore(%arg28 : memref<!tpu.dma_semaphore, #tpu.memory_space<semaphore_mem>>)
    %dma_start3A_115 = tpu.memref_slice %arg6[%add3A_106] : memref<640000xi32, #tpu.memory_space<hbm>> -> memref<4000xi32, #tpu.memory_space<hbm>>
    %dma_start3A_116 = tpu.memref_slice %arg6[%add3A_106] : memref<640000xi32, #tpu.memory_space<hbm>> -> memref<4000xi32, #tpu.memory_space<hbm>>
    tpu.enqueue_dma source(%dma_start3A_116 : memref<4000xi32, #tpu.memory_space<hbm>>) target(%arg16 : memref<4000xi32, #tpu.memory_space<vmem>>) target_semaphore(%arg29 : memref<!tpu.dma_semaphore, #tpu.memory_space<semaphore_mem>>)
    %parallel_loop3A_117 = arith.constant 0 : i32
    %parallel_loop3A_118 = arith.constant 250 : i32
    %parallel_loop3A_119 = arith.constant 1 : i32
    scf.for %parallel_loop3A_150 = %parallel_loop3A_117 to %parallel_loop3A_118 step %parallel_loop3A_119  : i32 {
      %parallel_loop3A_151 = arith.constant 16 : i32
      %parallel_loop3A_152 = arith.muli %parallel_loop3A_150, %parallel_loop3A_151 : i32
      %parallel_loop3A_153 = arith.index_cast %parallel_loop3A_152 : i32 to index
      %parallel_loop3A_154 = tpu.vector_load %arg11[%parallel_loop3A_153] {strides = array<i32>} : memref<4000xf32, #tpu.memory_space<vmem>>, vector<16xf32>,
      %parallel_loop3A_155 = arith.index_cast %parallel_loop3A_152 : i32 to index
      %parallel_loop3A_156 = tpu.vector_load %arg12[%parallel_loop3A_155] {strides = array<i32>} : memref<4000xf32, #tpu.memory_space<vmem>>, vector<16xf32>,
      %parallel_loop3A_157 = arith.index_cast %parallel_loop3A_152 : i32 to index
      %parallel_loop3A_158 = tpu.vector_load %arg13[%parallel_loop3A_157] {strides = array<i32>} : memref<4000xf32, #tpu.memory_space<vmem>>, vector<16xf32>,
      %parallel_loop3A_159 = arith.mulf %parallel_loop3A_154, %parallel_loop3A_154 : vector<16xf32>
      %parallel_loop3A_160 = arith.mulf %parallel_loop3A_156, %parallel_loop3A_156 : vector<16xf32>
      %parallel_loop3A_161 = arith.addf %parallel_loop3A_159, %parallel_loop3A_160 : vector<16xf32>
      %parallel_loop3A_162 = arith.mulf %parallel_loop3A_158, %parallel_loop3A_158 : vector<16xf32>
      %parallel_loop3A_163 = arith.addf %parallel_loop3A_161, %parallel_loop3A_162 : vector<16xf32>
      %parallel_loop3A_164 = arith.constant 0.00999999977 : f32
      %parallel_loop3A_165 = vector.broadcast %parallel_loop3A_164 : f32 to vector<16xf32>
      %parallel_loop3A_166 = arith.addf %parallel_loop3A_163, %parallel_loop3A_165 : vector<16xf32>
      %parallel_loop3A_167 = arith.constant 1.000000e+00 : f32
      %parallel_loop3A_168 = vector.broadcast %parallel_loop3A_167 : f32 to vector<16xf32>
      %parallel_loop3A_169 = arith.divf %parallel_loop3A_168, %parallel_loop3A_166 : vector<16xf32>
      %parallel_loop3A_170 = arith.mulf %parallel_loop3A_169, %parallel_loop3A_169 : vector<16xf32>
      %parallel_loop3A_171 = arith.mulf %parallel_loop3A_170, %parallel_loop3A_169 : vector<16xf32>
      %parallel_loop3A_172 = arith.mulf %parallel_loop3A_171, %parallel_loop3A_169 : vector<16xf32>
      %parallel_loop3A_173 = arith.constant 4.800000e+01 : f32
      %parallel_loop3A_174 = vector.broadcast %parallel_loop3A_173 : f32 to vector<16xf32>
      %parallel_loop3A_175 = arith.mulf %parallel_loop3A_174, %parallel_loop3A_171 : vector<16xf32>
      %parallel_loop3A_176 = arith.constant 2.400000e+01 : f32
      %parallel_loop3A_177 = vector.broadcast %parallel_loop3A_176 : f32 to vector<16xf32>
      %parallel_loop3A_178 = arith.subf %parallel_loop3A_177, %parallel_loop3A_175 : vector<16xf32>
      %parallel_loop3A_179 = arith.mulf %parallel_loop3A_172, %parallel_loop3A_178 : vector<16xf32>
      %parallel_loop3A_180 = arith.mulf %parallel_loop3A_179, %parallel_loop3A_154 : vector<16xf32>
      %parallel_loop3A_181 = arith.mulf %parallel_loop3A_179, %parallel_loop3A_156 : vector<16xf32>
      %parallel_loop3A_182 = arith.mulf %parallel_loop3A_179, %parallel_loop3A_158 : vector<16xf32>
      %parallel_loop3A_183 = arith.index_cast %parallel_loop3A_152 : i32 to index
      %parallel_loop3A_184 = tpu.vector_load %arg15[%parallel_loop3A_183] {strides = array<i32>} : memref<4000xi32, #tpu.memory_space<vmem>>, vector<16xi32>,
      %parallel_loop3A_185 = arith.index_cast %parallel_loop3A_152 : i32 to index
      %parallel_loop3A_186 = tpu.vector_load %arg17[%parallel_loop3A_185] {strides = array<i32>} : memref<4000xi32, #tpu.memory_space<vmem>>, vector<16xi32>,
      tpu.vector_store_idx %arg18[%parallel_loop3A_184], %parallel_loop3A_180 {add = true} : memref<10000xf32, #tpu.memory_space<vmem>>[vector<16xi32>], vector<16xf32>,
      tpu.vector_store_idx %arg19[%parallel_loop3A_184], %parallel_loop3A_181 {add = true} : memref<10000xf32, #tpu.memory_space<vmem>>[vector<16xi32>], vector<16xf32>,
      tpu.vector_store_idx %arg20[%parallel_loop3A_184], %parallel_loop3A_182 {add = true} : memref<10000xf32, #tpu.memory_space<vmem>>[vector<16xi32>], vector<16xf32>,
      %parallel_loop3A_187 = arith.constant 0.000000e+00 : f32
      %parallel_loop3A_188 = vector.broadcast %parallel_loop3A_187 : f32 to vector<16xf32>
      %parallel_loop3A_189 = arith.subf %parallel_loop3A_188, %parallel_loop3A_180 : vector<16xf32>
      tpu.vector_store_idx %arg18[%parallel_loop3A_186], %parallel_loop3A_189 {add = true} : memref<10000xf32, #tpu.memory_space<vmem>>[vector<16xi32>], vector<16xf32>,
      %parallel_loop3A_190 = arith.constant 0.000000e+00 : f32
      %parallel_loop3A_191 = vector.broadcast %parallel_loop3A_190 : f32 to vector<16xf32>
      %parallel_loop3A_192 = arith.subf %parallel_loop3A_191, %parallel_loop3A_181 : vector<16xf32>
      tpu.vector_store_idx %arg19[%parallel_loop3A_186], %parallel_loop3A_192 {add = true} : memref<10000xf32, #tpu.memory_space<vmem>>[vector<16xi32>], vector<16xf32>,
      %parallel_loop3A_193 = arith.constant 0.000000e+00 : f32
      %parallel_loop3A_194 = vector.broadcast %parallel_loop3A_193 : f32 to vector<16xf32>
      %parallel_loop3A_195 = arith.subf %parallel_loop3A_194, %parallel_loop3A_182 : vector<16xf32>
      tpu.vector_store_idx %arg20[%parallel_loop3A_186], %parallel_loop3A_195 {add = true} : memref<10000xf32, #tpu.memory_space<vmem>>[vector<16xi32>], vector<16xf32>,
    } {sc.loop_unroll_factor = 5 : i64, sc.parallel_access}
    %dma_wait3A_120 = tpu.memref_slice %arg2[%add3A_106] : memref<640000xf32, #tpu.memory_space<hbm>> -> memref<4000xf32, #tpu.memory_space<hbm>>
    %dma_wait3A_121 = tpu.memref_slice %arg2[%add3A_106] : memref<640000xf32, #tpu.memory_space<hbm>> -> memref<4000xf32, #tpu.memory_space<hbm>>
    tpu.wait_dma2 semaphore(%arg25 : memref<!tpu.dma_semaphore, #tpu.memory_space<semaphore_mem>>) src(%dma_wait3A_121 : memref<4000xf32, #tpu.memory_space<hbm>>) dst(%arg8 : memref<4000xf32, #tpu.memory_space<vmem>>)
    %dma_wait3A_122 = tpu.memref_slice %arg3[%add3A_106] : memref<640000xf32, #tpu.memory_space<hbm>> -> memref<4000xf32, #tpu.memory_space<hbm>>
    %dma_wait3A_123 = tpu.memref_slice %arg3[%add3A_106] : memref<640000xf32, #tpu.memory_space<hbm>> -> memref<4000xf32, #tpu.memory_space<hbm>>
    tpu.wait_dma2 semaphore(%arg26 : memref<!tpu.dma_semaphore, #tpu.memory_space<semaphore_mem>>) src(%dma_wait3A_123 : memref<4000xf32, #tpu.memory_space<hbm>>) dst(%arg9 : memref<4000xf32, #tpu.memory_space<vmem>>)
    %dma_wait3A_124 = tpu.memref_slice %arg4[%add3A_106] : memref<640000xf32, #tpu.memory_space<hbm>> -> memref<4000xf32, #tpu.memory_space<hbm>>
    %dma_wait3A_125 = tpu.memref_slice %arg4[%add3A_106] : memref<640000xf32, #tpu.memory_space<hbm>> -> memref<4000xf32, #tpu.memory_space<hbm>>
    tpu.wait_dma2 semaphore(%arg27 : memref<!tpu.dma_semaphore, #tpu.memory_space<semaphore_mem>>) src(%dma_wait3A_125 : memref<4000xf32, #tpu.memory_space<hbm>>) dst(%arg10 : memref<4000xf32, #tpu.memory_space<vmem>>)
    %dma_wait3A_126 = tpu.memref_slice %arg5[%add3A_106] : memref<640000xi32, #tpu.memory_space<hbm>> -> memref<4000xi32, #tpu.memory_space<hbm>>
    %dma_wait3A_127 = tpu.memref_slice %arg5[%add3A_106] : memref<640000xi32, #tpu.memory_space<hbm>> -> memref<4000xi32, #tpu.memory_space<hbm>>
    tpu.wait_dma2 semaphore(%arg28 : memref<!tpu.dma_semaphore, #tpu.memory_space<semaphore_mem>>) src(%dma_wait3A_127 : memref<4000xi32, #tpu.memory_space<hbm>>) dst(%arg14 : memref<4000xi32, #tpu.memory_space<vmem>>)
    %dma_wait3A_128 = tpu.memref_slice %arg6[%add3A_106] : memref<640000xi32, #tpu.memory_space<hbm>> -> memref<4000xi32, #tpu.memory_space<hbm>>
    %dma_wait3A_129 = tpu.memref_slice %arg6[%add3A_106] : memref<640000xi32, #tpu.memory_space<hbm>> -> memref<4000xi32, #tpu.memory_space<hbm>>
    tpu.wait_dma2 semaphore(%arg29 : memref<!tpu.dma_semaphore, #tpu.memory_space<semaphore_mem>>) src(%dma_wait3A_129 : memref<4000xi32, #tpu.memory_space<hbm>>) dst(%arg16 : memref<4000xi32, #tpu.memory_space<vmem>>)
    %parallel_loop3A_130 = arith.constant 0 : i32
    %parallel_loop3A_131 = arith.constant 250 : i32
    %parallel_loop3A_132 = arith.constant 1 : i32
    scf.for %parallel_loop3A_150 = %parallel_loop3A_130 to %parallel_loop3A_131 step %parallel_loop3A_132  : i32 {
      %parallel_loop3A_151 = arith.constant 16 : i32
      %parallel_loop3A_152 = arith.muli %parallel_loop3A_150, %parallel_loop3A_151 : i32
      %parallel_loop3A_153 = arith.index_cast %parallel_loop3A_152 : i32 to index
      %parallel_loop3A_154 = tpu.vector_load %arg8[%parallel_loop3A_153] {strides = array<i32>} : memref<4000xf32, #tpu.memory_space<vmem>>, vector<16xf32>,
      %parallel_loop3A_155 = arith.index_cast %parallel_loop3A_152 : i32 to index
      %parallel_loop3A_156 = tpu.vector_load %arg9[%parallel_loop3A_155] {strides = array<i32>} : memref<4000xf32, #tpu.memory_space<vmem>>, vector<16xf32>,
      %parallel_loop3A_157 = arith.index_cast %parallel_loop3A_152 : i32 to index
      %parallel_loop3A_158 = tpu.vector_load %arg10[%parallel_loop3A_157] {strides = array<i32>} : memref<4000xf32, #tpu.memory_space<vmem>>, vector<16xf32>,
      %parallel_loop3A_159 = arith.mulf %parallel_loop3A_154, %parallel_loop3A_154 : vector<16xf32>
      %parallel_loop3A_160 = arith.mulf %parallel_loop3A_156, %parallel_loop3A_156 : vector<16xf32>
      %parallel_loop3A_161 = arith.addf %parallel_loop3A_159, %parallel_loop3A_160 : vector<16xf32>
      %parallel_loop3A_162 = arith.mulf %parallel_loop3A_158, %parallel_loop3A_158 : vector<16xf32>
      %parallel_loop3A_163 = arith.addf %parallel_loop3A_161, %parallel_loop3A_162 : vector<16xf32>
      %parallel_loop3A_164 = arith.constant 0.00999999977 : f32
      %parallel_loop3A_165 = vector.broadcast %parallel_loop3A_164 : f32 to vector<16xf32>
      %parallel_loop3A_166 = arith.addf %parallel_loop3A_163, %parallel_loop3A_165 : vector<16xf32>
      %parallel_loop3A_167 = arith.constant 1.000000e+00 : f32
      %parallel_loop3A_168 = vector.broadcast %parallel_loop3A_167 : f32 to vector<16xf32>
      %parallel_loop3A_169 = arith.divf %parallel_loop3A_168, %parallel_loop3A_166 : vector<16xf32>
      %parallel_loop3A_170 = arith.mulf %parallel_loop3A_169, %parallel_loop3A_169 : vector<16xf32>
      %parallel_loop3A_171 = arith.mulf %parallel_loop3A_170, %parallel_loop3A_169 : vector<16xf32>
      %parallel_loop3A_172 = arith.mulf %parallel_loop3A_171, %parallel_loop3A_169 : vector<16xf32>
      %parallel_loop3A_173 = arith.constant 4.800000e+01 : f32
      %parallel_loop3A_174 = vector.broadcast %parallel_loop3A_173 : f32 to vector<16xf32>
      %parallel_loop3A_175 = arith.mulf %parallel_loop3A_174, %parallel_loop3A_171 : vector<16xf32>
      %parallel_loop3A_176 = arith.constant 2.400000e+01 : f32
      %parallel_loop3A_177 = vector.broadcast %parallel_loop3A_176 : f32 to vector<16xf32>
      %parallel_loop3A_178 = arith.subf %parallel_loop3A_177, %parallel_loop3A_175 : vector<16xf32>
      %parallel_loop3A_179 = arith.mulf %parallel_loop3A_172, %parallel_loop3A_178 : vector<16xf32>
      %parallel_loop3A_180 = arith.mulf %parallel_loop3A_179, %parallel_loop3A_154 : vector<16xf32>
      %parallel_loop3A_181 = arith.mulf %parallel_loop3A_179, %parallel_loop3A_156 : vector<16xf32>
      %parallel_loop3A_182 = arith.mulf %parallel_loop3A_179, %parallel_loop3A_158 : vector<16xf32>
      %parallel_loop3A_183 = arith.index_cast %parallel_loop3A_152 : i32 to index
      %parallel_loop3A_184 = tpu.vector_load %arg14[%parallel_loop3A_183] {strides = array<i32>} : memref<4000xi32, #tpu.memory_space<vmem>>, vector<16xi32>,
      %parallel_loop3A_185 = arith.index_cast %parallel_loop3A_152 : i32 to index
      %parallel_loop3A_186 = tpu.vector_load %arg16[%parallel_loop3A_185] {strides = array<i32>} : memref<4000xi32, #tpu.memory_space<vmem>>, vector<16xi32>,
      tpu.vector_store_idx %arg18[%parallel_loop3A_184], %parallel_loop3A_180 {add = true} : memref<10000xf32, #tpu.memory_space<vmem>>[vector<16xi32>], vector<16xf32>,
      tpu.vector_store_idx %arg19[%parallel_loop3A_184], %parallel_loop3A_181 {add = true} : memref<10000xf32, #tpu.memory_space<vmem>>[vector<16xi32>], vector<16xf32>,
      tpu.vector_store_idx %arg20[%parallel_loop3A_184], %parallel_loop3A_182 {add = true} : memref<10000xf32, #tpu.memory_space<vmem>>[vector<16xi32>], vector<16xf32>,
      %parallel_loop3A_187 = arith.constant 0.000000e+00 : f32
      %parallel_loop3A_188 = vector.broadcast %parallel_loop3A_187 : f32 to vector<16xf32>
      %parallel_loop3A_189 = arith.subf %parallel_loop3A_188, %parallel_loop3A_180 : vector<16xf32>
      tpu.vector_store_idx %arg18[%parallel_loop3A_186], %parallel_loop3A_189 {add = true} : memref<10000xf32, #tpu.memory_space<vmem>>[vector<16xi32>], vector<16xf32>,
      %parallel_loop3A_190 = arith.constant 0.000000e+00 : f32
      %parallel_loop3A_191 = vector.broadcast %parallel_loop3A_190 : f32 to vector<16xf32>
      %parallel_loop3A_192 = arith.subf %parallel_loop3A_191, %parallel_loop3A_181 : vector<16xf32>
      tpu.vector_store_idx %arg19[%parallel_loop3A_186], %parallel_loop3A_192 {add = true} : memref<10000xf32, #tpu.memory_space<vmem>>[vector<16xi32>], vector<16xf32>,
      %parallel_loop3A_193 = arith.constant 0.000000e+00 : f32
      %parallel_loop3A_194 = vector.broadcast %parallel_loop3A_193 : f32 to vector<16xf32>
      %parallel_loop3A_195 = arith.subf %parallel_loop3A_194, %parallel_loop3A_182 : vector<16xf32>
      tpu.vector_store_idx %arg20[%parallel_loop3A_186], %parallel_loop3A_195 {add = true} : memref<10000xf32, #tpu.memory_space<vmem>>[vector<16xi32>], vector<16xf32>,
    } {sc.loop_unroll_factor = 5 : i64, sc.parallel_access}
    %dma_wait3A_133 = arith.constant 0 : i32
    %dma_wait3A_134 = tpu.memref_slice %arg5[%dma_wait3A_133] : memref<640000xi32, #tpu.memory_space<hbm>> -> memref<10000xi32, #tpu.memory_space<hbm>>
    %dma_wait3A_135 = arith.constant 0 : i32
    %dma_wait3A_136 = tpu.memref_slice %arg5[%dma_wait3A_135] : memref<640000xi32, #tpu.memory_space<hbm>> -> memref<10000xi32, #tpu.memory_space<hbm>>
    tpu.wait_dma2 semaphore(%arg35 : memref<!tpu.dma_semaphore, #tpu.memory_space<semaphore_mem>>) src(%dma_wait3A_136 : memref<10000xi32, #tpu.memory_space<hbm>>) dst(%arg24 : memref<10000xi32, #tpu.memory_space<vmem>>)
    %parallel_loop3A_137 = arith.constant 0 : i32
    %parallel_loop3A_138 = arith.constant 625 : i32
    %parallel_loop3A_139 = arith.constant 1 : i32
    scf.for %parallel_loop3A_150 = %parallel_loop3A_137 to %parallel_loop3A_138 step %parallel_loop3A_139  : i32 {
      %parallel_loop3A_151 = arith.constant 16 : i32
      %parallel_loop3A_152 = arith.muli %parallel_loop3A_150, %parallel_loop3A_151 : i32
      %parallel_loop3A_153 = arith.index_cast %parallel_loop3A_152 : i32 to index
      %parallel_loop3A_154 = tpu.vector_load %arg24[%parallel_loop3A_153] {strides = array<i32>} : memref<10000xi32, #tpu.memory_space<vmem>>, vector<16xi32>,
      %parallel_loop3A_155 = arith.index_cast %parallel_loop3A_152 : i32 to index
      %parallel_loop3A_156 = tpu.vector_load %arg18[%parallel_loop3A_155] {strides = array<i32>} : memref<10000xf32, #tpu.memory_space<vmem>>, vector<16xf32>,
      tpu.vector_store_idx %arg21[%parallel_loop3A_154], %parallel_loop3A_156 {add = true} : memref<10000xf32, #tpu.memory_space<vmem>>[vector<16xi32>], vector<16xf32>,
      %parallel_loop3A_157 = arith.index_cast %parallel_loop3A_152 : i32 to index
      %parallel_loop3A_158 = tpu.vector_load %arg19[%parallel_loop3A_157] {strides = array<i32>} : memref<10000xf32, #tpu.memory_space<vmem>>, vector<16xf32>,
      tpu.vector_store_idx %arg22[%parallel_loop3A_154], %parallel_loop3A_158 {add = true} : memref<10000xf32, #tpu.memory_space<vmem>>[vector<16xi32>], vector<16xf32>,
      %parallel_loop3A_159 = arith.index_cast %parallel_loop3A_152 : i32 to index
      %parallel_loop3A_160 = tpu.vector_load %arg20[%parallel_loop3A_159] {strides = array<i32>} : memref<10000xf32, #tpu.memory_space<vmem>>, vector<16xf32>,
      tpu.vector_store_idx %arg23[%parallel_loop3A_154], %parallel_loop3A_160 {add = true} : memref<10000xf32, #tpu.memory_space<vmem>>[vector<16xi32>], vector<16xf32>,
    } {sc.loop_unroll_factor = 25 : i64, sc.parallel_access}
    %mul3A_140 = arith.constant 10240 : i32
    %mul3A_141 = arith.muli %add3A, %mul3A_140 : i32
    "tpu.region"() ({
      %run_scoped3A = tpu.sem_alloc : memref<!tpu.dma_semaphore, #tpu.memory_space<semaphore_mem>>
      %dma_start3A_150 = tpu.memref_slice %arg7[%mul3A_141] : memref<983040xf32, #tpu.memory_space<hbm>> -> memref<10000xf32, #tpu.memory_space<hbm>>
      %dma_start3A_151 = tpu.memref_slice %arg7[%mul3A_141] : memref<983040xf32, #tpu.memory_space<hbm>> -> memref<10000xf32, #tpu.memory_space<hbm>>
      tpu.enqueue_dma source(%arg21 : memref<10000xf32, #tpu.memory_space<vmem>>) target(%dma_start3A_151 : memref<10000xf32, #tpu.memory_space<hbm>>) target_semaphore(%run_scoped3A : memref<!tpu.dma_semaphore, #tpu.memory_space<semaphore_mem>>)
      %dma_wait3A_152 = tpu.memref_slice %arg7[%mul3A_141] : memref<983040xf32, #tpu.memory_space<hbm>> -> memref<10000xf32, #tpu.memory_space<hbm>>
      %dma_wait3A_153 = tpu.memref_slice %arg7[%mul3A_141] : memref<983040xf32, #tpu.memory_space<hbm>> -> memref<10000xf32, #tpu.memory_space<hbm>>
      tpu.wait_dma2 semaphore(%run_scoped3A : memref<!tpu.dma_semaphore, #tpu.memory_space<semaphore_mem>>) src(%arg21 : memref<10000xf32, #tpu.memory_space<vmem>>) dst(%dma_wait3A_153 : memref<10000xf32, #tpu.memory_space<hbm>>)
      tpu.yield
    }) : () -> ()
    %add3A_142 = arith.constant 32 : i32
    %add3A_143 = arith.addi %add3A_142, %add3A : i32
    %mul3A_144 = arith.constant 10240 : i32
    %mul3A_145 = arith.muli %add3A_143, %mul3A_144 : i32
    "tpu.region"() ({
      %run_scoped3A = tpu.sem_alloc : memref<!tpu.dma_semaphore, #tpu.memory_space<semaphore_mem>>
      %dma_start3A_150 = tpu.memref_slice %arg7[%mul3A_145] : memref<983040xf32, #tpu.memory_space<hbm>> -> memref<10000xf32, #tpu.memory_space<hbm>>
      %dma_start3A_151 = tpu.memref_slice %arg7[%mul3A_145] : memref<983040xf32, #tpu.memory_space<hbm>> -> memref<10000xf32, #tpu.memory_space<hbm>>
      tpu.enqueue_dma source(%arg22 : memref<10000xf32, #tpu.memory_space<vmem>>) target(%dma_start3A_151 : memref<10000xf32, #tpu.memory_space<hbm>>) target_semaphore(%run_scoped3A : memref<!tpu.dma_semaphore, #tpu.memory_space<semaphore_mem>>)
      %dma_wait3A_152 = tpu.memref_slice %arg7[%mul3A_145] : memref<983040xf32, #tpu.memory_space<hbm>> -> memref<10000xf32, #tpu.memory_space<hbm>>
      %dma_wait3A_153 = tpu.memref_slice %arg7[%mul3A_145] : memref<983040xf32, #tpu.memory_space<hbm>> -> memref<10000xf32, #tpu.memory_space<hbm>>
      tpu.wait_dma2 semaphore(%run_scoped3A : memref<!tpu.dma_semaphore, #tpu.memory_space<semaphore_mem>>) src(%arg22 : memref<10000xf32, #tpu.memory_space<vmem>>) dst(%dma_wait3A_153 : memref<10000xf32, #tpu.memory_space<hbm>>)
      tpu.yield
    }) : () -> ()
    %add3A_146 = arith.constant 64 : i32
    %add3A_147 = arith.addi %add3A_146, %add3A : i32
    %mul3A_148 = arith.constant 10240 : i32
    %mul3A_149 = arith.muli %add3A_147, %mul3A_148 : i32
    "tpu.region"() ({
      %run_scoped3A = tpu.sem_alloc : memref<!tpu.dma_semaphore, #tpu.memory_space<semaphore_mem>>
      %dma_start3A_150 = tpu.memref_slice %arg7[%mul3A_149] : memref<983040xf32, #tpu.memory_space<hbm>> -> memref<10000xf32, #tpu.memory_space<hbm>>
      %dma_start3A_151 = tpu.memref_slice %arg7[%mul3A_149] : memref<983040xf32, #tpu.memory_space<hbm>> -> memref<10000xf32, #tpu.memory_space<hbm>>
      tpu.enqueue_dma source(%arg23 : memref<10000xf32, #tpu.memory_space<vmem>>) target(%dma_start3A_151 : memref<10000xf32, #tpu.memory_space<hbm>>) target_semaphore(%run_scoped3A : memref<!tpu.dma_semaphore, #tpu.memory_space<semaphore_mem>>)
      %dma_wait3A_152 = tpu.memref_slice %arg7[%mul3A_149] : memref<983040xf32, #tpu.memory_space<hbm>> -> memref<10000xf32, #tpu.memory_space<hbm>>
      %dma_wait3A_153 = tpu.memref_slice %arg7[%mul3A_149] : memref<983040xf32, #tpu.memory_space<hbm>> -> memref<10000xf32, #tpu.memory_space<hbm>>
      tpu.wait_dma2 semaphore(%run_scoped3A : memref<!tpu.dma_semaphore, #tpu.memory_space<semaphore_mem>>) src(%arg23 : memref<10000xf32, #tpu.memory_space<vmem>>) dst(%dma_wait3A_153 : memref<10000xf32, #tpu.memory_space<hbm>>)
      tpu.yield
    }) : () -> ()
    return
  }
}

module attributes {stable_mosaic.version = 14 : i64} {
  func.func @_combine_body(%arg0: memref<983040xf32, #tpu.memory_space<vmem>>, %arg1: memref<3x10240xf32, #tpu.memory_space<vmem>>) attributes {dimension_semantics = [], scalar_prefetch = 0 : i64, scratch_operands = 0 : i64, tpu.core_type = #tpu.core_type<tc>} {
    %get3A = arith.constant 0 : index
    %get3A_0 = vector.load %arg0[%get3A] : memref<983040xf32, #tpu.memory_space<vmem>>, vector<10240xf32>
    %get3A_1 = arith.constant 10240 : index
    %get3A_2 = vector.load %arg0[%get3A_1] : memref<983040xf32, #tpu.memory_space<vmem>>, vector<10240xf32>
    %add3A = arith.addf %get3A_0, %get3A_2 : vector<10240xf32>
    %get3A_3 = arith.constant 20480 : index
    %get3A_4 = vector.load %arg0[%get3A_3] : memref<983040xf32, #tpu.memory_space<vmem>>, vector<10240xf32>
    %add3A_5 = arith.addf %add3A, %get3A_4 : vector<10240xf32>
    %get3A_6 = arith.constant 30720 : index
    %get3A_7 = vector.load %arg0[%get3A_6] : memref<983040xf32, #tpu.memory_space<vmem>>, vector<10240xf32>
    %add3A_8 = arith.addf %add3A_5, %get3A_7 : vector<10240xf32>
    %get3A_9 = arith.constant 40960 : index
    %get3A_10 = vector.load %arg0[%get3A_9] : memref<983040xf32, #tpu.memory_space<vmem>>, vector<10240xf32>
    %add3A_11 = arith.addf %add3A_8, %get3A_10 : vector<10240xf32>
    %get3A_12 = arith.constant 51200 : index
    %get3A_13 = vector.load %arg0[%get3A_12] : memref<983040xf32, #tpu.memory_space<vmem>>, vector<10240xf32>
    %add3A_14 = arith.addf %add3A_11, %get3A_13 : vector<10240xf32>
    %get3A_15 = arith.constant 61440 : index
    %get3A_16 = vector.load %arg0[%get3A_15] : memref<983040xf32, #tpu.memory_space<vmem>>, vector<10240xf32>
    %add3A_17 = arith.addf %add3A_14, %get3A_16 : vector<10240xf32>
    %get3A_18 = arith.constant 71680 : index
    %get3A_19 = vector.load %arg0[%get3A_18] : memref<983040xf32, #tpu.memory_space<vmem>>, vector<10240xf32>
    %add3A_20 = arith.addf %add3A_17, %get3A_19 : vector<10240xf32>
    %get3A_21 = arith.constant 81920 : index
    %get3A_22 = vector.load %arg0[%get3A_21] : memref<983040xf32, #tpu.memory_space<vmem>>, vector<10240xf32>
    %add3A_23 = arith.addf %add3A_20, %get3A_22 : vector<10240xf32>
    %get3A_24 = arith.constant 92160 : index
    %get3A_25 = vector.load %arg0[%get3A_24] : memref<983040xf32, #tpu.memory_space<vmem>>, vector<10240xf32>
    %add3A_26 = arith.addf %add3A_23, %get3A_25 : vector<10240xf32>
    %get3A_27 = arith.constant 102400 : index
    %get3A_28 = vector.load %arg0[%get3A_27] : memref<983040xf32, #tpu.memory_space<vmem>>, vector<10240xf32>
    %add3A_29 = arith.addf %add3A_26, %get3A_28 : vector<10240xf32>
    %get3A_30 = arith.constant 112640 : index
    %get3A_31 = vector.load %arg0[%get3A_30] : memref<983040xf32, #tpu.memory_space<vmem>>, vector<10240xf32>
    %add3A_32 = arith.addf %add3A_29, %get3A_31 : vector<10240xf32>
    %get3A_33 = arith.constant 122880 : index
    %get3A_34 = vector.load %arg0[%get3A_33] : memref<983040xf32, #tpu.memory_space<vmem>>, vector<10240xf32>
    %add3A_35 = arith.addf %add3A_32, %get3A_34 : vector<10240xf32>
    %get3A_36 = arith.constant 133120 : index
    %get3A_37 = vector.load %arg0[%get3A_36] : memref<983040xf32, #tpu.memory_space<vmem>>, vector<10240xf32>
    %add3A_38 = arith.addf %add3A_35, %get3A_37 : vector<10240xf32>
    %get3A_39 = arith.constant 143360 : index
    %get3A_40 = vector.load %arg0[%get3A_39] : memref<983040xf32, #tpu.memory_space<vmem>>, vector<10240xf32>
    %add3A_41 = arith.addf %add3A_38, %get3A_40 : vector<10240xf32>
    %get3A_42 = arith.constant 153600 : index
    %get3A_43 = vector.load %arg0[%get3A_42] : memref<983040xf32, #tpu.memory_space<vmem>>, vector<10240xf32>
    %add3A_44 = arith.addf %add3A_41, %get3A_43 : vector<10240xf32>
    %get3A_45 = arith.constant 163840 : index
    %get3A_46 = vector.load %arg0[%get3A_45] : memref<983040xf32, #tpu.memory_space<vmem>>, vector<10240xf32>
    %add3A_47 = arith.addf %add3A_44, %get3A_46 : vector<10240xf32>
    %get3A_48 = arith.constant 174080 : index
    %get3A_49 = vector.load %arg0[%get3A_48] : memref<983040xf32, #tpu.memory_space<vmem>>, vector<10240xf32>
    %add3A_50 = arith.addf %add3A_47, %get3A_49 : vector<10240xf32>
    %get3A_51 = arith.constant 184320 : index
    %get3A_52 = vector.load %arg0[%get3A_51] : memref<983040xf32, #tpu.memory_space<vmem>>, vector<10240xf32>
    %add3A_53 = arith.addf %add3A_50, %get3A_52 : vector<10240xf32>
    %get3A_54 = arith.constant 194560 : index
    %get3A_55 = vector.load %arg0[%get3A_54] : memref<983040xf32, #tpu.memory_space<vmem>>, vector<10240xf32>
    %add3A_56 = arith.addf %add3A_53, %get3A_55 : vector<10240xf32>
    %get3A_57 = arith.constant 204800 : index
    %get3A_58 = vector.load %arg0[%get3A_57] : memref<983040xf32, #tpu.memory_space<vmem>>, vector<10240xf32>
    %add3A_59 = arith.addf %add3A_56, %get3A_58 : vector<10240xf32>
    %get3A_60 = arith.constant 215040 : index
    %get3A_61 = vector.load %arg0[%get3A_60] : memref<983040xf32, #tpu.memory_space<vmem>>, vector<10240xf32>
    %add3A_62 = arith.addf %add3A_59, %get3A_61 : vector<10240xf32>
    %get3A_63 = arith.constant 225280 : index
    %get3A_64 = vector.load %arg0[%get3A_63] : memref<983040xf32, #tpu.memory_space<vmem>>, vector<10240xf32>
    %add3A_65 = arith.addf %add3A_62, %get3A_64 : vector<10240xf32>
    %get3A_66 = arith.constant 235520 : index
    %get3A_67 = vector.load %arg0[%get3A_66] : memref<983040xf32, #tpu.memory_space<vmem>>, vector<10240xf32>
    %add3A_68 = arith.addf %add3A_65, %get3A_67 : vector<10240xf32>
    %get3A_69 = arith.constant 245760 : index
    %get3A_70 = vector.load %arg0[%get3A_69] : memref<983040xf32, #tpu.memory_space<vmem>>, vector<10240xf32>
    %add3A_71 = arith.addf %add3A_68, %get3A_70 : vector<10240xf32>
    %get3A_72 = arith.constant 256000 : index
    %get3A_73 = vector.load %arg0[%get3A_72] : memref<983040xf32, #tpu.memory_space<vmem>>, vector<10240xf32>
    %add3A_74 = arith.addf %add3A_71, %get3A_73 : vector<10240xf32>
    %get3A_75 = arith.constant 266240 : index
    %get3A_76 = vector.load %arg0[%get3A_75] : memref<983040xf32, #tpu.memory_space<vmem>>, vector<10240xf32>
    %add3A_77 = arith.addf %add3A_74, %get3A_76 : vector<10240xf32>
    %get3A_78 = arith.constant 276480 : index
    %get3A_79 = vector.load %arg0[%get3A_78] : memref<983040xf32, #tpu.memory_space<vmem>>, vector<10240xf32>
    %add3A_80 = arith.addf %add3A_77, %get3A_79 : vector<10240xf32>
    %get3A_81 = arith.constant 286720 : index
    %get3A_82 = vector.load %arg0[%get3A_81] : memref<983040xf32, #tpu.memory_space<vmem>>, vector<10240xf32>
    %add3A_83 = arith.addf %add3A_80, %get3A_82 : vector<10240xf32>
    %get3A_84 = arith.constant 296960 : index
    %get3A_85 = vector.load %arg0[%get3A_84] : memref<983040xf32, #tpu.memory_space<vmem>>, vector<10240xf32>
    %add3A_86 = arith.addf %add3A_83, %get3A_85 : vector<10240xf32>
    %get3A_87 = arith.constant 307200 : index
    %get3A_88 = vector.load %arg0[%get3A_87] : memref<983040xf32, #tpu.memory_space<vmem>>, vector<10240xf32>
    %add3A_89 = arith.addf %add3A_86, %get3A_88 : vector<10240xf32>
    %get3A_90 = arith.constant 317440 : index
    %get3A_91 = vector.load %arg0[%get3A_90] : memref<983040xf32, #tpu.memory_space<vmem>>, vector<10240xf32>
    %add3A_92 = arith.addf %add3A_89, %get3A_91 : vector<10240xf32>
    %swap3A = arith.constant 0 : index
    %swap3A_93 = arith.constant 0 : index
    %swap3A_94 = vector.load %arg1[%swap3A, %swap3A_93] : memref<3x10240xf32, #tpu.memory_space<vmem>>, vector<1x10240xf32>
    %swap3A_95 = vector.shape_cast %swap3A_94 : vector<1x10240xf32> to vector<10240xf32>
    %swap3A_96 = vector.shape_cast %add3A_92 : vector<10240xf32> to vector<1x10240xf32>
    tpu.vector_store %arg1[%swap3A, %swap3A_93], %swap3A_96 {strides = array<i32>} : memref<3x10240xf32, #tpu.memory_space<vmem>>, vector<1x10240xf32>,
    %get3A_97 = arith.constant 327680 : index
    %get3A_98 = vector.load %arg0[%get3A_97] : memref<983040xf32, #tpu.memory_space<vmem>>, vector<10240xf32>
    %get3A_99 = arith.constant 337920 : index
    %get3A_100 = vector.load %arg0[%get3A_99] : memref<983040xf32, #tpu.memory_space<vmem>>, vector<10240xf32>
    %add3A_101 = arith.addf %get3A_98, %get3A_100 : vector<10240xf32>
    %get3A_102 = arith.constant 348160 : index
    %get3A_103 = vector.load %arg0[%get3A_102] : memref<983040xf32, #tpu.memory_space<vmem>>, vector<10240xf32>
    %add3A_104 = arith.addf %add3A_101, %get3A_103 : vector<10240xf32>
    %get3A_105 = arith.constant 358400 : index
    %get3A_106 = vector.load %arg0[%get3A_105] : memref<983040xf32, #tpu.memory_space<vmem>>, vector<10240xf32>
    %add3A_107 = arith.addf %add3A_104, %get3A_106 : vector<10240xf32>
    %get3A_108 = arith.constant 368640 : index
    %get3A_109 = vector.load %arg0[%get3A_108] : memref<983040xf32, #tpu.memory_space<vmem>>, vector<10240xf32>
    %add3A_110 = arith.addf %add3A_107, %get3A_109 : vector<10240xf32>
    %get3A_111 = arith.constant 378880 : index
    %get3A_112 = vector.load %arg0[%get3A_111] : memref<983040xf32, #tpu.memory_space<vmem>>, vector<10240xf32>
    %add3A_113 = arith.addf %add3A_110, %get3A_112 : vector<10240xf32>
    %get3A_114 = arith.constant 389120 : index
    %get3A_115 = vector.load %arg0[%get3A_114] : memref<983040xf32, #tpu.memory_space<vmem>>, vector<10240xf32>
    %add3A_116 = arith.addf %add3A_113, %get3A_115 : vector<10240xf32>
    %get3A_117 = arith.constant 399360 : index
    %get3A_118 = vector.load %arg0[%get3A_117] : memref<983040xf32, #tpu.memory_space<vmem>>, vector<10240xf32>
    %add3A_119 = arith.addf %add3A_116, %get3A_118 : vector<10240xf32>
    %get3A_120 = arith.constant 409600 : index
    %get3A_121 = vector.load %arg0[%get3A_120] : memref<983040xf32, #tpu.memory_space<vmem>>, vector<10240xf32>
    %add3A_122 = arith.addf %add3A_119, %get3A_121 : vector<10240xf32>
    %get3A_123 = arith.constant 419840 : index
    %get3A_124 = vector.load %arg0[%get3A_123] : memref<983040xf32, #tpu.memory_space<vmem>>, vector<10240xf32>
    %add3A_125 = arith.addf %add3A_122, %get3A_124 : vector<10240xf32>
    %get3A_126 = arith.constant 430080 : index
    %get3A_127 = vector.load %arg0[%get3A_126] : memref<983040xf32, #tpu.memory_space<vmem>>, vector<10240xf32>
    %add3A_128 = arith.addf %add3A_125, %get3A_127 : vector<10240xf32>
    %get3A_129 = arith.constant 440320 : index
    %get3A_130 = vector.load %arg0[%get3A_129] : memref<983040xf32, #tpu.memory_space<vmem>>, vector<10240xf32>
    %add3A_131 = arith.addf %add3A_128, %get3A_130 : vector<10240xf32>
    %get3A_132 = arith.constant 450560 : index
    %get3A_133 = vector.load %arg0[%get3A_132] : memref<983040xf32, #tpu.memory_space<vmem>>, vector<10240xf32>
    %add3A_134 = arith.addf %add3A_131, %get3A_133 : vector<10240xf32>
    %get3A_135 = arith.constant 460800 : index
    %get3A_136 = vector.load %arg0[%get3A_135] : memref<983040xf32, #tpu.memory_space<vmem>>, vector<10240xf32>
    %add3A_137 = arith.addf %add3A_134, %get3A_136 : vector<10240xf32>
    %get3A_138 = arith.constant 471040 : index
    %get3A_139 = vector.load %arg0[%get3A_138] : memref<983040xf32, #tpu.memory_space<vmem>>, vector<10240xf32>
    %add3A_140 = arith.addf %add3A_137, %get3A_139 : vector<10240xf32>
    %get3A_141 = arith.constant 481280 : index
    %get3A_142 = vector.load %arg0[%get3A_141] : memref<983040xf32, #tpu.memory_space<vmem>>, vector<10240xf32>
    %add3A_143 = arith.addf %add3A_140, %get3A_142 : vector<10240xf32>
    %get3A_144 = arith.constant 491520 : index
    %get3A_145 = vector.load %arg0[%get3A_144] : memref<983040xf32, #tpu.memory_space<vmem>>, vector<10240xf32>
    %add3A_146 = arith.addf %add3A_143, %get3A_145 : vector<10240xf32>
    %get3A_147 = arith.constant 501760 : index
    %get3A_148 = vector.load %arg0[%get3A_147] : memref<983040xf32, #tpu.memory_space<vmem>>, vector<10240xf32>
    %add3A_149 = arith.addf %add3A_146, %get3A_148 : vector<10240xf32>
    %get3A_150 = arith.constant 512000 : index
    %get3A_151 = vector.load %arg0[%get3A_150] : memref<983040xf32, #tpu.memory_space<vmem>>, vector<10240xf32>
    %add3A_152 = arith.addf %add3A_149, %get3A_151 : vector<10240xf32>
    %get3A_153 = arith.constant 522240 : index
    %get3A_154 = vector.load %arg0[%get3A_153] : memref<983040xf32, #tpu.memory_space<vmem>>, vector<10240xf32>
    %add3A_155 = arith.addf %add3A_152, %get3A_154 : vector<10240xf32>
    %get3A_156 = arith.constant 532480 : index
    %get3A_157 = vector.load %arg0[%get3A_156] : memref<983040xf32, #tpu.memory_space<vmem>>, vector<10240xf32>
    %add3A_158 = arith.addf %add3A_155, %get3A_157 : vector<10240xf32>
    %get3A_159 = arith.constant 542720 : index
    %get3A_160 = vector.load %arg0[%get3A_159] : memref<983040xf32, #tpu.memory_space<vmem>>, vector<10240xf32>
    %add3A_161 = arith.addf %add3A_158, %get3A_160 : vector<10240xf32>
    %get3A_162 = arith.constant 552960 : index
    %get3A_163 = vector.load %arg0[%get3A_162] : memref<983040xf32, #tpu.memory_space<vmem>>, vector<10240xf32>
    %add3A_164 = arith.addf %add3A_161, %get3A_163 : vector<10240xf32>
    %get3A_165 = arith.constant 563200 : index
    %get3A_166 = vector.load %arg0[%get3A_165] : memref<983040xf32, #tpu.memory_space<vmem>>, vector<10240xf32>
    %add3A_167 = arith.addf %add3A_164, %get3A_166 : vector<10240xf32>
    %get3A_168 = arith.constant 573440 : index
    %get3A_169 = vector.load %arg0[%get3A_168] : memref<983040xf32, #tpu.memory_space<vmem>>, vector<10240xf32>
    %add3A_170 = arith.addf %add3A_167, %get3A_169 : vector<10240xf32>
    %get3A_171 = arith.constant 583680 : index
    %get3A_172 = vector.load %arg0[%get3A_171] : memref<983040xf32, #tpu.memory_space<vmem>>, vector<10240xf32>
    %add3A_173 = arith.addf %add3A_170, %get3A_172 : vector<10240xf32>
    %get3A_174 = arith.constant 593920 : index
    %get3A_175 = vector.load %arg0[%get3A_174] : memref<983040xf32, #tpu.memory_space<vmem>>, vector<10240xf32>
    %add3A_176 = arith.addf %add3A_173, %get3A_175 : vector<10240xf32>
    %get3A_177 = arith.constant 604160 : index
    %get3A_178 = vector.load %arg0[%get3A_177] : memref<983040xf32, #tpu.memory_space<vmem>>, vector<10240xf32>
    %add3A_179 = arith.addf %add3A_176, %get3A_178 : vector<10240xf32>
    %get3A_180 = arith.constant 614400 : index
    %get3A_181 = vector.load %arg0[%get3A_180] : memref<983040xf32, #tpu.memory_space<vmem>>, vector<10240xf32>
    %add3A_182 = arith.addf %add3A_179, %get3A_181 : vector<10240xf32>
    %get3A_183 = arith.constant 624640 : index
    %get3A_184 = vector.load %arg0[%get3A_183] : memref<983040xf32, #tpu.memory_space<vmem>>, vector<10240xf32>
    %add3A_185 = arith.addf %add3A_182, %get3A_184 : vector<10240xf32>
    %get3A_186 = arith.constant 634880 : index
    %get3A_187 = vector.load %arg0[%get3A_186] : memref<983040xf32, #tpu.memory_space<vmem>>, vector<10240xf32>
    %add3A_188 = arith.addf %add3A_185, %get3A_187 : vector<10240xf32>
    %get3A_189 = arith.constant 645120 : index
    %get3A_190 = vector.load %arg0[%get3A_189] : memref<983040xf32, #tpu.memory_space<vmem>>, vector<10240xf32>
    %add3A_191 = arith.addf %add3A_188, %get3A_190 : vector<10240xf32>
    %swap3A_192 = arith.constant 1 : index
    %swap3A_193 = arith.constant 0 : index
    %swap3A_194 = vector.load %arg1[%swap3A_192, %swap3A_193] : memref<3x10240xf32, #tpu.memory_space<vmem>>, vector<1x10240xf32>
    %swap3A_195 = vector.shape_cast %swap3A_194 : vector<1x10240xf32> to vector<10240xf32>
    %swap3A_196 = vector.shape_cast %add3A_191 : vector<10240xf32> to vector<1x10240xf32>
    tpu.vector_store %arg1[%swap3A_192, %swap3A_193], %swap3A_196 {strides = array<i32>} : memref<3x10240xf32, #tpu.memory_space<vmem>>, vector<1x10240xf32>,
    %get3A_197 = arith.constant 655360 : index
    %get3A_198 = vector.load %arg0[%get3A_197] : memref<983040xf32, #tpu.memory_space<vmem>>, vector<10240xf32>
    %get3A_199 = arith.constant 665600 : index
    %get3A_200 = vector.load %arg0[%get3A_199] : memref<983040xf32, #tpu.memory_space<vmem>>, vector<10240xf32>
    %add3A_201 = arith.addf %get3A_198, %get3A_200 : vector<10240xf32>
    %get3A_202 = arith.constant 675840 : index
    %get3A_203 = vector.load %arg0[%get3A_202] : memref<983040xf32, #tpu.memory_space<vmem>>, vector<10240xf32>
    %add3A_204 = arith.addf %add3A_201, %get3A_203 : vector<10240xf32>
    %get3A_205 = arith.constant 686080 : index
    %get3A_206 = vector.load %arg0[%get3A_205] : memref<983040xf32, #tpu.memory_space<vmem>>, vector<10240xf32>
    %add3A_207 = arith.addf %add3A_204, %get3A_206 : vector<10240xf32>
    %get3A_208 = arith.constant 696320 : index
    %get3A_209 = vector.load %arg0[%get3A_208] : memref<983040xf32, #tpu.memory_space<vmem>>, vector<10240xf32>
    %add3A_210 = arith.addf %add3A_207, %get3A_209 : vector<10240xf32>
    %get3A_211 = arith.constant 706560 : index
    %get3A_212 = vector.load %arg0[%get3A_211] : memref<983040xf32, #tpu.memory_space<vmem>>, vector<10240xf32>
    %add3A_213 = arith.addf %add3A_210, %get3A_212 : vector<10240xf32>
    %get3A_214 = arith.constant 716800 : index
    %get3A_215 = vector.load %arg0[%get3A_214] : memref<983040xf32, #tpu.memory_space<vmem>>, vector<10240xf32>
    %add3A_216 = arith.addf %add3A_213, %get3A_215 : vector<10240xf32>
    %get3A_217 = arith.constant 727040 : index
    %get3A_218 = vector.load %arg0[%get3A_217] : memref<983040xf32, #tpu.memory_space<vmem>>, vector<10240xf32>
    %add3A_219 = arith.addf %add3A_216, %get3A_218 : vector<10240xf32>
    %get3A_220 = arith.constant 737280 : index
    %get3A_221 = vector.load %arg0[%get3A_220] : memref<983040xf32, #tpu.memory_space<vmem>>, vector<10240xf32>
    %add3A_222 = arith.addf %add3A_219, %get3A_221 : vector<10240xf32>
    %get3A_223 = arith.constant 747520 : index
    %get3A_224 = vector.load %arg0[%get3A_223] : memref<983040xf32, #tpu.memory_space<vmem>>, vector<10240xf32>
    %add3A_225 = arith.addf %add3A_222, %get3A_224 : vector<10240xf32>
    %get3A_226 = arith.constant 757760 : index
    %get3A_227 = vector.load %arg0[%get3A_226] : memref<983040xf32, #tpu.memory_space<vmem>>, vector<10240xf32>
    %add3A_228 = arith.addf %add3A_225, %get3A_227 : vector<10240xf32>
    %get3A_229 = arith.constant 768000 : index
    %get3A_230 = vector.load %arg0[%get3A_229] : memref<983040xf32, #tpu.memory_space<vmem>>, vector<10240xf32>
    %add3A_231 = arith.addf %add3A_228, %get3A_230 : vector<10240xf32>
    %get3A_232 = arith.constant 778240 : index
    %get3A_233 = vector.load %arg0[%get3A_232] : memref<983040xf32, #tpu.memory_space<vmem>>, vector<10240xf32>
    %add3A_234 = arith.addf %add3A_231, %get3A_233 : vector<10240xf32>
    %get3A_235 = arith.constant 788480 : index
    %get3A_236 = vector.load %arg0[%get3A_235] : memref<983040xf32, #tpu.memory_space<vmem>>, vector<10240xf32>
    %add3A_237 = arith.addf %add3A_234, %get3A_236 : vector<10240xf32>
    %get3A_238 = arith.constant 798720 : index
    %get3A_239 = vector.load %arg0[%get3A_238] : memref<983040xf32, #tpu.memory_space<vmem>>, vector<10240xf32>
    %add3A_240 = arith.addf %add3A_237, %get3A_239 : vector<10240xf32>
    %get3A_241 = arith.constant 808960 : index
    %get3A_242 = vector.load %arg0[%get3A_241] : memref<983040xf32, #tpu.memory_space<vmem>>, vector<10240xf32>
    %add3A_243 = arith.addf %add3A_240, %get3A_242 : vector<10240xf32>
    %get3A_244 = arith.constant 819200 : index
    %get3A_245 = vector.load %arg0[%get3A_244] : memref<983040xf32, #tpu.memory_space<vmem>>, vector<10240xf32>
    %add3A_246 = arith.addf %add3A_243, %get3A_245 : vector<10240xf32>
    %get3A_247 = arith.constant 829440 : index
    %get3A_248 = vector.load %arg0[%get3A_247] : memref<983040xf32, #tpu.memory_space<vmem>>, vector<10240xf32>
    %add3A_249 = arith.addf %add3A_246, %get3A_248 : vector<10240xf32>
    %get3A_250 = arith.constant 839680 : index
    %get3A_251 = vector.load %arg0[%get3A_250] : memref<983040xf32, #tpu.memory_space<vmem>>, vector<10240xf32>
    %add3A_252 = arith.addf %add3A_249, %get3A_251 : vector<10240xf32>
    %get3A_253 = arith.constant 849920 : index
    %get3A_254 = vector.load %arg0[%get3A_253] : memref<983040xf32, #tpu.memory_space<vmem>>, vector<10240xf32>
    %add3A_255 = arith.addf %add3A_252, %get3A_254 : vector<10240xf32>
    %get3A_256 = arith.constant 860160 : index
    %get3A_257 = vector.load %arg0[%get3A_256] : memref<983040xf32, #tpu.memory_space<vmem>>, vector<10240xf32>
    %add3A_258 = arith.addf %add3A_255, %get3A_257 : vector<10240xf32>
    %get3A_259 = arith.constant 870400 : index
    %get3A_260 = vector.load %arg0[%get3A_259] : memref<983040xf32, #tpu.memory_space<vmem>>, vector<10240xf32>
    %add3A_261 = arith.addf %add3A_258, %get3A_260 : vector<10240xf32>
    %get3A_262 = arith.constant 880640 : index
    %get3A_263 = vector.load %arg0[%get3A_262] : memref<983040xf32, #tpu.memory_space<vmem>>, vector<10240xf32>
    %add3A_264 = arith.addf %add3A_261, %get3A_263 : vector<10240xf32>
    %get3A_265 = arith.constant 890880 : index
    %get3A_266 = vector.load %arg0[%get3A_265] : memref<983040xf32, #tpu.memory_space<vmem>>, vector<10240xf32>
    %add3A_267 = arith.addf %add3A_264, %get3A_266 : vector<10240xf32>
    %get3A_268 = arith.constant 901120 : index
    %get3A_269 = vector.load %arg0[%get3A_268] : memref<983040xf32, #tpu.memory_space<vmem>>, vector<10240xf32>
    %add3A_270 = arith.addf %add3A_267, %get3A_269 : vector<10240xf32>
    %get3A_271 = arith.constant 911360 : index
    %get3A_272 = vector.load %arg0[%get3A_271] : memref<983040xf32, #tpu.memory_space<vmem>>, vector<10240xf32>
    %add3A_273 = arith.addf %add3A_270, %get3A_272 : vector<10240xf32>
    %get3A_274 = arith.constant 921600 : index
    %get3A_275 = vector.load %arg0[%get3A_274] : memref<983040xf32, #tpu.memory_space<vmem>>, vector<10240xf32>
    %add3A_276 = arith.addf %add3A_273, %get3A_275 : vector<10240xf32>
    %get3A_277 = arith.constant 931840 : index
    %get3A_278 = vector.load %arg0[%get3A_277] : memref<983040xf32, #tpu.memory_space<vmem>>, vector<10240xf32>
    %add3A_279 = arith.addf %add3A_276, %get3A_278 : vector<10240xf32>
    %get3A_280 = arith.constant 942080 : index
    %get3A_281 = vector.load %arg0[%get3A_280] : memref<983040xf32, #tpu.memory_space<vmem>>, vector<10240xf32>
    %add3A_282 = arith.addf %add3A_279, %get3A_281 : vector<10240xf32>
    %get3A_283 = arith.constant 952320 : index
    %get3A_284 = vector.load %arg0[%get3A_283] : memref<983040xf32, #tpu.memory_space<vmem>>, vector<10240xf32>
    %add3A_285 = arith.addf %add3A_282, %get3A_284 : vector<10240xf32>
    %get3A_286 = arith.constant 962560 : index
    %get3A_287 = vector.load %arg0[%get3A_286] : memref<983040xf32, #tpu.memory_space<vmem>>, vector<10240xf32>
    %add3A_288 = arith.addf %add3A_285, %get3A_287 : vector<10240xf32>
    %get3A_289 = arith.constant 972800 : index
    %get3A_290 = vector.load %arg0[%get3A_289] : memref<983040xf32, #tpu.memory_space<vmem>>, vector<10240xf32>
    %add3A_291 = arith.addf %add3A_288, %get3A_290 : vector<10240xf32>
    %swap3A_292 = arith.constant 2 : index
    %swap3A_293 = arith.constant 0 : index
    %swap3A_294 = vector.load %arg1[%swap3A_292, %swap3A_293] : memref<3x10240xf32, #tpu.memory_space<vmem>>, vector<1x10240xf32>
    %swap3A_295 = vector.shape_cast %swap3A_294 : vector<1x10240xf32> to vector<10240xf32>
    %swap3A_296 = vector.shape_cast %add3A_291 : vector<10240xf32> to vector<1x10240xf32>
    tpu.vector_store %arg1[%swap3A_292, %swap3A_293], %swap3A_296 {strides = array<i32>} : memref<3x10240xf32, #tpu.memory_space<vmem>>, vector<1x10240xf32>,
    return
  }
}

</mosaic_0001>

<sc_bundles>
// kernel: kernel.4.cloned.1.call-start
scs
__scs_entry_jumppad:
0x0: {  	(pc) =	sbr.rel $0x88, $3  }
0x1: {  	(tag) =	ssettag $0x0;
	lr =	simm.s32 $0x1  }
0x2: {  	[smem:$0x3F9E] =	sst lr;
	_ =	strace $0xD0000000  }
0x3: {  	_ = 	snop  }
0x4: {  	_ = 	snop  }
0x5: {  	_ = 	snop  }
0x6: {  	_ = 	snop  }
0x7: {  	_ = 	snop  }
__scs_overlays_trampoline_lowered:
0x8: {  	[smem:$0x3FAD] =	sst s0  }
0x9: {  	[smem:$0x3FAE] =	sst s1  }
0xa: {  	[smem:$0x3FAF] =	sst s2  }
0xb: {  	[smem:$0x3FB0] =	sst s3  }
0xc: {  	[smem:$0x3FB1] =	sst s4  }
0xd: {  	[smem:$0x3FB2] =	sst s5  }
0xe: {  	[smem:$0x3FB3] =	sst s6  }
0xf: {  	[smem:$0x3FB4] =	sst s7  }
0x10: {  	[smem:$0x3FB5] =	sst s8  }
0x11: {  	[smem:$0x3FB6] =	sst s9;
	s0 =	simm.s32 @!p0 $0x0  }
0x12: {  	s1 =	sld [smem:$0x3F9C];
	s0 =	simm.s32 @p0 $0x1  }
0x13: {  	[smem:$0x3FB7] =	sst s0;
	s0 =	simm.s32 @!p1 $0x0  }
0x14: {  	s2 =	sld [smem:$0x3F9B];
	s0 =	simm.s32 @p1 $0x1  }
0x15: {  	[smem:$0x3FB8] =	sst s0;
	s0 =	simm.s32 @!p2 $0x0  }
0x16: {  	s3 =	sld [smem:$0x3FDB];
	s0 =	simm.s32 @p2 $0x1  }
0x17: {  	s4 =	simm.s32 $0x1BF5;
	[smem:$0x3FBA] =	sst s0  }
0x18: {  	s0 =	sld [smem:$0x3F9D];
	_ =	swait.ge [sflag:s4], $0x0  }
0x19: {  	s7 =	sld [smem:$0x3F9E]  }
0x1a: {  	s8 =	sadd.s32 $0xFFFFE003, lr  }
0x1b: {  	s9 =	sadd.s32 $0xFFFFFEF7, lr;
	s5 =	simm.s32 $0xFFFFFFFF;
	p2 =	slt.u32 s8, $0xFFFFF086  }
0x1c: {  	p1 =	slt.u32 s9, $0xF7A;
	s5 =	simm.s32 @!p2 $0x0  }
0x1d: {  	s5 =	simm.s32 @p1 $0x1;
	p0 =	seq.s32 s7, s2  }
0x1e: {  	s7 =	smul.u32 @!p0 $0xF7A, s2;
	p2 =	seq.s32 @!p0 s5, $0x0  }
0x1f: {  	s9 =	smul.u32 $0xF7A, s1;
	s8 =	simm.s32 @!p0 $0x1BF5;
	p2 =	por !p2, p0  }
0x20: {  	[sflag:s8] =	ssyncset.s32 @!p0 $0xFFFFF086;
	s6 =	sadd.s32 @!p0 s3, s7;
	s7 =	simm.s32 @!p0 $0x108  }
0x21: {  	s3 =	sadd.s32 s3, s9;
	s6 =	sadd.s32 @!p0 $0x88, s6;
	s7 =	simm.s32 @p2 $0x1082  }
0x22: {  	[simem:s7], [sflag:s8] =	dma.local @!p0 [hbm:s6], $0xF7A  }
0x23: {  	s9 =	sor.u32 $0xD0000000, s2;
	s6 =	simm.s32 $0x108;
	_ =	swait.ge @!p0 [sflag:s8], $0x0  }
0x24: {  	s3 =	sadd.s32 $0x88, s3;
	s6 =	simm.s32 @!p1 $0x1082;
	[sflag:s4] =	ssyncset.s32 $0xFFFFF086  }
0x25: {  	[simem:s6], [sflag:s4] =	dma.local [hbm:s3], $0xF7A  }
0x26: {  	[smem:$0x3F9E] =	sst s1;
	(tag) =	ssettag s2;
	_ =	strace s9  }
0x27: {  	s1 =	sld [smem:$0x3FAE]  }
0x28: {  	s2 =	sld [smem:$0x3FAF]  }
0x29: {  	s4 =	sld [smem:$0x3FB1]  }
0x2a: {  	p0 =	seq.s32 s5, $0x0;
	s5 =	sld [smem:$0x3FB2]  }
0x2b: {  	s6 =	sld [smem:$0x3FB3]  }
0x2c: {  	s7 =	sld [smem:$0x3FB4]  }
0x2d: {  	s3 =	simm.s32 $0x108;
	s8 =	sld [smem:$0x3FB5]  }
0x2e: {  	s3 =	simm.s32 @!p0 $0x1082;
	s9 =	sld [smem:$0x3FB6]  }
0x2f: {  	lr =	sadd.s32 s0, s3;
	s0 =	sld [smem:$0x3FAD]  }
0x30: {  	s3 =	sld [smem:$0x3FB0]  }
0x31: {  	[smem:$0x3FB9] =	sst s10  }
0x32: {  	s10 =	sld [smem:$0x3FB7];
	_ =	sdelay $0x3  }
0x33: {  	p0 =	seq.s32 s10, $0x1;
	s10 =	sld [smem:$0x3FB9];
	_ =	sdelay $0x3  }
0x34: {  	[smem:$0x3FB9] =	sst s10  }
0x35: {  	s10 =	sld [smem:$0x3FB8];
	_ =	sdelay $0x3  }
0x36: {  	p1 =	seq.s32 s10, $0x1;
	s10 =	sld [smem:$0x3FB9];
	_ =	sdelay $0x3  }
0x37: {  	[smem:$0x3FB9] =	sst s10  }
0x38: {  	s10 =	sld [smem:$0x3FBA]  }
0x39: {  	_ = 	snop;
	(pc) =	sbr.ind lr, $3  }
0x3a: {  	_ = 	snop  }
0x3b: {  	_ = 	snop  }
0x3c: {  	p2 =	seq.s32 s10, $0x1;
	s10 =	sld [smem:$0x3FB9]  }
0x3d: {  	_ =	shalt  }
0x3e: {  	_ =	shalt  }
0x3f: {  	_ =	shalt  }
0x40: {  	_ =	shalt  }
0x41: {  	_ =	shalt  }
0x42: {  	_ =	shalt  }
0x43: {  	_ =	shalt  }
0x44: {  	_ =	shalt  }
0x45: {  	_ =	shalt  }
0x46: {  	_ =	shalt  }
0x47: {  	_ =	shalt  }
0x48: {  	_ =	shalt  }
0x49: {  	_ =	shalt  }
0x4a: {  	_ =	shalt  }
0x4b: {  	_ =	shalt  }
0x4c: {  	_ =	shalt  }
0x4d: {  	_ =	shalt  }
0x4e: {  	_ =	shalt  }
0x4f: {  	_ =	shalt  }
0x50: {  	_ =	shalt  }
0x51: {  	_ =	shalt  }
0x52: {  	_ =	shalt  }
0x53: {  	_ =	shalt  }
0x54: {  	_ =	shalt  }
0x55: {  	_ =	shalt  }
0x56: {  	_ =	shalt  }
0x57: {  	_ =	shalt  }
0x58: {  	_ =	shalt  }
0x59: {  	_ =	shalt  }
0x5a: {  	_ =	shalt  }
0x5b: {  	_ =	shalt  }
0x5c: {  	_ =	shalt  }
0x5d: {  	_ =	shalt  }
0x5e: {  	_ =	shalt  }
0x5f: {  	_ =	shalt  }
0x60: {  	_ =	shalt  }
0x61: {  	_ =	shalt  }
0x62: {  	_ =	shalt  }
0x63: {  	_ =	shalt  }
0x64: {  	_ =	shalt  }
0x65: {  	_ =	shalt  }
0x66: {  	_ =	shalt  }
0x67: {  	_ =	shalt  }
0x68: {  	_ =	shalt  }
0x69: {  	_ =	shalt  }
0x6a: {  	_ =	shalt  }
0x6b: {  	_ =	shalt  }
0x6c: {  	_ =	shalt  }
0x6d: {  	_ =	shalt  }
0x6e: {  	_ =	shalt  }
0x6f: {  	_ =	shalt  }
0x70: {  	_ =	shalt  }
0x71: {  	_ =	shalt  }
0x72: {  	_ =	shalt  }
0x73: {  	_ =	shalt  }
0x74: {  	_ =	shalt  }
0x75: {  	_ =	shalt  }
0x76: {  	_ =	shalt  }
0x77: {  	_ =	shalt  }
0x78: {  	_ =	shalt  }
0x79: {  	_ =	shalt  }
0x7a: {  	_ =	shalt  }
0x7b: {  	_ =	shalt  }
0x7c: {  	_ =	shalt  }
0x7d: {  	_ =	shalt  }
0x7e: {  	_ =	shalt  }
0x7f: {  	_ =	shalt  }
0x80: {  	_ =	shalt  }
0x81: {  	_ =	shalt  }
0x82: {  	_ =	shalt  }
0x83: {  	_ =	shalt  }
0x84: {  	_ =	shalt  }
0x85: {  	_ =	shalt  }
0x86: {  	_ =	shalt  }
0x87: {  	_ =	shalt  }
.Lfunc_end0:
.L_simem_size_0:
called_computation_lowered:
.L_overlay_start_0:
0x88: {  	s2 =	sld [smem:$0x3FD9]  }
0x89: {  	s3 =	sld [smem:$0x3FFE];
	_ =	sdelay $0x1  }
0x8a: {  	s1 =	srdreg.scid  }
0x8b: {  	s0 =	sand.u32 $0x1, s1  }
0x8c: {  	s17 =	sshll.u32 s0, $0xA;
	s2 =	sadd.s32 s3, s2  }
0x8d: {  	s2 =	sadd.s32 s2, s17  }
0x8e: {  	[smem:$0x3FC5] =	sst s2  }
0x8f: {  	_ = 	snop  }
0x90: {  	s2 =	sld [smem:$0x3FC8]  }
0x91: {  	s18 =	sld [smem:$0x3FC7];
	(tm) =	ssettm $0x1  }
0x92: {  	s4 =	sld [smem:$0x3FFB];
	_ =	sdelay $0x3  }
0x93: {  	_ =	strace s4  }
0x94: {  	s4 =	sld [smem:$0x3FFC];
	_ =	sdelay $0x3  }
0x95: {  	_ =	strace s4  }
0x96: {  	s4 =	sld [smem:$0x3FFD];
	_ =	sdelay $0x3  }
0x97: {  	_ =	strace s4  }
0x98: {  	_ =	strace $0x8FFFFFFF  }
0x99: {  	s19 =	sld [smem:$0x3FDB];
	_ =	sdelay $0x1  }
0x9a: {  	s5 =	simm.s32 $_scs_section_size  }
0x9b: {  	s6 =	simm.s32 $_size__tile_overlayer_lowered;
	s7 =	simm.s32 $_tile_overlayer_lowered  }
0x9c: {  	s22 =	simm.s32 $0x1BFF;
	s21 =	sshll.u32 s7, $0x1;
	s4 =	sadd.s32 s5, s19  }
0x9d: {  	s8 =	simm.s32 $0x0;
	s20 =	sshll.u32 s6, $0x1;
	s6 =	sadd.s32 s21, s4  }
0x9e: {  	[timem:s8], [sflag:s22] =	dma.local [hbm:s6], s20  }
0x9f: {  	_ =	swait.ge [sflag:s22], s20  }
0xa0: {  	s5 =	ssub.s32 $0x0, s20;
	[sflag:s22] =	ssyncset.done $0x0  }
0xa1: {  	[sflag:s22] =	ssyncadd.s32 s5;
	_ =	sdelay $0x1  }
0xa2: {  	s23 =	simm.s32 $0x1B8B  }
0xa3: {  	_ =	swait.ge [sflag:s23], $0x1  }
0xa4: {  	[sflag:s23] =	ssyncset.done $0x0  }
0xa5: {  	s25 =	simm.s32 $0x1B8E;
	s24 =	sld [smem:$0x3FFE];
	[sflag:s23] =	ssyncadd.s32 $0xFFFFFFFF  }
0xa6: {  	s26 =	simm.s32 $execute0_lowered;
	[smem:$0x3FD2] =	sst s25  }
0xa7: {  	s6 =	sshll.u32 s26, $0x1;
	_ =	strace $0x80000046;
	[dreg:$0x1] =	wrdreg $0xFFFFFFFF  }
0xa8: {  	s28 =	simm.s32 $_size_execute0_lowered;
	s4 =	sadd.s32 s4, s6;
	[dreg:$0x0] =	wrdreg $0x0  }
0xa9: {  	s6 =	sshll.u32 s28, $0x1;
	[dreg:$0x2] =	wrdreg s4  }
0xaa: {  	[dreg:$0x3] =	wrdreg s6  }
0xab: {  	[dreg:$0x4] =	wrdreg $0xC0  }
0xac: {  	_ =	task [dreg:s8], $0x5FFFF  }
0xad: {  	[dreg:$0x1] =	wrdreg $0xFFFFFFFF  }
0xae: {  	[dreg:$0x0] =	wrdreg $0x60  }
0xaf: {  	[dreg:$0x2] =	wrdreg s24  }
0xb0: {  	[dreg:$0x3] =	wrdreg s2  }
0xb1: {  	[dreg:$0x4] =	wrdreg s18  }
0xb2: {  	[dreg:$0x5] =	wrdreg $0x9  }
0xb3: {  	_ =	task.clear_ibuf [dreg:s8], $0x6FFFF;
	_ =	strace $0x90000046  }
0xb4: {  	s29 =	simm.s32 $0x9;
	_ =	strace $0x80000048  }
0xb5: {  	_ =	swait.ge [sflag:s29], $0x1  }
0xb6: {  	[sflag:s29] =	ssyncadd.s32 $0xFFFFFFFF  }
0xb7: {  	_ =	strace $0x90000048  }
0xb8: {  	_ =	sfence  }
0xb9: {  	s30 =	sld [smem:$0x0];
	_ =	sdelay $0x2  }
0xba: {  	s31 =	sshll.u32 s1, $0xD;
	s1 =	sshrl.u32 s1, $0x2  }
0xbb: {  	s3 =	sand.u32 $0x4000, s31;
	s1 =	sadd.s32 s1, s30  }
0xbc: {  	s0 =	sor.u32 s3, s0;
	s1 =	sshll.u32 s1, $0x11  }
0xbd: {  	s0 =	sor.u32 s1, s0  }
0xbe: {  	s0 =	sadd.s32 $0x8F2B, s0  }
0xbf: {  	[sflag:s0] =	ssyncadd.remote.s32 $0x1  }
0xc0: {  	_ =	sfence.sel $0xFFFF  }
0xc1: {  	[dreg:$0x0] =	wrdreg $0xFFFFFFFF;
	(pc) =	sbr.abs _section_cstart, $3  }
0xc2: {  	[dreg:$0x1] =	wrdreg $0xFFFFFFFF  }
0xc3: {  	_ =	task.clear_ibuf [dreg:s8], $0x2FFFF;
	_ =	strace $0x9FFFFFFF  }
0xc4: {  	(tm) =	ssettm $0x7FFFFFFF  }
0xc5: {  	_ =	shalt  }
tec
execute0_lowered:
.L_overlay_start_1:
0x0: {  	(tag) =	ssettag $0x1  }
0x1: {  	s2 =	srdreg.scid;
	s4 =	stileid.u32  }
0x2: {  	s0 =	rddreg [dreg:$0x0];
	s2 =	sand.u32 $0x1, s2;
	s4 =	sshll.u32 s4, $0x1  }
0x3: {  	s12 =	rddreg [dreg:$0x1];
	s4 =	sor.u32 s2, s4  }
0x4: {  	s1 =	rddreg [dreg:$0x2];
	s6 =	smul.u32 $0x4E20, s4  }
0x5: {  	s3 =	simm.s32 $0x0;
	s5 =	sadd.s32 $0x27C00, s0;
	s30 =	smul.u32 $0x500, s4  }
0x6: {  	s7 =	sadd.s32 $0x14200, s0;
	s8 =	sadd.s32 $0x800, s0;
	s0 =	sadd.s32 $0x3B600, s0  }
0x7: {  	[smem:$0x7FF] =	sst s3;
	s6 =	sshrl.u32 s6, $0x3;
	s16 =	sadd.s32 s0, s30  }
0x8: {  	_ =	strace $0x80000047;
	s22 =	sadd.s32 s5, s6;
	[dreg:$0x10] =	wrdreg s16  }
0x9: {  	s23 =	sadd.s32 s7, s6;
	[dreg:$0x4] =	wrdreg s22  }
0xa: {  	s10 =	sadd.s32 s8, s6;
	[dreg:$0x5] =	wrdreg s23  }
0xb: {  	s25 =	sadd.s32 s12, s6;
	[dreg:$0x6] =	wrdreg s10  }
0xc: {  	s24 =	sadd.s32 $0x1F4, s6;
	s19 =	sadd.s32 s1, s6;
	[dreg:$0x7] =	wrdreg s25  }
0xd: {  	s26 =	sadd.s32 s5, s24;
	[dreg:$0x13] =	wrdreg s19  }
0xe: {  	s2 =	ssub.s32 $0x2, s2;
	s28 =	sadd.s32 s7, s24;
	[dreg:$0x8] =	wrdreg s26  }
0xf: {  	s9 =	sshrl.u32 s2, $0x1;
	s29 =	sadd.s32 s8, s24;
	[dreg:$0x9] =	wrdreg s28  }
0x10: {  	s2 =	ssub.s32 s2, s9;
	s11 =	sadd.s32 s12, s24;
	[dreg:$0xa] =	wrdreg s29  }
0x11: {  	s31 =	sadd.s32 $0x3E8, s6;
	s9 =	sadd.s32 s1, s24;
	[dreg:$0xb] =	wrdreg s11  }
0x12: {  	s13 =	sadd.s32 s5, s31;
	[dreg:$0xc] =	wrdreg s9  }
0x13: {  	s4 =	smul.u32 $0x2800, s4;
	s14 =	sadd.s32 s7, s31;
	[dreg:$0xd] =	wrdreg s13  }
0x14: {  	s15 =	sadd.s32 s8, s31;
	[dreg:$0xe] =	wrdreg s14  }
0x15: {  	s4 =	sshrl.u32 s4, $0x3;
	s17 =	sadd.s32 s12, s31;
	[dreg:$0xf] =	wrdreg s15  }
0x16: {  	s20 =	sadd.s32 $0x5DC, s6;
	s18 =	sadd.s32 s1, s31;
	[dreg:$0x11] =	wrdreg s17  }
0x17: {  	s0 =	sadd.s32 s0, s4;
	s21 =	sadd.s32 s5, s20;
	[dreg:$0x12] =	wrdreg s18  }
0x18: {  	s6 =	sadd.s32 $0x7D0, s6;
	s22 =	sadd.s32 s7, s20;
	[dreg:$0x14] =	wrdreg s21  }
0x19: {  	s16 =	simm.s32 $0x7;
	s23 =	sadd.s32 s8, s20;
	[dreg:$0x15] =	wrdreg s22  }
0x1a: {  	s24 =	sadd.s32 s12, s20;
	s4 =	sadd.s32 s1, s20;
	[dreg:$0x16] =	wrdreg s23  }
0x1b: {  	s25 =	sadd.s32 s5, s6;
	s1 =	sadd.s32 s1, s6;
	[dreg:$0x17] =	wrdreg s24  }
0x1c: {  	s30 =	sadd.s32 $0xA000, s0;
	s0 =	sadd.s32 $0x14000, s0;
	[dreg:$0x18] =	wrdreg s4  }
0x1d: {  	s31 =	smax.u32 s2, $0x1;
	s5 =	simm.s32 $0x6000;
	[dreg:$0x19] =	wrdreg s25  }
0x1e: {  	s10 =	simm.s32 $0x4;
	s19 =	simm.s32 $0xA;
	[dreg:$0x1c] =	wrdreg s1  }
0x1f: {  	s20 =	simm.s32 $0xB;
	s26 =	sadd.s32 s7, s6;
	[dreg:$0x1e] =	wrdreg s30  }
0x20: {  	s28 =	sadd.s32 s8, s6;
	s29 =	sadd.s32 s12, s6;
	[dreg:$0x1f] =	wrdreg s0  }
0x21: {  	[smem:$0x7FD] =	sst s31;
	s4 =	simm.s32 $0x1000;
	s6 =	simm.s32 $0x8000  }
0x22: {  	s7 =	simm.s32 $0x1;
	s8 =	simm.s32 $0x2;
	s9 =	simm.s32 $0x3  }
0x23: {  	s11 =	simm.s32 $0x5;
	s12 =	simm.s32 $0xA000;
	s13 =	simm.s32 $0xC780  }
0x24: {  	s14 =	simm.s32 $0xEF00;
	s15 =	simm.s32 $0x6;
	s17 =	simm.s32 $0x8  }
0x25: {  	s18 =	simm.s32 $0x9;
	s21 =	simm.s32 $0x11680;
	[dreg:$0x1a] =	wrdreg s26  }
0x26: {  	s22 =	simm.s32 $0x13E00;
	s23 =	simm.s32 $0x16580;
	[dreg:$0x1b] =	wrdreg s28  }
0x27: {  	v0 =	vimm.f32 $0.0e+00;
	s24 =	simm.s32 $0xC;
	s25 =	simm.s32 $0x0;
	[dreg:$0x1d] =	wrdreg s29  }
.LBB2_1:
0x28: {  	s0 =	rddreg [dreg:$0x4]  }
0x29: {  	[tilespmem:s3], [sflag:$0x1] =	stream.linear.gather [hbm4b:s0+s3], $0xFA0, $0x38;
	[tilespmem:$0x1B480] =	vst v63  }
0x2a: {  	s2 =	rddreg [dreg:$0x5]  }
0x2b: {  	[tilespmem:s4], [sflag:$0x2] =	stream.linear.gather [hbm4b:s2+s3], $0xFA0, $0x38;
	[tilespmem:$0x1B480] =	vst v63  }
0x2c: {  	s26 =	rddreg [dreg:$0x6];
	s1 =	simm.s32 $0x2000  }
0x2d: {  	[tilespmem:s1], [sflag:$0x3] =	stream.linear.gather [hbm4b:s26+s3], $0xFA0, $0x38;
	[tilespmem:$0x1B480] =	vst v63  }
0x2e: {  	s1 =	rddreg [dreg:$0x7]  }
0x2f: {  	[tilespmem:s5], [sflag:$0x4] =	stream.linear.gather [hbm4b:s1+s3], $0xFA0, $0x38;
	[tilespmem:$0x1B480] =	vst v63  }
0x30: {  	s2 =	rddreg [dreg:$0x13]  }
0x31: {  	[tilespmem:s6], [sflag:$0x5] =	stream.linear.gather [hbm4b:s2+s3], $0xFA0, $0x38;
	[tilespmem:$0x1B480] =	vst v63  }
0x32: {  	s4 =	rddreg [dreg:$0x1];
	s26 =	simm.s32 $0x18D00;
	s2 =	simm.s32 $0xA0C0  }
0x33: {  	[tilespmem:s26], [sflag:$0xB] =	stream.linear.gather [hbm4b:s4+s3], $0x2710, $0x38;
	[tilespmem:$0x1B480] =	vst v63  }
0x34: {  	[tilespmem:s2+$0xFFFFFF50] =	vst v0  }
0x35: {  	[tilespmem:s2+$0xFFFFFF60] =	vst v0  }
0x36: {  	[tilespmem:s2+$0xFFFFFF70] =	vst v0  }
0x37: {  	[tilespmem:s2+$0xFFFFFF80] =	vst v0  }
0x38: {  	[tilespmem:s2+$0xFFFFFF90] =	vst v0  }
0x39: {  	[tilespmem:s2+$0xFFFFFFA0] =	vst v0  }
0x3a: {  	[tilespmem:s2+$0xFFFFFFB0] =	vst v0  }
0x3b: {  	[tilespmem:s2+$0xFFFFFFD0] =	vst v0  }
0x3c: {  	[tilespmem:s2+$0xFFFFFFE0] =	vst v0  }
0x3d: {  	[tilespmem:s2+$0xFFFFFFF0] =	vst v0  }
0x3e: {  	[tilespmem:s2+$0x0] =	vst v0  }
0x3f: {  	[tilespmem:s2+$0x10] =	vst v0  }
0x40: {  	[tilespmem:s2+$0x20] =	vst v0  }
0x41: {  	[tilespmem:s2+$0x30] =	vst v0  }
0x42: {  	[tilespmem:s2+$0x50] =	vst v0  }
0x43: {  	[tilespmem:s2+$0x60] =	vst v0  }
0x44: {  	[tilespmem:s2+$0x70] =	vst v0  }
0x45: {  	[tilespmem:s2+$0x80] =	vst v0  }
0x46: {  	[tilespmem:s2+$0x90] =	vst v0  }
0x47: {  	[tilespmem:s2+$0xA0] =	vst v0  }
0x48: {  	[tilespmem:s2+$0xB0] =	vst v0  }
0x49: {  	s4 =	sand.u32 $0x3FF0, s3;
	[tilespmem:s2+$0xFFFFFF40] =	vst v0  }
0x4a: {  	[tilespmem:s4+$0x16700] =	vst v0  }
0x4b: {  	[tilespmem:s4+$0xA080] =	vst v0  }
0x4c: {  	[tilespmem:s4+$0xC800] =	vst v0  }
0x4d: {  	[tilespmem:s4+$0xEF80] =	vst v0  }
0x4e: {  	[tilespmem:s4+$0x11700] =	vst v0  }
0x4f: {  	[tilespmem:s4+$0x13E80] =	vst v0  }
0x50: {  	[tilespmem:s4+$0x16600] =	vst v0  }
0x51: {  	[tilespmem:s4+$0xA100] =	vst v0  }
0x52: {  	[tilespmem:s4+$0xC880] =	vst v0  }
0x53: {  	[tilespmem:s4+$0xF000] =	vst v0  }
0x54: {  	[tilespmem:s4+$0x11780] =	vst v0  }
0x55: {  	[tilespmem:s4+$0x13F00] =	vst v0  }
0x56: {  	[tilespmem:s4+$0x16680] =	vst v0  }
0x57: {  	[tilespmem:s4+$0xA180] =	vst v0  }
0x58: {  	[tilespmem:s4+$0xC900] =	vst v0  }
0x59: {  	[tilespmem:s4+$0xF080] =	vst v0  }
0x5a: {  	[tilespmem:s4+$0x11800] =	vst v0  }
0x5b: {  	s26 =	simm.s32 $0xC840;
	[tilespmem:s4+$0x13F80] =	vst v0  }
0x5c: {  	[tilespmem:s26+$0xFFFFFF50] =	vst v0  }
0x5d: {  	[tilespmem:s26+$0xFFFFFF60] =	vst v0  }
0x5e: {  	[tilespmem:s26+$0xFFFFFF70] =	vst v0  }
0x5f: {  	[tilespmem:s26+$0xFFFFFF80] =	vst v0  }
0x60: {  	[tilespmem:s26+$0xFFFFFF90] =	vst v0  }
0x61: {  	[tilespmem:s26+$0xFFFFFFA0] =	vst v0  }
0x62: {  	[tilespmem:s26+$0xFFFFFFB0] =	vst v0  }
0x63: {  	[tilespmem:s26+$0xFFFFFFD0] =	vst v0  }
0x64: {  	[tilespmem:s26+$0xFFFFFFE0] =	vst v0  }
0x65: {  	[tilespmem:s26+$0xFFFFFFF0] =	vst v0  }
0x66: {  	[tilespmem:s26+$0x0] =	vst v0  }
0x67: {  	[tilespmem:s26+$0x10] =	vst v0  }
0x68: {  	[tilespmem:s26+$0x20] =	vst v0  }
0x69: {  	[tilespmem:s26+$0x30] =	vst v0  }
0x6a: {  	[tilespmem:s26+$0x50] =	vst v0  }
0x6b: {  	[tilespmem:s26+$0x60] =	vst v0  }
0x6c: {  	[tilespmem:s26+$0x70] =	vst v0  }
0x6d: {  	[tilespmem:s26+$0x80] =	vst v0  }
0x6e: {  	[tilespmem:s26+$0x90] =	vst v0  }
0x6f: {  	[tilespmem:s26+$0xA0] =	vst v0  }
0x70: {  	[tilespmem:s26+$0xB0] =	vst v0  }
0x71: {  	s28 =	simm.s32 $0xEFC0;
	[tilespmem:s26+$0xFFFFFF40] =	vst v0  }
0x72: {  	[tilespmem:s28+$0xFFFFFF50] =	vst v0  }
0x73: {  	[tilespmem:s28+$0xFFFFFF60] =	vst v0  }
0x74: {  	[tilespmem:s28+$0xFFFFFF70] =	vst v0  }
0x75: {  	[tilespmem:s28+$0xFFFFFF80] =	vst v0  }
0x76: {  	[tilespmem:s28+$0xFFFFFF90] =	vst v0  }
0x77: {  	[tilespmem:s28+$0xFFFFFFA0] =	vst v0  }
0x78: {  	[tilespmem:s28+$0xFFFFFFB0] =	vst v0  }
0x79: {  	[tilespmem:s28+$0xFFFFFFD0] =	vst v0  }
0x7a: {  	[tilespmem:s28+$0xFFFFFFE0] =	vst v0  }
0x7b: {  	[tilespmem:s28+$0xFFFFFFF0] =	vst v0  }
0x7c: {  	[tilespmem:s28+$0x0] =	vst v0  }
0x7d: {  	[tilespmem:s28+$0x10] =	vst v0  }
0x7e: {  	[tilespmem:s28+$0x20] =	vst v0  }
0x7f: {  	[tilespmem:s28+$0x30] =	vst v0  }
0x80: {  	[tilespmem:s28+$0x50] =	vst v0  }
0x81: {  	[tilespmem:s28+$0x60] =	vst v0  }
0x82: {  	[tilespmem:s28+$0x70] =	vst v0  }
0x83: {  	[tilespmem:s28+$0x80] =	vst v0  }
0x84: {  	[tilespmem:s28+$0x90] =	vst v0  }
0x85: {  	[tilespmem:s28+$0xA0] =	vst v0  }
0x86: {  	[tilespmem:s28+$0xB0] =	vst v0  }
0x87: {  	s29 =	simm.s32 $0x11740;
	[tilespmem:s28+$0xFFFFFF40] =	vst v0  }
0x88: {  	[tilespmem:s29+$0xFFFFFF50] =	vst v0  }
0x89: {  	[tilespmem:s29+$0xFFFFFF60] =	vst v0  }
0x8a: {  	[tilespmem:s29+$0xFFFFFF70] =	vst v0  }
0x8b: {  	[tilespmem:s29+$0xFFFFFF80] =	vst v0  }
0x8c: {  	[tilespmem:s29+$0xFFFFFF90] =	vst v0  }
0x8d: {  	[tilespmem:s29+$0xFFFFFFA0] =	vst v0  }
0x8e: {  	[tilespmem:s29+$0xFFFFFFB0] =	vst v0  }
0x8f: {  	[tilespmem:s29+$0xFFFFFFD0] =	vst v0  }
0x90: {  	[tilespmem:s29+$0xFFFFFFE0] =	vst v0  }
0x91: {  	[tilespmem:s29+$0xFFFFFFF0] =	vst v0  }
0x92: {  	[tilespmem:s29+$0x0] =	vst v0  }
0x93: {  	[tilespmem:s29+$0x10] =	vst v0  }
0x94: {  	[tilespmem:s29+$0x20] =	vst v0  }
0x95: {  	[tilespmem:s29+$0x30] =	vst v0  }
0x96: {  	[tilespmem:s29+$0x50] =	vst v0  }
0x97: {  	[tilespmem:s29+$0x60] =	vst v0  }
0x98: {  	[tilespmem:s29+$0x70] =	vst v0  }
0x99: {  	[tilespmem:s29+$0x80] =	vst v0  }
0x9a: {  	[tilespmem:s29+$0x90] =	vst v0  }
0x9b: {  	[tilespmem:s29+$0xA0] =	vst v0  }
0x9c: {  	[tilespmem:s29+$0xB0] =	vst v0  }
0x9d: {  	s30 =	simm.s32 $0x13EC0;
	[tilespmem:s29+$0xFFFFFF40] =	vst v0  }
0x9e: {  	[tilespmem:s30+$0xFFFFFF50] =	vst v0  }
0x9f: {  	[tilespmem:s30+$0xFFFFFF60] =	vst v0  }
0xa0: {  	[tilespmem:s30+$0xFFFFFF70] =	vst v0  }
0xa1: {  	[tilespmem:s30+$0xFFFFFF80] =	vst v0  }
0xa2: {  	[tilespmem:s30+$0xFFFFFF90] =	vst v0  }
0xa3: {  	[tilespmem:s30+$0xFFFFFFA0] =	vst v0  }
0xa4: {  	[tilespmem:s30+$0xFFFFFFB0] =	vst v0  }
0xa5: {  	[tilespmem:s30+$0xFFFFFFD0] =	vst v0  }
0xa6: {  	[tilespmem:s30+$0xFFFFFFE0] =	vst v0  }
0xa7: {  	[tilespmem:s30+$0xFFFFFFF0] =	vst v0  }
0xa8: {  	[tilespmem:s30+$0x0] =	vst v0  }
0xa9: {  	[tilespmem:s30+$0x10] =	vst v0  }
0xaa: {  	[tilespmem:s30+$0x20] =	vst v0  }
0xab: {  	[tilespmem:s30+$0x30] =	vst v0  }
0xac: {  	[tilespmem:s30+$0x50] =	vst v0  }
0xad: {  	[tilespmem:s30+$0x60] =	vst v0  }
0xae: {  	[tilespmem:s30+$0x70] =	vst v0  }
0xaf: {  	[tilespmem:s30+$0x80] =	vst v0  }
0xb0: {  	[tilespmem:s30+$0x90] =	vst v0  }
0xb1: {  	[tilespmem:s30+$0xA0] =	vst v0  }
0xb2: {  	[tilespmem:s30+$0xB0] =	vst v0  }
0xb3: {  	s31 =	simm.s32 $0x16640;
	[tilespmem:s30+$0xFFFFFF40] =	vst v0  }
0xb4: {  	[tilespmem:s31+$0xFFFFFF50] =	vst v0  }
0xb5: {  	[tilespmem:s31+$0xFFFFFF60] =	vst v0  }
0xb6: {  	[tilespmem:s31+$0xFFFFFF70] =	vst v0  }
0xb7: {  	[tilespmem:s31+$0xFFFFFF80] =	vst v0  }
0xb8: {  	[tilespmem:s31+$0xFFFFFF90] =	vst v0  }
0xb9: {  	[tilespmem:s31+$0xFFFFFFA0] =	vst v0  }
0xba: {  	[tilespmem:s31+$0xFFFFFFB0] =	vst v0  }
0xbb: {  	[tilespmem:s31+$0xFFFFFFD0] =	vst v0  }
0xbc: {  	[tilespmem:s31+$0xFFFFFFE0] =	vst v0  }
0xbd: {  	[tilespmem:s31+$0xFFFFFFF0] =	vst v0  }
0xbe: {  	[tilespmem:s31+$0x0] =	vst v0  }
0xbf: {  	[tilespmem:s31+$0x10] =	vst v0  }
0xc0: {  	[tilespmem:s31+$0x20] =	vst v0  }
0xc1: {  	[tilespmem:s31+$0x30] =	vst v0  }
0xc2: {  	[tilespmem:s31+$0x50] =	vst v0  }
0xc3: {  	[tilespmem:s31+$0x60] =	vst v0  }
0xc4: {  	[tilespmem:s31+$0x70] =	vst v0  }
0xc5: {  	[tilespmem:s31+$0x80] =	vst v0  }
0xc6: {  	[tilespmem:s31+$0x90] =	vst v0  }
0xc7: {  	[tilespmem:s31+$0xA0] =	vst v0  }
0xc8: {  	[tilespmem:s31+$0xB0] =	vst v0  }
0xc9: {  	s0 =	simm.s32 $0x0;
	s1 =	simm.s32 $0x0;
	s2 =	simm.s32 $0xA250;
	[tilespmem:s31+$0xFFFFFF40] =	vst v0  }
.LBB2_2:
0xca: {  	[tilespmem:s2+$0xFFFFFF50] =	vst v0;
	s26 =	sadd.s32 $0x190, s26  }
0xcb: {  	s28 =	sadd.s32 $0x190, s28;
	[tilespmem:s26+$0xFFFFFF50] =	vst v0  }
0xcc: {  	s29 =	sadd.s32 $0x190, s29;
	[tilespmem:s28+$0xFFFFFF50] =	vst v0  }
0xcd: {  	s30 =	sadd.s32 $0x190, s30;
	[tilespmem:s29+$0xFFFFFF50] =	vst v0  }
0xce: {  	s31 =	sadd.s32 $0x190, s31;
	[tilespmem:s30+$0xFFFFFF50] =	vst v0  }
0xcf: {  	[tilespmem:s31+$0xFFFFFF50] =	vst v0  }
0xd0: {  	[tilespmem:s2+$0xFFFFFF60] =	vst v0  }
0xd1: {  	[tilespmem:s26+$0xFFFFFF60] =	vst v0  }
0xd2: {  	[tilespmem:s28+$0xFFFFFF60] =	vst v0  }
0xd3: {  	[tilespmem:s29+$0xFFFFFF60] =	vst v0  }
0xd4: {  	[tilespmem:s30+$0xFFFFFF60] =	vst v0  }
0xd5: {  	[tilespmem:s31+$0xFFFFFF60] =	vst v0  }
0xd6: {  	[tilespmem:s2+$0xFFFFFF70] =	vst v0  }
0xd7: {  	[tilespmem:s26+$0xFFFFFF70] =	vst v0  }
0xd8: {  	[tilespmem:s28+$0xFFFFFF70] =	vst v0  }
0xd9: {  	[tilespmem:s29+$0xFFFFFF70] =	vst v0  }
0xda: {  	[tilespmem:s30+$0xFFFFFF70] =	vst v0  }
0xdb: {  	[tilespmem:s31+$0xFFFFFF70] =	vst v0  }
0xdc: {  	[tilespmem:s2+$0xFFFFFF80] =	vst v0  }
0xdd: {  	[tilespmem:s26+$0xFFFFFF80] =	vst v0  }
0xde: {  	[tilespmem:s28+$0xFFFFFF80] =	vst v0  }
0xdf: {  	[tilespmem:s29+$0xFFFFFF80] =	vst v0  }
0xe0: {  	[tilespmem:s30+$0xFFFFFF80] =	vst v0  }
0xe1: {  	[tilespmem:s31+$0xFFFFFF80] =	vst v0  }
0xe2: {  	[tilespmem:s2+$0xFFFFFF90] =	vst v0  }
0xe3: {  	[tilespmem:s26+$0xFFFFFF90] =	vst v0  }
0xe4: {  	[tilespmem:s28+$0xFFFFFF90] =	vst v0  }
0xe5: {  	[tilespmem:s29+$0xFFFFFF90] =	vst v0  }
0xe6: {  	[tilespmem:s30+$0xFFFFFF90] =	vst v0  }
0xe7: {  	[tilespmem:s31+$0xFFFFFF90] =	vst v0  }
0xe8: {  	[tilespmem:s2+$0xFFFFFFA0] =	vst v0  }
0xe9: {  	[tilespmem:s26+$0xFFFFFFA0] =	vst v0  }
0xea: {  	[tilespmem:s28+$0xFFFFFFA0] =	vst v0  }
0xeb: {  	[tilespmem:s29+$0xFFFFFFA0] =	vst v0  }
0xec: {  	[tilespmem:s30+$0xFFFFFFA0] =	vst v0  }
0xed: {  	[tilespmem:s31+$0xFFFFFFA0] =	vst v0  }
0xee: {  	[tilespmem:s2+$0xFFFFFFB0] =	vst v0  }
0xef: {  	[tilespmem:s26+$0xFFFFFFB0] =	vst v0  }
0xf0: {  	[tilespmem:s28+$0xFFFFFFB0] =	vst v0  }
0xf1: {  	[tilespmem:s29+$0xFFFFFFB0] =	vst v0  }
0xf2: {  	[tilespmem:s30+$0xFFFFFFB0] =	vst v0  }
0xf3: {  	[tilespmem:s31+$0xFFFFFFB0] =	vst v0  }
0xf4: {  	[tilespmem:s2+$0xFFFFFFD0] =	vst v0  }
0xf5: {  	[tilespmem:s26+$0xFFFFFFD0] =	vst v0  }
0xf6: {  	[tilespmem:s28+$0xFFFFFFD0] =	vst v0  }
0xf7: {  	[tilespmem:s29+$0xFFFFFFD0] =	vst v0  }
0xf8: {  	[tilespmem:s30+$0xFFFFFFD0] =	vst v0  }
0xf9: {  	[tilespmem:s31+$0xFFFFFFD0] =	vst v0  }
0xfa: {  	[tilespmem:s2+$0xFFFFFFE0] =	vst v0  }
0xfb: {  	[tilespmem:s26+$0xFFFFFFE0] =	vst v0  }
0xfc: {  	[tilespmem:s28+$0xFFFFFFE0] =	vst v0  }
0xfd: {  	[tilespmem:s29+$0xFFFFFFE0] =	vst v0  }
0xfe: {  	[tilespmem:s30+$0xFFFFFFE0] =	vst v0  }
0xff: {  	[tilespmem:s31+$0xFFFFFFE0] =	vst v0  }
0x100: {  	[tilespmem:s2+$0xFFFFFFF0] =	vst v0  }
0x101: {  	[tilespmem:s26+$0xFFFFFFF0] =	vst v0  }
0x102: {  	[tilespmem:s28+$0xFFFFFFF0] =	vst v0  }
0x103: {  	[tilespmem:s29+$0xFFFFFFF0] =	vst v0  }
0x104: {  	[tilespmem:s30+$0xFFFFFFF0] =	vst v0  }
0x105: {  	[tilespmem:s31+$0xFFFFFFF0] =	vst v0  }
0x106: {  	[tilespmem:s2+$0x0] =	vst v0  }
0x107: {  	[tilespmem:s26+$0x0] =	vst v0  }
0x108: {  	[tilespmem:s28+$0x0] =	vst v0  }
0x109: {  	[tilespmem:s29+$0x0] =	vst v0  }
0x10a: {  	[tilespmem:s30+$0x0] =	vst v0  }
0x10b: {  	[tilespmem:s31+$0x0] =	vst v0  }
0x10c: {  	[tilespmem:s2+$0x10] =	vst v0  }
0x10d: {  	[tilespmem:s26+$0x10] =	vst v0  }
0x10e: {  	[tilespmem:s28+$0x10] =	vst v0  }
0x10f: {  	[tilespmem:s29+$0x10] =	vst v0  }
0x110: {  	[tilespmem:s30+$0x10] =	vst v0  }
0x111: {  	[tilespmem:s31+$0x10] =	vst v0  }
0x112: {  	[tilespmem:s2+$0x20] =	vst v0  }
0x113: {  	[tilespmem:s26+$0x20] =	vst v0  }
0x114: {  	[tilespmem:s28+$0x20] =	vst v0  }
0x115: {  	[tilespmem:s29+$0x20] =	vst v0  }
0x116: {  	[tilespmem:s30+$0x20] =	vst v0  }
0x117: {  	[tilespmem:s31+$0x20] =	vst v0  }
0x118: {  	[tilespmem:s2+$0x30] =	vst v0  }
0x119: {  	[tilespmem:s26+$0x30] =	vst v0  }
0x11a: {  	[tilespmem:s28+$0x30] =	vst v0  }
0x11b: {  	[tilespmem:s29+$0x30] =	vst v0  }
0x11c: {  	[tilespmem:s30+$0x30] =	vst v0  }
0x11d: {  	[tilespmem:s31+$0x30] =	vst v0  }
0x11e: {  	[tilespmem:s2+$0x50] =	vst v0  }
0x11f: {  	[tilespmem:s26+$0x50] =	vst v0  }
0x120: {  	[tilespmem:s28+$0x50] =	vst v0  }
0x121: {  	[tilespmem:s29+$0x50] =	vst v0  }
0x122: {  	[tilespmem:s30+$0x50] =	vst v0  }
0x123: {  	[tilespmem:s31+$0x50] =	vst v0  }
0x124: {  	[tilespmem:s2+$0x60] =	vst v0  }
0x125: {  	[tilespmem:s26+$0x60] =	vst v0  }
0x126: {  	[tilespmem:s28+$0x60] =	vst v0  }
0x127: {  	[tilespmem:s29+$0x60] =	vst v0  }
0x128: {  	[tilespmem:s30+$0x60] =	vst v0  }
0x129: {  	[tilespmem:s31+$0x60] =	vst v0  }
0x12a: {  	[tilespmem:s2+$0x70] =	vst v0  }
0x12b: {  	[tilespmem:s26+$0x70] =	vst v0  }
0x12c: {  	[tilespmem:s28+$0x70] =	vst v0  }
0x12d: {  	[tilespmem:s29+$0x70] =	vst v0  }
0x12e: {  	[tilespmem:s30+$0x70] =	vst v0  }
0x12f: {  	[tilespmem:s31+$0x70] =	vst v0  }
0x130: {  	[tilespmem:s2+$0x80] =	vst v0  }
0x131: {  	[tilespmem:s26+$0x80] =	vst v0  }
0x132: {  	[tilespmem:s28+$0x80] =	vst v0  }
0x133: {  	[tilespmem:s29+$0x80] =	vst v0  }
0x134: {  	[tilespmem:s30+$0x80] =	vst v0  }
0x135: {  	[tilespmem:s31+$0x80] =	vst v0  }
0x136: {  	[tilespmem:s2+$0x90] =	vst v0  }
0x137: {  	[tilespmem:s26+$0x90] =	vst v0  }
0x138: {  	[tilespmem:s28+$0x90] =	vst v0  }
0x139: {  	[tilespmem:s29+$0x90] =	vst v0  }
0x13a: {  	[tilespmem:s30+$0x90] =	vst v0  }
0x13b: {  	[tilespmem:s31+$0x90] =	vst v0  }
0x13c: {  	[tilespmem:s2+$0xA0] =	vst v0  }
0x13d: {  	[tilespmem:s26+$0xA0] =	vst v0  }
0x13e: {  	[tilespmem:s28+$0xA0] =	vst v0  }
0x13f: {  	[tilespmem:s29+$0xA0] =	vst v0  }
0x140: {  	[tilespmem:s30+$0xA0] =	vst v0  }
0x141: {  	[tilespmem:s31+$0xA0] =	vst v0  }
0x142: {  	[tilespmem:s2+$0xB0] =	vst v0  }
0x143: {  	[tilespmem:s26+$0xB0] =	vst v0  }
0x144: {  	[tilespmem:s28+$0xB0] =	vst v0  }
0x145: {  	[tilespmem:s29+$0xB0] =	vst v0  }
0x146: {  	[tilespmem:s30+$0xB0] =	vst v0  }
0x147: {  	[tilespmem:s31+$0xB0] =	vst v0  }
0x148: {  	[tilespmem:s2+$0xFFFFFF40] =	vst v0  }
0x149: {  	[tilespmem:s26+$0xFFFFFF40] =	vst v0  }
0x14a: {  	[tilespmem:s28+$0xFFFFFF40] =	vst v0  }
0x14b: {  	[tilespmem:s29+$0xFFFFFF40] =	vst v0  }
0x14c: {  	s1 =	sadd.s32 $0x190, s1;
	[tilespmem:s30+$0xFFFFFF40] =	vst v0  }
0x14d: {  	s0 =	sadd.s32 $0x19, s0;
	s4 =	sand.u32 $0x3FF0, s1;
	[tilespmem:s31+$0xFFFFFF40] =	vst v0  }
0x14e: {  	p0 =	slt.u32 s0, $0x258;
	s2 =	sadd.s32 $0x190, s2;
	[tilespmem:s4+$0x16700] =	vst v0  }
0x14f: {  	[tilespmem:s4+$0xA080] =	vst v0  }
0x150: {  	[tilespmem:s4+$0xC800] =	vst v0  }
0x151: {  	[tilespmem:s4+$0xEF80] =	vst v0  }
0x152: {  	[tilespmem:s4+$0x11700] =	vst v0  }
0x153: {  	[tilespmem:s4+$0x13E80] =	vst v0  }
0x154: {  	[tilespmem:s4+$0x16600] =	vst v0  }
0x155: {  	[tilespmem:s4+$0xA100] =	vst v0  }
0x156: {  	[tilespmem:s4+$0xC880] =	vst v0  }
0x157: {  	[tilespmem:s4+$0xF000] =	vst v0  }
0x158: {  	[tilespmem:s4+$0x11780] =	vst v0  }
0x159: {  	[tilespmem:s4+$0x13F00] =	vst v0  }
0x15a: {  	[tilespmem:s4+$0x16680] =	vst v0  }
.Ltmp0:
0x15b: {  	[tilespmem:s4+$0xA180] =	vst v0;
	(pc) =	sbr.rel @p0 .LBB2_2-.Ltmp0, $4  }
0x15c: {  	[tilespmem:s4+$0xC900] =	vst v0  }
0x15d: {  	[tilespmem:s4+$0xF080] =	vst v0  }
0x15e: {  	[tilespmem:s4+$0x11800] =	vst v0  }
0x15f: {  	[tilespmem:s4+$0x13F80] =	vst v0  }
0x160: {  	_ =	swait.ge [sflag:s7], $0xFA0  }
0x161: {  	[sflag:s7] =	ssyncset.done $0x0  }
0x162: {  	[sflag:s7] =	ssyncadd.s32 $0xFFFFF060  }
0x163: {  	_ =	swait.ge [sflag:s8], $0xFA0  }
0x164: {  	[sflag:s8] =	ssyncset.done $0x0  }
0x165: {  	[sflag:s8] =	ssyncadd.s32 $0xFFFFF060  }
0x166: {  	_ =	swait.ge [sflag:s9], $0xFA0  }
0x167: {  	[sflag:s9] =	ssyncset.done $0x0  }
0x168: {  	[sflag:s9] =	ssyncadd.s32 $0xFFFFF060  }
0x169: {  	_ =	swait.ge [sflag:s10], $0xFA0  }
0x16a: {  	[sflag:s10] =	ssyncset.done $0x0  }
0x16b: {  	[sflag:s10] =	ssyncadd.s32 $0xFFFFF060  }
0x16c: {  	_ =	swait.ge [sflag:s11], $0xFA0  }
0x16d: {  	[sflag:s11] =	ssyncset.done $0x0  }
0x16e: {  	s1 =	simm.s32 $0x3000;
	s0 =	rddreg [dreg:$0x8];
	[sflag:s11] =	ssyncadd.s32 $0xFFFFF060  }
0x16f: {  	[tilespmem:s1], [sflag:$0x6] =	stream.linear.gather [hbm4b:s0+s3], $0xFA0, $0x38;
	[tilespmem:$0x1B480] =	vst v63  }
0x170: {  	s31 =	simm.s32 $0x4000;
	s26 =	rddreg [dreg:$0x9]  }
0x171: {  	[tilespmem:s31], [sflag:$0x7] =	stream.linear.gather [hbm4b:s26+s3], $0xFA0, $0x38;
	[tilespmem:$0x1B480] =	vst v63  }
0x172: {  	s4 =	simm.s32 $0x5000;
	s2 =	rddreg [dreg:$0xa]  }
0x173: {  	[tilespmem:s4], [sflag:$0x8] =	stream.linear.gather [hbm4b:s2+s3], $0xFA0, $0x38;
	[tilespmem:$0x1B480] =	vst v63  }
0x174: {  	s26 =	rddreg [dreg:$0xb];
	s31 =	simm.s32 $0x7000  }
0x175: {  	[tilespmem:s31], [sflag:$0x9] =	stream.linear.gather [hbm4b:s26+s3], $0xFA0, $0x38;
	[tilespmem:$0x1B480] =	vst v63  }
0x176: {  	s2 =	rddreg [dreg:$0xc];
	s4 =	simm.s32 $0x9000;
	s26 =	simm.s32 $0x1020  }
0x177: {  	[tilespmem:s4], [sflag:$0xA] =	stream.linear.gather [hbm4b:s2+s3], $0xFA0, $0x38;
	[tilespmem:$0x1B480] =	vst v63  }
0x178: {  	s31 =	simm.s32 $0x20;
	v15 =	vld [tilespmem:s26+$0xFFFFFFF0]  }
0x179: {  	s2 =	simm.s32 $0x2020;
	v16 =	vld [tilespmem:s31+$0xFFFFFFF0]  }
0x17a: {  	v19 =	vld [tilespmem:s2+$0xFFFFFFF0]  }
0x17b: {  	v27 =	vld [tilespmem:s31+$0x0]  }
0x17c: {  	v8 =	vld [tilespmem:s26+$0x0]  }
0x17d: {  	v4 =	vld [tilespmem:s31+$0xFFFFFFE0]  }
0x17e: {  	v5 =	vld [tilespmem:s26+$0xFFFFFFE0]  }
0x17f: {  	v10 =	vld [tilespmem:s2+$0x0]  }
0x180: {  	v6 =	vld [tilespmem:s2+$0xFFFFFFE0];
	v1 =	vmul.f32 v15, v15;
	v2 =	vmul.f32 v16, v16  }
0x181: {  	v3 =	vmul.f32 v19, v19  }
0x182: {  	v7 =	vmul.f32 v27, v27;
	v9 =	vmul.f32 v8, v8;
	v1 =	vadd.f32 v1, v2  }
0x183: {  	v11 =	vmul.f32 v4, v4;
	v12 =	vmul.f32 v5, v5;
	v2 =	vld [tilespmem:s26+$0x10]  }
0x184: {  	v14 =	vmul.f32 v10, v10;
	v7 =	vadd.f32 v9, v7;
	v3 =	vadd.f32 v3, v1;
	v1 =	vld [tilespmem:s31+$0x10]  }
0x185: {  	v9 =	vadd.f32 v12, v11;
	v11 =	vmul.f32 v6, v6  }
0x186: {  	v7 =	vadd.f32 v14, v7;
	v13 =	vadd.f32 $9.999999770e-03, v3;
	v3 =	vld [tilespmem:s2+$0x10]  }
0x187: {  	v9 =	vadd.f32 v11, v9  }
0x188: {  	v7 =	vadd.f32 $9.999999770e-03, v7;
	(erf) = vrcp.f32 v13  }
0x189: {  	v9 =	vadd.f32 $9.999999770e-03, v9;
	v12 =	vmul.f32 v2, v2;
	v11 =	vmul.f32 v1, v1  }
0x18a: {  	(erf) = vrcp.f32 v7  }
0x18b: {  	(erf) = vrcp.f32 v9;
	v11 =	vadd.f32 v12, v11;
	v12 =	vmul.f32 v3, v3;
	_ =	sdelay $0x1  }
0x18c: {  	v7 =	vadd.f32 v12, v11;
	_ =	sdelay $0x1  }
0x18d: {  	v7 =	vadd.f32 $9.999999770e-03, v7  }
0x18e: {  	v13 =	vld [tilespmem:s26+$0x20]  }
0x18f: {  	v12 =	vpop (erf);
	(erf) = vrcp.f32 v7  }
0x190: {  	v9 =	vld [tilespmem:s31+$0x20];
	v11 =	vmul.f32 v12, v12  }
0x191: {  	v20 =	vpop (erf)  }
0x192: {  	v17 =	vmul.f32 v20, v20;
	v21 =	vpop (erf);
	v7 =	vmul.f32 v11, v12;
	v11 =	vld [tilespmem:s2+$0x20]  }
0x193: {  	s0 =	simm.s32 $0x6020;
	v23 =	vmul.f32 v13, v13;
	v18 =	vmul.f32 v21, v21  }
0x194: {  	v26 =	vld [tilespmem:s0+$0xFFFFFFF0];
	v30 =	vmul.f32 v17, v20;
	v14 =	vmul.f32 $4.800000000e+01, v7  }
0x195: {  	s1 =	simm.s32 $0x8020;
	v25 =	vld [tilespmem:s0+$0x0];
	v22 =	vmul.f32 v9, v9;
	v24 =	vmul.f32 v18, v21  }
0x196: {  	v12 =	vmul.f32 v7, v12;
	v7 =	vld [tilespmem:s1+$0x10];
	v32 =	vmul.f32 $4.800000000e+01, v30;
	v14 =	vsub.f32 $2.400000000e+01, v14  }
0x197: {  	v17 =	vadd.f32 v23, v22;
	v18 =	vld [tilespmem:s0+$0x20];
	v22 =	vmul.f32 $4.800000000e+01, v24;
	v29 =	vmul.f32 v11, v11  }
0x198: {  	v20 =	vmul.f32 v30, v20;
	v28 =	vmul.f32 v14, v12;
	v14 =	vld [tilespmem:s0+$0x10];
	v31 =	vpop (erf)  }
0x199: {  	v12 =	vld [tilespmem:s1+$0x20];
	v33 =	vsub.f32 $2.400000000e+01, v22;
	v23 =	vmul.f32 v31, v31;
	v29 =	vadd.f32 v29, v17  }
0x19a: {  	v22 =	vsub.f32 $2.400000000e+01, v32;
	v17 =	vld [tilespmem:s1+$0xFFFFFFF0];
	v16 =	vmul.f32 v28, v16;
	v34 =	vmul.f32 v28, v15  }
0x19b: {  	v15 =	vld [tilespmem:s1+$0x0];
	v35 =	vmul.f32 v23, v31;
	v23 =	vmul.f32 v28, v19;
	v28 =	vadd.f32 $9.999999770e-03, v29  }
0x19c: {  	v21 =	vmul.f32 v24, v21;
	v22 =	vmul.f32 v22, v20;
	[tilespmem:v26+s12+$0x0] =	vst.idx.add.f32.msk $0xffff, v16  }
0x19d: {  	v19 =	vsub.f32 $0.0e+00, v16;
	v16 =	vmul.f32 $4.800000000e+01, v35;
	[tilespmem:v26+s13+$0x0] =	vst.idx.add.f32.msk $0xffff, v34;
	(erf) = vrcp.f32 v28  }
0x19e: {  	s28 =	simm.s32 $0x70;
	s29 =	simm.s32 $0x1070;
	v29 =	vmul.f32 v33, v21;
	v24 =	vsub.f32 $0.0e+00, v34;
	[tilespmem:v26+s14+$0x0] =	vst.idx.add.f32.msk $0xffff, v23  }
0x19f: {  	s30 =	simm.s32 $0x2070;
	s26 =	simm.s32 $0x0;
	s2 =	simm.s32 $0x8020;
	v20 =	vmul.f32 v35, v31;
	v28 =	vmul.f32 v22, v27;
	v26 =	vld [tilespmem:s0+$0xFFFFFFE0];
	v21 =	vsub.f32 $2.400000000e+01, v16  }
.LBB2_4:
0x1a0: {  	v31 =	vld [tilespmem:s30+$0xFFFFFFE0];
	s26 =	sadd.s32 $0x5, s26;
	v30 =	vmul.f32 v22, v8;
	v32 =	vmul.f32 v22, v10;
	s0 =	sadd.s32 $0x50, s0;
	s1 =	sadd.s32 $0x50, s1  }
0x1a1: {  	p0 =	slt.u32 s26, $0xF5;
	[tilespmem:v25+s12+$0x0] =	vst.idx.add.f32.msk $0xffff, v28  }
0x1a2: {  	v16 =	vld [tilespmem:s28+$0x0]  }
0x1a3: {  	[tilespmem:v25+s13+$0x0] =	vst.idx.add.f32.msk $0xffff, v30  }
0x1a4: {  	v8 =	vsub.f32 $0.0e+00, v28;
	v27 =	vld [tilespmem:s28+$0x20]  }
0x1a5: {  	[tilespmem:v25+s14+$0x0] =	vst.idx.add.f32.msk $0xffff, v32  }
0x1a6: {  	[tilespmem:v15+s12+$0x0] =	vst.idx.add.f32.msk $0xffff, v8;
	v28 =	vpop (erf)  }
0x1a7: {  	v8 =	vld [tilespmem:s29+$0x0]  }
0x1a8: {  	v25 =	vmul.f32 v28, v28;
	v10 =	vld [tilespmem:s30+$0x0]  }
0x1a9: {  	v22 =	vld [tilespmem:s30+$0xFFFFFFF0]  }
0x1aa: {  	v34 =	vmul.f32 v25, v28;
	v33 =	vld [tilespmem:s28+$0xFFFFFFE0]  }
0x1ab: {  	v25 =	vld [tilespmem:s29+$0xFFFFFFF0]  }
0x1ac: {  	v36 =	vmul.f32 v34, v28;
	v34 =	vmul.f32 $4.800000000e+01, v34;
	v35 =	vld [tilespmem:s28+$0x10]  }
0x1ad: {  	v28 =	vld [tilespmem:s28+$0xFFFFFFF0]  }
0x1ae: {  	v38 =	vsub.f32 $0.0e+00, v30;
	v34 =	vsub.f32 $2.400000000e+01, v34;
	v37 =	vld [tilespmem:s2+$0xFFFFFFE0];
	s2 =	smov.u32 s1  }
0x1af: {  	v32 =	vsub.f32 $0.0e+00, v32;
	v30 =	vld [tilespmem:s30+$0x20]  }
0x1b0: {  	v39 =	vmul.f32 v22, v22;
	v34 =	vmul.f32 v34, v36;
	[tilespmem:v15+s13+$0x0] =	vst.idx.add.f32.msk $0xffff, v38  }
0x1b1: {  	v40 =	vmul.f32 v29, v4;
	v4 =	vmov v33;
	v36 =	vld [tilespmem:s30+$0x10];
	v38 =	vmul.f32 v35, v35  }
0x1b2: {  	v42 =	vmul.f32 v25, v25;
	v43 =	vmul.f32 v34, v11;
	v41 =	vld [tilespmem:s29+$0xFFFFFFE0]  }
0x1b3: {  	v46 =	vmul.f32 v34, v9;
	v9 =	vmov v27;
	v44 =	vmul.f32 v28, v28;
	v45 =	vld [tilespmem:s29+$0x10]  }
0x1b4: {  	v33 =	vmul.f32 v33, v4;
	v34 =	vmul.f32 v34, v13;
	[tilespmem:v26+s12+$0x0] =	vst.idx.add.f32.msk $0xffff, v40;
	v11 =	vmov v30  }
0x1b5: {  	v13 =	vadd.f32 v42, v44;
	[tilespmem:v18+s12+$0x0] =	vst.idx.add.f32.msk $0xffff, v46  }
0x1b6: {  	v47 =	vsub.f32 $0.0e+00, v43;
	v42 =	vmul.f32 v16, v16;
	v44 =	vmul.f32 v29, v5;
	[tilespmem:v18+s13+$0x0] =	vst.idx.add.f32.msk $0xffff, v34  }
0x1b7: {  	v48 =	vmul.f32 v8, v8;
	v49 =	vmul.f32 v10, v10;
	v39 =	vadd.f32 v39, v13;
	v13 =	vld [tilespmem:s29+$0x20];
	v5 =	vmovc v41  }
0x1b8: {  	v29 =	vmul.f32 v29, v6;
	v6 =	vsub.f32 $0.0e+00, v23;
	v41 =	vmul.f32 v41, v5;
	[tilespmem:v18+s14+$0x0] =	vst.idx.add.f32.msk $0xffff, v43  }
0x1b9: {  	v23 =	vadd.f32 v48, v42;
	v18 =	vadd.f32 $9.999999770e-03, v39;
	v39 =	vmul.f32 v45, v45;
	[tilespmem:v26+s13+$0x0] =	vst.idx.add.f32.msk $0xffff, v44  }
0x1ba: {  	v33 =	vadd.f32 v41, v33;
	v41 =	vmul.f32 v31, v31;
	[tilespmem:v17+s12+$0x0] =	vst.idx.add.f32.msk $0xffff, v19;
	v19 =	vsub.f32 $0.0e+00, v46  }
0x1bb: {  	v23 =	vadd.f32 v49, v23;
	v38 =	vadd.f32 v39, v38;
	(erf) = vrcp.f32 v18;
	[tilespmem:v17+s13+$0x0] =	vst.idx.add.f32.msk $0xffff, v24  }
0x1bc: {  	v24 =	vsub.f32 $0.0e+00, v40;
	v18 =	vadd.f32 v41, v33;
	[tilespmem:v17+s14+$0x0] =	vst.idx.add.f32.msk $0xffff, v6;
	v6 =	vmov v31  }
0x1bd: {  	v17 =	vadd.f32 $9.999999770e-03, v23;
	v23 =	vmul.f32 v36, v36;
	[tilespmem:v26+s14+$0x0] =	vst.idx.add.f32.msk $0xffff, v29;
	v26 =	vsub.f32 $0.0e+00, v44  }
0x1be: {  	v20 =	vmul.f32 v21, v20;
	v18 =	vadd.f32 $9.999999770e-03, v18;
	[tilespmem:v37+s12+$0x0] =	vst.idx.add.f32.msk $0xffff, v24;
	v24 =	vsub.f32 $0.0e+00, v29  }
0x1bf: {  	v21 =	vadd.f32 v23, v38;
	(erf) = vrcp.f32 v17;
	[tilespmem:v37+s13+$0x0] =	vst.idx.add.f32.msk $0xffff, v26  }
0x1c0: {  	v17 =	vmul.f32 v20, v1;
	v1 =	vmov v35;
	(erf) = vrcp.f32 v18;
	[tilespmem:v37+s14+$0x0] =	vst.idx.add.f32.msk $0xffff, v24  }
0x1c1: {  	v23 =	vadd.f32 $9.999999770e-03, v21;
	[tilespmem:v15+s14+$0x0] =	vst.idx.add.f32.msk $0xffff, v32;
	v15 =	vmul.f32 v20, v2;
	v20 =	vmul.f32 v20, v3  }
0x1c2: {  	v21 =	vsub.f32 $0.0e+00, v34;
	v3 =	vmov v36;
	v2 =	vmov v45;
	[tilespmem:v14+s12+$0x0] =	vst.idx.add.f32.msk $0xffff, v17  }
0x1c3: {  	(erf) = vrcp.f32 v23;
	[tilespmem:v14+s13+$0x0] =	vst.idx.add.f32.msk $0xffff, v15  }
0x1c4: {  	v17 =	vsub.f32 $0.0e+00, v17;
	v18 =	vpop (erf);
	[tilespmem:v12+s12+$0x0] =	vst.idx.add.f32.msk $0xffff, v19  }
0x1c5: {  	v19 =	vmul.f32 v18, v18;
	[tilespmem:v14+s14+$0x0] =	vst.idx.add.f32.msk $0xffff, v20  }
0x1c6: {  	v14 =	vsub.f32 $0.0e+00, v15;
	[tilespmem:v7+s12+$0x0] =	vst.idx.add.f32.msk $0xffff, v17  }
0x1c7: {  	v17 =	vsub.f32 $0.0e+00, v20;
	v15 =	vmul.f32 v19, v18;
	[tilespmem:v12+s13+$0x0] =	vst.idx.add.f32.msk $0xffff, v21  }
0x1c8: {  	v20 =	vpop (erf);
	[tilespmem:v12+s14+$0x0] =	vst.idx.add.f32.msk $0xffff, v47  }
0x1c9: {  	v12 =	vmul.f32 $4.800000000e+01, v15;
	v19 =	vmul.f32 v20, v20;
	v21 =	vpop (erf);
	[tilespmem:v7+s13+$0x0] =	vst.idx.add.f32.msk $0xffff, v14  }
0x1ca: {  	v15 =	vmul.f32 v15, v18;
	v14 =	vmul.f32 v21, v21;
	[tilespmem:v7+s14+$0x0] =	vst.idx.add.f32.msk $0xffff, v17  }
0x1cb: {  	v18 =	vmul.f32 v13, v13;
	v17 =	vmul.f32 v27, v9;
	v12 =	vsub.f32 $2.400000000e+01, v12;
	v26 =	vld [tilespmem:s0+$0xFFFFFFF0]  }
0x1cc: {  	v24 =	vmul.f32 v14, v21;
	v7 =	vld [tilespmem:s1+$0x10];
	v27 =	vpop (erf)  }
0x1cd: {  	v17 =	vadd.f32 v18, v17;
	v18 =	vmul.f32 v30, v11;
	v15 =	vmul.f32 v12, v15;
	v14 =	vld [tilespmem:s0+$0x10]  }
0x1ce: {  	v29 =	vmul.f32 v19, v20;
	v23 =	vmul.f32 $4.800000000e+01, v24;
	v12 =	vld [tilespmem:s1+$0x20]  }
0x1cf: {  	v30 =	vmul.f32 v27, v27;
	v31 =	vadd.f32 v18, v17;
	v28 =	vmul.f32 v15, v28;
	v18 =	vld [tilespmem:s0+$0x20]  }
0x1d0: {  	v34 =	vmul.f32 $4.800000000e+01, v29;
	v33 =	vmul.f32 v15, v25;
	v32 =	vsub.f32 $2.400000000e+01, v23;
	v25 =	vld [tilespmem:s0+$0x0]  }
0x1d1: {  	v30 =	vmul.f32 v30, v27;
	v23 =	vmul.f32 v15, v22;
	v19 =	vsub.f32 $0.0e+00, v28;
	v15 =	vld [tilespmem:s1+$0x0]  }
.Ltmp1:
0x1d2: {  	v20 =	vmul.f32 v29, v20;
	v22 =	vsub.f32 $2.400000000e+01, v34;
	v29 =	vadd.f32 $9.999999770e-03, v31;
	v17 =	vld [tilespmem:s1+$0xFFFFFFF0];
	(pc) =	sbr.rel @p0 .LBB2_4-.Ltmp1, $4  }
0x1d3: {  	v21 =	vmul.f32 v24, v21;
	v24 =	vsub.f32 $0.0e+00, v33;
	[tilespmem:v26+s12+$0x0] =	vst.idx.add.f32.msk $0xffff, v28;
	v28 =	vmul.f32 $4.800000000e+01, v30  }
0x1d4: {  	v22 =	vmul.f32 v22, v20;
	[tilespmem:v26+s13+$0x0] =	vst.idx.add.f32.msk $0xffff, v33;
	(erf) = vrcp.f32 v29  }
0x1d5: {  	v20 =	vmul.f32 v30, v27;
	v29 =	vmul.f32 v32, v21;
	[tilespmem:v26+s14+$0x0] =	vst.idx.add.f32.msk $0xffff, v23;
	v21 =	vsub.f32 $2.400000000e+01, v28  }
0x1d6: {  	s28 =	sadd.s32 $0x50, s28;
	s30 =	sadd.s32 $0x50, s30;
	s29 =	sadd.s32 $0x50, s29;
	v28 =	vmul.f32 v22, v16;
	v26 =	vld [tilespmem:s0+$0xFFFFFFE0]  }
0x1d7: {  	_ =	sdelay $0x2  }
0x1d8: {  	v8 =	vmul.f32 v22, v8  }
0x1d9: {  	v10 =	vmul.f32 v22, v10;
	[tilespmem:v25+s12+$0x0] =	vst.idx.add.f32.msk $0xffff, v28  }
0x1da: {  	v22 =	vsub.f32 $0.0e+00, v28;
	[tilespmem:v25+s13+$0x0] =	vst.idx.add.f32.msk $0xffff, v8  }
0x1db: {  	[tilespmem:v25+s14+$0x0] =	vst.idx.add.f32.msk $0xffff, v10  }
0x1dc: {  	[tilespmem:v15+s12+$0x0] =	vst.idx.add.f32.msk $0xffff, v22  }
0x1dd: {  	v22 =	vld [tilespmem:s2+$0xFFFFFFE0];
	_ =	sdelay $0x1  }
0x1de: {  	v4 =	vmul.f32 v29, v4;
	[tilespmem:v17+s12+$0x0] =	vst.idx.add.f32.msk $0xffff, v19;
	v16 =	vpop (erf)  }
0x1df: {  	[tilespmem:v17+s13+$0x0] =	vst.idx.add.f32.msk $0xffff, v24;
	v8 =	vsub.f32 $0.0e+00, v8;
	v27 =	vmul.f32 v16, v16  }
0x1e0: {  	v5 =	vmul.f32 v29, v5;
	[tilespmem:v26+s12+$0x0] =	vst.idx.add.f32.msk $0xffff, v4  }
0x1e1: {  	v6 =	vmul.f32 v29, v6;
	[tilespmem:v15+s13+$0x0] =	vst.idx.add.f32.msk $0xffff, v8;
	v27 =	vmul.f32 v27, v16  }
0x1e2: {  	v4 =	vsub.f32 $0.0e+00, v4;
	[tilespmem:v26+s13+$0x0] =	vst.idx.add.f32.msk $0xffff, v5  }
0x1e3: {  	v10 =	vsub.f32 $0.0e+00, v10;
	[tilespmem:v26+s14+$0x0] =	vst.idx.add.f32.msk $0xffff, v6;
	v30 =	vmul.f32 $4.800000000e+01, v27  }
0x1e4: {  	v5 =	vsub.f32 $0.0e+00, v5;
	[tilespmem:v22+s12+$0x0] =	vst.idx.add.f32.msk $0xffff, v4;
	v4 =	vsub.f32 $0.0e+00, v6;
	v6 =	vmul.f32 v21, v20  }
0x1e5: {  	[tilespmem:v15+s14+$0x0] =	vst.idx.add.f32.msk $0xffff, v10;
	v16 =	vmul.f32 v27, v16;
	v27 =	vsub.f32 $2.400000000e+01, v30  }
0x1e6: {  	[tilespmem:v22+s13+$0x0] =	vst.idx.add.f32.msk $0xffff, v5;
	v1 =	vmul.f32 v6, v1  }
0x1e7: {  	[tilespmem:v22+s14+$0x0] =	vst.idx.add.f32.msk $0xffff, v4;
	v2 =	vmul.f32 v6, v2;
	v16 =	vmul.f32 v27, v16  }
0x1e8: {  	v3 =	vmul.f32 v6, v3;
	[tilespmem:v14+s12+$0x0] =	vst.idx.add.f32.msk $0xffff, v1  }
0x1e9: {  	v8 =	vmul.f32 v16, v9;
	[tilespmem:v14+s13+$0x0] =	vst.idx.add.f32.msk $0xffff, v2  }
0x1ea: {  	v9 =	vmul.f32 v16, v13;
	v13 =	vsub.f32 $0.0e+00, v23;
	[tilespmem:v14+s14+$0x0] =	vst.idx.add.f32.msk $0xffff, v3  }
0x1eb: {  	v1 =	vsub.f32 $0.0e+00, v1;
	[tilespmem:v18+s12+$0x0] =	vst.idx.add.f32.msk $0xffff, v8  }
0x1ec: {  	[tilespmem:v17+s14+$0x0] =	vst.idx.add.f32.msk $0xffff, v13  }
0x1ed: {  	v11 =	vmul.f32 v16, v11;
	[tilespmem:v7+s12+$0x0] =	vst.idx.add.f32.msk $0xffff, v1  }
0x1ee: {  	v1 =	vsub.f32 $0.0e+00, v2;
	[tilespmem:v18+s13+$0x0] =	vst.idx.add.f32.msk $0xffff, v9  }
0x1ef: {  	v4 =	vsub.f32 $0.0e+00, v8;
	[tilespmem:v18+s14+$0x0] =	vst.idx.add.f32.msk $0xffff, v11  }
0x1f0: {  	v2 =	vsub.f32 $0.0e+00, v3;
	[tilespmem:v7+s13+$0x0] =	vst.idx.add.f32.msk $0xffff, v1  }
0x1f1: {  	[tilespmem:v12+s12+$0x0] =	vst.idx.add.f32.msk $0xffff, v4;
	v4 =	vsub.f32 $0.0e+00, v9  }
0x1f2: {  	v5 =	vsub.f32 $0.0e+00, v11;
	[tilespmem:v7+s14+$0x0] =	vst.idx.add.f32.msk $0xffff, v2  }
0x1f3: {  	[tilespmem:v12+s13+$0x0] =	vst.idx.add.f32.msk $0xffff, v4  }
0x1f4: {  	[tilespmem:v12+s14+$0x0] =	vst.idx.add.f32.msk $0xffff, v5  }
0x1f5: {  	_ =	swait.ge [sflag:s15], $0xFA0  }
0x1f6: {  	[sflag:s15] =	ssyncset.done $0x0  }
0x1f7: {  	[sflag:s15] =	ssyncadd.s32 $0xFFFFF060  }
0x1f8: {  	_ =	swait.ge [sflag:s16], $0xFA0  }
0x1f9: {  	[sflag:s16] =	ssyncset.done $0x0  }
0x1fa: {  	[sflag:s16] =	ssyncadd.s32 $0xFFFFF060  }
0x1fb: {  	_ =	swait.ge [sflag:s17], $0xFA0  }
0x1fc: {  	[sflag:s17] =	ssyncset.done $0x0  }
0x1fd: {  	[sflag:s17] =	ssyncadd.s32 $0xFFFFF060  }
0x1fe: {  	_ =	swait.ge [sflag:s18], $0xFA0  }
0x1ff: {  	[sflag:s18] =	ssyncset.done $0x0  }
0x200: {  	[sflag:s18] =	ssyncadd.s32 $0xFFFFF060  }
0x201: {  	_ =	swait.ge [sflag:s19], $0xFA0  }
0x202: {  	[sflag:s19] =	ssyncset.done $0x0  }
0x203: {  	s0 =	rddreg [dreg:$0xd];
	[sflag:s19] =	ssyncadd.s32 $0xFFFFF060  }
0x204: {  	[tilespmem:s3], [sflag:$0x1] =	stream.linear.gather [hbm4b:s0+s3], $0xFA0, $0x38;
	[tilespmem:$0x1B480] =	vst v63  }
0x205: {  	s4 =	simm.s32 $0x1000;
	s2 =	rddreg [dreg:$0xe]  }
0x206: {  	[tilespmem:s4], [sflag:$0x2] =	stream.linear.gather [hbm4b:s2+s3], $0xFA0, $0x38;
	[tilespmem:$0x1B480] =	vst v63  }
0x207: {  	s1 =	simm.s32 $0x2000;
	s26 =	rddreg [dreg:$0xf]  }
0x208: {  	[tilespmem:s1], [sflag:$0x3] =	stream.linear.gather [hbm4b:s26+s3], $0xFA0, $0x38;
	[tilespmem:$0x1B480] =	vst v63  }
0x209: {  	s31 =	rddreg [dreg:$0x11]  }
0x20a: {  	[tilespmem:s5], [sflag:$0x4] =	stream.linear.gather [hbm4b:s31+s3], $0xFA0, $0x38;
	[tilespmem:$0x1B480] =	vst v63  }
0x20b: {  	s2 =	simm.s32 $0x4020;
	s1 =	rddreg [dreg:$0x12]  }
0x20c: {  	[tilespmem:s6], [sflag:$0x5] =	stream.linear.gather [hbm4b:s1+s3], $0xFA0, $0x38;
	[tilespmem:$0x1B480] =	vst v63  }
0x20d: {  	s26 =	simm.s32 $0x3020;
	v15 =	vld [tilespmem:s2+$0xFFFFFFF0]  }
0x20e: {  	s31 =	simm.s32 $0x5020;
	v16 =	vld [tilespmem:s26+$0xFFFFFFF0]  }
0x20f: {  	v19 =	vld [tilespmem:s31+$0xFFFFFFF0]  }
0x210: {  	v27 =	vld [tilespmem:s26+$0x0]  }
0x211: {  	v8 =	vld [tilespmem:s2+$0x0]  }
0x212: {  	v4 =	vld [tilespmem:s26+$0xFFFFFFE0]  }
0x213: {  	v5 =	vld [tilespmem:s2+$0xFFFFFFE0]  }
0x214: {  	v10 =	vld [tilespmem:s31+$0x0]  }
0x215: {  	v6 =	vld [tilespmem:s31+$0xFFFFFFE0];
	v1 =	vmul.f32 v15, v15;
	v2 =	vmul.f32 v16, v16  }
0x216: {  	v3 =	vmul.f32 v19, v19  }
0x217: {  	v7 =	vmul.f32 v27, v27;
	v9 =	vmul.f32 v8, v8;
	v1 =	vadd.f32 v1, v2  }
0x218: {  	v11 =	vmul.f32 v4, v4;
	v12 =	vmul.f32 v5, v5;
	v2 =	vld [tilespmem:s2+$0x10]  }
0x219: {  	v14 =	vmul.f32 v10, v10;
	v7 =	vadd.f32 v9, v7;
	v3 =	vadd.f32 v3, v1;
	v1 =	vld [tilespmem:s26+$0x10]  }
0x21a: {  	v9 =	vadd.f32 v12, v11;
	v11 =	vmul.f32 v6, v6  }
0x21b: {  	v7 =	vadd.f32 v14, v7;
	v13 =	vadd.f32 $9.999999770e-03, v3;
	v3 =	vld [tilespmem:s31+$0x10]  }
0x21c: {  	v9 =	vadd.f32 v11, v9  }
0x21d: {  	v7 =	vadd.f32 $9.999999770e-03, v7;
	(erf) = vrcp.f32 v13  }
0x21e: {  	v9 =	vadd.f32 $9.999999770e-03, v9;
	v12 =	vmul.f32 v2, v2;
	v11 =	vmul.f32 v1, v1  }
0x21f: {  	(erf) = vrcp.f32 v7  }
0x220: {  	(erf) = vrcp.f32 v9;
	v11 =	vadd.f32 v12, v11;
	v12 =	vmul.f32 v3, v3;
	_ =	sdelay $0x1  }
0x221: {  	v7 =	vadd.f32 v12, v11;
	_ =	sdelay $0x1  }
0x222: {  	v7 =	vadd.f32 $9.999999770e-03, v7  }
0x223: {  	v13 =	vld [tilespmem:s2+$0x20]  }
0x224: {  	v12 =	vpop (erf);
	(erf) = vrcp.f32 v7  }
0x225: {  	v9 =	vld [tilespmem:s26+$0x20];
	v11 =	vmul.f32 v12, v12  }
0x226: {  	v20 =	vpop (erf)  }
0x227: {  	v17 =	vmul.f32 v20, v20;
	v21 =	vpop (erf);
	v7 =	vmul.f32 v11, v12;
	v11 =	vld [tilespmem:s31+$0x20]  }
0x228: {  	s0 =	simm.s32 $0x7020;
	v23 =	vmul.f32 v13, v13;
	v18 =	vmul.f32 v21, v21  }
0x229: {  	v26 =	vld [tilespmem:s0+$0xFFFFFFF0];
	v30 =	vmul.f32 v17, v20;
	v14 =	vmul.f32 $4.800000000e+01, v7  }
0x22a: {  	s1 =	simm.s32 $0x9020;
	v25 =	vld [tilespmem:s0+$0x0];
	v22 =	vmul.f32 v9, v9;
	v24 =	vmul.f32 v18, v21  }
0x22b: {  	v12 =	vmul.f32 v7, v12;
	v7 =	vld [tilespmem:s1+$0x10];
	v32 =	vmul.f32 $4.800000000e+01, v30;
	v14 =	vsub.f32 $2.400000000e+01, v14  }
0x22c: {  	v17 =	vadd.f32 v23, v22;
	v18 =	vld [tilespmem:s0+$0x20];
	v22 =	vmul.f32 $4.800000000e+01, v24;
	v29 =	vmul.f32 v11, v11  }
0x22d: {  	v20 =	vmul.f32 v30, v20;
	v28 =	vmul.f32 v14, v12;
	v14 =	vld [tilespmem:s0+$0x10];
	v31 =	vpop (erf)  }
0x22e: {  	v12 =	vld [tilespmem:s1+$0x20];
	v33 =	vsub.f32 $2.400000000e+01, v22;
	v23 =	vmul.f32 v31, v31;
	v29 =	vadd.f32 v29, v17  }
0x22f: {  	v22 =	vsub.f32 $2.400000000e+01, v32;
	v17 =	vld [tilespmem:s1+$0xFFFFFFF0];
	v16 =	vmul.f32 v28, v16;
	v34 =	vmul.f32 v28, v15  }
0x230: {  	v15 =	vld [tilespmem:s1+$0x0];
	v35 =	vmul.f32 v23, v31;
	v23 =	vmul.f32 v28, v19;
	v28 =	vadd.f32 $9.999999770e-03, v29  }
0x231: {  	v21 =	vmul.f32 v24, v21;
	v22 =	vmul.f32 v22, v20;
	[tilespmem:v26+s12+$0x0] =	vst.idx.add.f32.msk $0xffff, v16  }
0x232: {  	v19 =	vsub.f32 $0.0e+00, v16;
	v16 =	vmul.f32 $4.800000000e+01, v35;
	[tilespmem:v26+s13+$0x0] =	vst.idx.add.f32.msk $0xffff, v34;
	(erf) = vrcp.f32 v28  }
0x233: {  	s28 =	simm.s32 $0x3070;
	s29 =	simm.s32 $0x4070;
	v29 =	vmul.f32 v33, v21;
	v24 =	vsub.f32 $0.0e+00, v34;
	[tilespmem:v26+s14+$0x0] =	vst.idx.add.f32.msk $0xffff, v23  }
0x234: {  	s30 =	simm.s32 $0x5070;
	s2 =	simm.s32 $0x9020;
	s26 =	simm.s32 $0x0;
	v20 =	vmul.f32 v35, v31;
	v28 =	vmul.f32 v22, v27;
	v26 =	vld [tilespmem:s0+$0xFFFFFFE0];
	v21 =	vsub.f32 $2.400000000e+01, v16  }
.LBB2_6:
0x235: {  	v31 =	vld [tilespmem:s30+$0xFFFFFFE0];
	s26 =	sadd.s32 $0x5, s26;
	v30 =	vmul.f32 v22, v8;
	v32 =	vmul.f32 v22, v10;
	s0 =	sadd.s32 $0x50, s0;
	s1 =	sadd.s32 $0x50, s1  }
0x236: {  	p0 =	slt.u32 s26, $0xF5;
	[tilespmem:v25+s12+$0x0] =	vst.idx.add.f32.msk $0xffff, v28  }
0x237: {  	v16 =	vld [tilespmem:s28+$0x0]  }
0x238: {  	[tilespmem:v25+s13+$0x0] =	vst.idx.add.f32.msk $0xffff, v30  }
0x239: {  	v8 =	vsub.f32 $0.0e+00, v28;
	v27 =	vld [tilespmem:s28+$0x20]  }
0x23a: {  	[tilespmem:v25+s14+$0x0] =	vst.idx.add.f32.msk $0xffff, v32  }
0x23b: {  	[tilespmem:v15+s12+$0x0] =	vst.idx.add.f32.msk $0xffff, v8;
	v28 =	vpop (erf)  }
0x23c: {  	v8 =	vld [tilespmem:s29+$0x0]  }
0x23d: {  	v25 =	vmul.f32 v28, v28;
	v10 =	vld [tilespmem:s30+$0x0]  }
0x23e: {  	v22 =	vld [tilespmem:s30+$0xFFFFFFF0]  }
0x23f: {  	v34 =	vmul.f32 v25, v28;
	v33 =	vld [tilespmem:s28+$0xFFFFFFE0]  }
0x240: {  	v25 =	vld [tilespmem:s29+$0xFFFFFFF0]  }
0x241: {  	v36 =	vmul.f32 v34, v28;
	v34 =	vmul.f32 $4.800000000e+01, v34;
	v35 =	vld [tilespmem:s28+$0x10]  }
0x242: {  	v28 =	vld [tilespmem:s28+$0xFFFFFFF0]  }
0x243: {  	v38 =	vsub.f32 $0.0e+00, v30;
	v34 =	vsub.f32 $2.400000000e+01, v34;
	v37 =	vld [tilespmem:s2+$0xFFFFFFE0];
	s2 =	smov.u32 s1  }
0x244: {  	v32 =	vsub.f32 $0.0e+00, v32;
	v30 =	vld [tilespmem:s30+$0x20]  }
0x245: {  	v39 =	vmul.f32 v22, v22;
	v34 =	vmul.f32 v34, v36;
	[tilespmem:v15+s13+$0x0] =	vst.idx.add.f32.msk $0xffff, v38  }
0x246: {  	v40 =	vmul.f32 v29, v4;
	v4 =	vmov v33;
	v36 =	vld [tilespmem:s30+$0x10];
	v38 =	vmul.f32 v35, v35  }
0x247: {  	v42 =	vmul.f32 v25, v25;
	v43 =	vmul.f32 v34, v11;
	v41 =	vld [tilespmem:s29+$0xFFFFFFE0]  }
0x248: {  	v46 =	vmul.f32 v34, v9;
	v9 =	vmov v27;
	v44 =	vmul.f32 v28, v28;
	v45 =	vld [tilespmem:s29+$0x10]  }
0x249: {  	v33 =	vmul.f32 v33, v4;
	v34 =	vmul.f32 v34, v13;
	[tilespmem:v26+s12+$0x0] =	vst.idx.add.f32.msk $0xffff, v40;
	v11 =	vmov v30  }
0x24a: {  	v13 =	vadd.f32 v42, v44;
	[tilespmem:v18+s12+$0x0] =	vst.idx.add.f32.msk $0xffff, v46  }
0x24b: {  	v47 =	vsub.f32 $0.0e+00, v43;
	v42 =	vmul.f32 v16, v16;
	v44 =	vmul.f32 v29, v5;
	[tilespmem:v18+s13+$0x0] =	vst.idx.add.f32.msk $0xffff, v34  }
0x24c: {  	v48 =	vmul.f32 v8, v8;
	v49 =	vmul.f32 v10, v10;
	v39 =	vadd.f32 v39, v13;
	v13 =	vld [tilespmem:s29+$0x20];
	v5 =	vmovc v41  }
0x24d: {  	v29 =	vmul.f32 v29, v6;
	v6 =	vsub.f32 $0.0e+00, v23;
	v41 =	vmul.f32 v41, v5;
	[tilespmem:v18+s14+$0x0] =	vst.idx.add.f32.msk $0xffff, v43  }
0x24e: {  	v23 =	vadd.f32 v48, v42;
	v18 =	vadd.f32 $9.999999770e-03, v39;
	v39 =	vmul.f32 v45, v45;
	[tilespmem:v26+s13+$0x0] =	vst.idx.add.f32.msk $0xffff, v44  }
0x24f: {  	v33 =	vadd.f32 v41, v33;
	v41 =	vmul.f32 v31, v31;
	[tilespmem:v17+s12+$0x0] =	vst.idx.add.f32.msk $0xffff, v19;
	v19 =	vsub.f32 $0.0e+00, v46  }
0x250: {  	v23 =	vadd.f32 v49, v23;
	v38 =	vadd.f32 v39, v38;
	(erf) = vrcp.f32 v18;
	[tilespmem:v17+s13+$0x0] =	vst.idx.add.f32.msk $0xffff, v24  }
0x251: {  	v24 =	vsub.f32 $0.0e+00, v40;
	v18 =	vadd.f32 v41, v33;
	[tilespmem:v17+s14+$0x0] =	vst.idx.add.f32.msk $0xffff, v6;
	v6 =	vmov v31  }
0x252: {  	v17 =	vadd.f32 $9.999999770e-03, v23;
	v23 =	vmul.f32 v36, v36;
	[tilespmem:v26+s14+$0x0] =	vst.idx.add.f32.msk $0xffff, v29;
	v26 =	vsub.f32 $0.0e+00, v44  }
0x253: {  	v20 =	vmul.f32 v21, v20;
	v18 =	vadd.f32 $9.999999770e-03, v18;
	[tilespmem:v37+s12+$0x0] =	vst.idx.add.f32.msk $0xffff, v24;
	v24 =	vsub.f32 $0.0e+00, v29  }
0x254: {  	v21 =	vadd.f32 v23, v38;
	(erf) = vrcp.f32 v17;
	[tilespmem:v37+s13+$0x0] =	vst.idx.add.f32.msk $0xffff, v26  }
0x255: {  	v17 =	vmul.f32 v20, v1;
	v1 =	vmov v35;
	(erf) = vrcp.f32 v18;
	[tilespmem:v37+s14+$0x0] =	vst.idx.add.f32.msk $0xffff, v24  }
0x256: {  	v23 =	vadd.f32 $9.999999770e-03, v21;
	[tilespmem:v15+s14+$0x0] =	vst.idx.add.f32.msk $0xffff, v32;
	v15 =	vmul.f32 v20, v2;
	v20 =	vmul.f32 v20, v3  }
0x257: {  	v21 =	vsub.f32 $0.0e+00, v34;
	v3 =	vmov v36;
	v2 =	vmov v45;
	[tilespmem:v14+s12+$0x0] =	vst.idx.add.f32.msk $0xffff, v17  }
0x258: {  	(erf) = vrcp.f32 v23;
	[tilespmem:v14+s13+$0x0] =	vst.idx.add.f32.msk $0xffff, v15  }
0x259: {  	v17 =	vsub.f32 $0.0e+00, v17;
	v18 =	vpop (erf);
	[tilespmem:v12+s12+$0x0] =	vst.idx.add.f32.msk $0xffff, v19  }
0x25a: {  	v19 =	vmul.f32 v18, v18;
	[tilespmem:v14+s14+$0x0] =	vst.idx.add.f32.msk $0xffff, v20  }
0x25b: {  	v14 =	vsub.f32 $0.0e+00, v15;
	[tilespmem:v7+s12+$0x0] =	vst.idx.add.f32.msk $0xffff, v17  }
0x25c: {  	v17 =	vsub.f32 $0.0e+00, v20;
	v15 =	vmul.f32 v19, v18;
	[tilespmem:v12+s13+$0x0] =	vst.idx.add.f32.msk $0xffff, v21  }
0x25d: {  	v20 =	vpop (erf);
	[tilespmem:v12+s14+$0x0] =	vst.idx.add.f32.msk $0xffff, v47  }
0x25e: {  	v12 =	vmul.f32 $4.800000000e+01, v15;
	v19 =	vmul.f32 v20, v20;
	v21 =	vpop (erf);
	[tilespmem:v7+s13+$0x0] =	vst.idx.add.f32.msk $0xffff, v14  }
0x25f: {  	v15 =	vmul.f32 v15, v18;
	v14 =	vmul.f32 v21, v21;
	[tilespmem:v7+s14+$0x0] =	vst.idx.add.f32.msk $0xffff, v17  }
0x260: {  	v18 =	vmul.f32 v13, v13;
	v17 =	vmul.f32 v27, v9;
	v12 =	vsub.f32 $2.400000000e+01, v12;
	v26 =	vld [tilespmem:s0+$0xFFFFFFF0]  }
0x261: {  	v24 =	vmul.f32 v14, v21;
	v7 =	vld [tilespmem:s1+$0x10];
	v27 =	vpop (erf)  }
0x262: {  	v17 =	vadd.f32 v18, v17;
	v18 =	vmul.f32 v30, v11;
	v15 =	vmul.f32 v12, v15;
	v14 =	vld [tilespmem:s0+$0x10]  }
0x263: {  	v29 =	vmul.f32 v19, v20;
	v23 =	vmul.f32 $4.800000000e+01, v24;
	v12 =	vld [tilespmem:s1+$0x20]  }
0x264: {  	v30 =	vmul.f32 v27, v27;
	v31 =	vadd.f32 v18, v17;
	v28 =	vmul.f32 v15, v28;
	v18 =	vld [tilespmem:s0+$0x20]  }
0x265: {  	v34 =	vmul.f32 $4.800000000e+01, v29;
	v33 =	vmul.f32 v15, v25;
	v32 =	vsub.f32 $2.400000000e+01, v23;
	v25 =	vld [tilespmem:s0+$0x0]  }
0x266: {  	v30 =	vmul.f32 v30, v27;
	v23 =	vmul.f32 v15, v22;
	v19 =	vsub.f32 $0.0e+00, v28;
	v15 =	vld [tilespmem:s1+$0x0]  }
.Ltmp2:
0x267: {  	v20 =	vmul.f32 v29, v20;
	v22 =	vsub.f32 $2.400000000e+01, v34;
	v29 =	vadd.f32 $9.999999770e-03, v31;
	v17 =	vld [tilespmem:s1+$0xFFFFFFF0];
	(pc) =	sbr.rel @p0 .LBB2_6-.Ltmp2, $4  }
0x268: {  	v21 =	vmul.f32 v24, v21;
	v24 =	vsub.f32 $0.0e+00, v33;
	[tilespmem:v26+s12+$0x0] =	vst.idx.add.f32.msk $0xffff, v28;
	v28 =	vmul.f32 $4.800000000e+01, v30  }
0x269: {  	v22 =	vmul.f32 v22, v20;
	[tilespmem:v26+s13+$0x0] =	vst.idx.add.f32.msk $0xffff, v33;
	(erf) = vrcp.f32 v29  }
0x26a: {  	v20 =	vmul.f32 v30, v27;
	v29 =	vmul.f32 v32, v21;
	[tilespmem:v26+s14+$0x0] =	vst.idx.add.f32.msk $0xffff, v23;
	v21 =	vsub.f32 $2.400000000e+01, v28  }
0x26b: {  	s28 =	sadd.s32 $0x50, s28;
	s30 =	sadd.s32 $0x50, s30;
	s29 =	sadd.s32 $0x50, s29;
	v28 =	vmul.f32 v22, v16;
	v26 =	vld [tilespmem:s0+$0xFFFFFFE0]  }
0x26c: {  	_ =	sdelay $0x2  }
0x26d: {  	v8 =	vmul.f32 v22, v8  }
0x26e: {  	v10 =	vmul.f32 v22, v10;
	[tilespmem:v25+s12+$0x0] =	vst.idx.add.f32.msk $0xffff, v28  }
0x26f: {  	v22 =	vsub.f32 $0.0e+00, v28;
	[tilespmem:v25+s13+$0x0] =	vst.idx.add.f32.msk $0xffff, v8  }
0x270: {  	[tilespmem:v25+s14+$0x0] =	vst.idx.add.f32.msk $0xffff, v10  }
0x271: {  	[tilespmem:v15+s12+$0x0] =	vst.idx.add.f32.msk $0xffff, v22  }
0x272: {  	v22 =	vld [tilespmem:s2+$0xFFFFFFE0];
	_ =	sdelay $0x1  }
0x273: {  	v4 =	vmul.f32 v29, v4;
	[tilespmem:v17+s12+$0x0] =	vst.idx.add.f32.msk $0xffff, v19;
	v16 =	vpop (erf)  }
0x274: {  	[tilespmem:v17+s13+$0x0] =	vst.idx.add.f32.msk $0xffff, v24;
	v8 =	vsub.f32 $0.0e+00, v8;
	v27 =	vmul.f32 v16, v16  }
0x275: {  	v5 =	vmul.f32 v29, v5;
	[tilespmem:v26+s12+$0x0] =	vst.idx.add.f32.msk $0xffff, v4  }
0x276: {  	v6 =	vmul.f32 v29, v6;
	[tilespmem:v15+s13+$0x0] =	vst.idx.add.f32.msk $0xffff, v8;
	v27 =	vmul.f32 v27, v16  }
0x277: {  	v4 =	vsub.f32 $0.0e+00, v4;
	[tilespmem:v26+s13+$0x0] =	vst.idx.add.f32.msk $0xffff, v5  }
0x278: {  	v10 =	vsub.f32 $0.0e+00, v10;
	[tilespmem:v26+s14+$0x0] =	vst.idx.add.f32.msk $0xffff, v6;
	v30 =	vmul.f32 $4.800000000e+01, v27  }
0x279: {  	v5 =	vsub.f32 $0.0e+00, v5;
	[tilespmem:v22+s12+$0x0] =	vst.idx.add.f32.msk $0xffff, v4;
	v4 =	vsub.f32 $0.0e+00, v6;
	v6 =	vmul.f32 v21, v20  }
0x27a: {  	[tilespmem:v15+s14+$0x0] =	vst.idx.add.f32.msk $0xffff, v10;
	v16 =	vmul.f32 v27, v16;
	v27 =	vsub.f32 $2.400000000e+01, v30  }
0x27b: {  	[tilespmem:v22+s13+$0x0] =	vst.idx.add.f32.msk $0xffff, v5;
	v1 =	vmul.f32 v6, v1  }
0x27c: {  	[tilespmem:v22+s14+$0x0] =	vst.idx.add.f32.msk $0xffff, v4;
	v2 =	vmul.f32 v6, v2;
	v16 =	vmul.f32 v27, v16  }
0x27d: {  	v3 =	vmul.f32 v6, v3;
	[tilespmem:v14+s12+$0x0] =	vst.idx.add.f32.msk $0xffff, v1  }
0x27e: {  	v8 =	vmul.f32 v16, v9;
	[tilespmem:v14+s13+$0x0] =	vst.idx.add.f32.msk $0xffff, v2  }
0x27f: {  	v9 =	vmul.f32 v16, v13;
	v13 =	vsub.f32 $0.0e+00, v23;
	[tilespmem:v14+s14+$0x0] =	vst.idx.add.f32.msk $0xffff, v3  }
0x280: {  	v1 =	vsub.f32 $0.0e+00, v1;
	[tilespmem:v18+s12+$0x0] =	vst.idx.add.f32.msk $0xffff, v8  }
0x281: {  	[tilespmem:v17+s14+$0x0] =	vst.idx.add.f32.msk $0xffff, v13  }
0x282: {  	v11 =	vmul.f32 v16, v11;
	[tilespmem:v7+s12+$0x0] =	vst.idx.add.f32.msk $0xffff, v1  }
0x283: {  	v1 =	vsub.f32 $0.0e+00, v2;
	[tilespmem:v18+s13+$0x0] =	vst.idx.add.f32.msk $0xffff, v9  }
0x284: {  	v4 =	vsub.f32 $0.0e+00, v8;
	[tilespmem:v18+s14+$0x0] =	vst.idx.add.f32.msk $0xffff, v11  }
0x285: {  	v2 =	vsub.f32 $0.0e+00, v3;
	[tilespmem:v7+s13+$0x0] =	vst.idx.add.f32.msk $0xffff, v1  }
0x286: {  	[tilespmem:v12+s12+$0x0] =	vst.idx.add.f32.msk $0xffff, v4;
	v4 =	vsub.f32 $0.0e+00, v9  }
0x287: {  	v5 =	vsub.f32 $0.0e+00, v11;
	[tilespmem:v7+s14+$0x0] =	vst.idx.add.f32.msk $0xffff, v2  }
0x288: {  	[tilespmem:v12+s13+$0x0] =	vst.idx.add.f32.msk $0xffff, v4  }
0x289: {  	[tilespmem:v12+s14+$0x0] =	vst.idx.add.f32.msk $0xffff, v5  }
0x28a: {  	_ =	swait.ge [sflag:s7], $0xFA0  }
0x28b: {  	[sflag:s7] =	ssyncset.done $0x0  }
0x28c: {  	[sflag:s7] =	ssyncadd.s32 $0xFFFFF060  }
0x28d: {  	_ =	swait.ge [sflag:s8], $0xFA0  }
0x28e: {  	[sflag:s8] =	ssyncset.done $0x0  }
0x28f: {  	[sflag:s8] =	ssyncadd.s32 $0xFFFFF060  }
0x290: {  	_ =	swait.ge [sflag:s9], $0xFA0  }
0x291: {  	[sflag:s9] =	ssyncset.done $0x0  }
0x292: {  	[sflag:s9] =	ssyncadd.s32 $0xFFFFF060  }
0x293: {  	_ =	swait.ge [sflag:s10], $0xFA0  }
0x294: {  	[sflag:s10] =	ssyncset.done $0x0  }
0x295: {  	[sflag:s10] =	ssyncadd.s32 $0xFFFFF060  }
0x296: {  	_ =	swait.ge [sflag:s11], $0xFA0  }
0x297: {  	[sflag:s11] =	ssyncset.done $0x0  }
0x298: {  	s1 =	simm.s32 $0x3000;
	s0 =	rddreg [dreg:$0x14];
	[sflag:s11] =	ssyncadd.s32 $0xFFFFF060  }
0x299: {  	[tilespmem:s1], [sflag:$0x6] =	stream.linear.gather [hbm4b:s0+s3], $0xFA0, $0x38;
	[tilespmem:$0x1B480] =	vst v63  }
0x29a: {  	s2 =	simm.s32 $0x4000;
	s1 =	rddreg [dreg:$0x15]  }
0x29b: {  	[tilespmem:s2], [sflag:$0x7] =	stream.linear.gather [hbm4b:s1+s3], $0xFA0, $0x38;
	[tilespmem:$0x1B480] =	vst v63  }
0x29c: {  	s31 =	simm.s32 $0x5000;
	s26 =	rddreg [dreg:$0x16]  }
0x29d: {  	[tilespmem:s31], [sflag:$0x8] =	stream.linear.gather [hbm4b:s26+s3], $0xFA0, $0x38;
	[tilespmem:$0x1B480] =	vst v63  }
0x29e: {  	s1 =	rddreg [dreg:$0x17];
	s2 =	simm.s32 $0x7000  }
0x29f: {  	[tilespmem:s2], [sflag:$0x9] =	stream.linear.gather [hbm4b:s1+s3], $0xFA0, $0x38;
	[tilespmem:$0x1B480] =	vst v63  }
0x2a0: {  	s26 =	rddreg [dreg:$0x18];
	s31 =	simm.s32 $0x9000;
	s2 =	simm.s32 $0x1020  }
0x2a1: {  	[tilespmem:s31], [sflag:$0xA] =	stream.linear.gather [hbm4b:s26+s3], $0xFA0, $0x38;
	[tilespmem:$0x1B480] =	vst v63  }
0x2a2: {  	s26 =	simm.s32 $0x20;
	v15 =	vld [tilespmem:s2+$0xFFFFFFF0]  }
0x2a3: {  	s31 =	simm.s32 $0x2020;
	v16 =	vld [tilespmem:s26+$0xFFFFFFF0]  }
0x2a4: {  	v19 =	vld [tilespmem:s31+$0xFFFFFFF0]  }
0x2a5: {  	v27 =	vld [tilespmem:s26+$0x0]  }
0x2a6: {  	v8 =	vld [tilespmem:s2+$0x0]  }
0x2a7: {  	v4 =	vld [tilespmem:s26+$0xFFFFFFE0]  }
0x2a8: {  	v5 =	vld [tilespmem:s2+$0xFFFFFFE0]  }
0x2a9: {  	v10 =	vld [tilespmem:s31+$0x0]  }
0x2aa: {  	v6 =	vld [tilespmem:s31+$0xFFFFFFE0];
	v1 =	vmul.f32 v15, v15;
	v2 =	vmul.f32 v16, v16  }
0x2ab: {  	v3 =	vmul.f32 v19, v19  }
0x2ac: {  	v7 =	vmul.f32 v27, v27;
	v9 =	vmul.f32 v8, v8;
	v1 =	vadd.f32 v1, v2  }
0x2ad: {  	v11 =	vmul.f32 v4, v4;
	v12 =	vmul.f32 v5, v5;
	v2 =	vld [tilespmem:s2+$0x10]  }
0x2ae: {  	v14 =	vmul.f32 v10, v10;
	v7 =	vadd.f32 v9, v7;
	v3 =	vadd.f32 v3, v1;
	v1 =	vld [tilespmem:s26+$0x10]  }
0x2af: {  	v9 =	vadd.f32 v12, v11;
	v11 =	vmul.f32 v6, v6  }
0x2b0: {  	v7 =	vadd.f32 v14, v7;
	v13 =	vadd.f32 $9.999999770e-03, v3;
	v3 =	vld [tilespmem:s31+$0x10]  }
0x2b1: {  	v9 =	vadd.f32 v11, v9  }
0x2b2: {  	v7 =	vadd.f32 $9.999999770e-03, v7;
	(erf) = vrcp.f32 v13  }
0x2b3: {  	v9 =	vadd.f32 $9.999999770e-03, v9;
	v12 =	vmul.f32 v2, v2;
	v11 =	vmul.f32 v1, v1  }
0x2b4: {  	(erf) = vrcp.f32 v7  }
0x2b5: {  	(erf) = vrcp.f32 v9;
	v11 =	vadd.f32 v12, v11;
	v12 =	vmul.f32 v3, v3;
	_ =	sdelay $0x1  }
0x2b6: {  	v7 =	vadd.f32 v12, v11;
	_ =	sdelay $0x1  }
0x2b7: {  	v7 =	vadd.f32 $9.999999770e-03, v7  }
0x2b8: {  	v13 =	vld [tilespmem:s2+$0x20]  }
0x2b9: {  	v12 =	vpop (erf);
	(erf) = vrcp.f32 v7  }
0x2ba: {  	v9 =	vld [tilespmem:s26+$0x20];
	v11 =	vmul.f32 v12, v12  }
0x2bb: {  	v20 =	vpop (erf)  }
0x2bc: {  	v17 =	vmul.f32 v20, v20;
	v21 =	vpop (erf);
	v7 =	vmul.f32 v11, v12;
	v11 =	vld [tilespmem:s31+$0x20]  }
0x2bd: {  	s0 =	simm.s32 $0x6020;
	v23 =	vmul.f32 v13, v13;
	v18 =	vmul.f32 v21, v21  }
0x2be: {  	v26 =	vld [tilespmem:s0+$0xFFFFFFF0];
	v30 =	vmul.f32 v17, v20;
	v14 =	vmul.f32 $4.800000000e+01, v7  }
0x2bf: {  	s1 =	simm.s32 $0x8020;
	v25 =	vld [tilespmem:s0+$0x0];
	v22 =	vmul.f32 v9, v9;
	v24 =	vmul.f32 v18, v21  }
0x2c0: {  	v12 =	vmul.f32 v7, v12;
	v7 =	vld [tilespmem:s1+$0x10];
	v32 =	vmul.f32 $4.800000000e+01, v30;
	v14 =	vsub.f32 $2.400000000e+01, v14  }
0x2c1: {  	v17 =	vadd.f32 v23, v22;
	v18 =	vld [tilespmem:s0+$0x20];
	v22 =	vmul.f32 $4.800000000e+01, v24;
	v29 =	vmul.f32 v11, v11  }
0x2c2: {  	v20 =	vmul.f32 v30, v20;
	v28 =	vmul.f32 v14, v12;
	v14 =	vld [tilespmem:s0+$0x10];
	v31 =	vpop (erf)  }
0x2c3: {  	v12 =	vld [tilespmem:s1+$0x20];
	v33 =	vsub.f32 $2.400000000e+01, v22;
	v23 =	vmul.f32 v31, v31;
	v29 =	vadd.f32 v29, v17  }
0x2c4: {  	v22 =	vsub.f32 $2.400000000e+01, v32;
	v17 =	vld [tilespmem:s1+$0xFFFFFFF0];
	v16 =	vmul.f32 v28, v16;
	v34 =	vmul.f32 v28, v15  }
0x2c5: {  	v15 =	vld [tilespmem:s1+$0x0];
	v35 =	vmul.f32 v23, v31;
	v23 =	vmul.f32 v28, v19;
	v28 =	vadd.f32 $9.999999770e-03, v29  }
0x2c6: {  	v21 =	vmul.f32 v24, v21;
	v22 =	vmul.f32 v22, v20;
	[tilespmem:v26+s12+$0x0] =	vst.idx.add.f32.msk $0xffff, v16  }
0x2c7: {  	v19 =	vsub.f32 $0.0e+00, v16;
	v16 =	vmul.f32 $4.800000000e+01, v35;
	[tilespmem:v26+s13+$0x0] =	vst.idx.add.f32.msk $0xffff, v34;
	(erf) = vrcp.f32 v28  }
0x2c8: {  	s28 =	simm.s32 $0x70;
	s29 =	simm.s32 $0x1070;
	v29 =	vmul.f32 v33, v21;
	v24 =	vsub.f32 $0.0e+00, v34;
	[tilespmem:v26+s14+$0x0] =	vst.idx.add.f32.msk $0xffff, v23  }
0x2c9: {  	s30 =	simm.s32 $0x2070;
	s2 =	simm.s32 $0x8020;
	s26 =	simm.s32 $0x0;
	v20 =	vmul.f32 v35, v31;
	v28 =	vmul.f32 v22, v27;
	v26 =	vld [tilespmem:s0+$0xFFFFFFE0];
	v21 =	vsub.f32 $2.400000000e+01, v16  }
.LBB2_8:
0x2ca: {  	v31 =	vld [tilespmem:s30+$0xFFFFFFE0];
	s26 =	sadd.s32 $0x5, s26;
	v30 =	vmul.f32 v22, v8;
	v32 =	vmul.f32 v22, v10;
	s0 =	sadd.s32 $0x50, s0;
	s1 =	sadd.s32 $0x50, s1  }
0x2cb: {  	p0 =	slt.u32 s26, $0xF5;
	[tilespmem:v25+s12+$0x0] =	vst.idx.add.f32.msk $0xffff, v28  }
0x2cc: {  	v16 =	vld [tilespmem:s28+$0x0]  }
0x2cd: {  	[tilespmem:v25+s13+$0x0] =	vst.idx.add.f32.msk $0xffff, v30  }
0x2ce: {  	v8 =	vsub.f32 $0.0e+00, v28;
	v27 =	vld [tilespmem:s28+$0x20]  }
0x2cf: {  	[tilespmem:v25+s14+$0x0] =	vst.idx.add.f32.msk $0xffff, v32  }
0x2d0: {  	[tilespmem:v15+s12+$0x0] =	vst.idx.add.f32.msk $0xffff, v8;
	v28 =	vpop (erf)  }
0x2d1: {  	v8 =	vld [tilespmem:s29+$0x0]  }
0x2d2: {  	v25 =	vmul.f32 v28, v28;
	v10 =	vld [tilespmem:s30+$0x0]  }
0x2d3: {  	v22 =	vld [tilespmem:s30+$0xFFFFFFF0]  }
0x2d4: {  	v34 =	vmul.f32 v25, v28;
	v33 =	vld [tilespmem:s28+$0xFFFFFFE0]  }
0x2d5: {  	v25 =	vld [tilespmem:s29+$0xFFFFFFF0]  }
0x2d6: {  	v36 =	vmul.f32 v34, v28;
	v34 =	vmul.f32 $4.800000000e+01, v34;
	v35 =	vld [tilespmem:s28+$0x10]  }
0x2d7: {  	v28 =	vld [tilespmem:s28+$0xFFFFFFF0]  }
0x2d8: {  	v38 =	vsub.f32 $0.0e+00, v30;
	v34 =	vsub.f32 $2.400000000e+01, v34;
	v37 =	vld [tilespmem:s2+$0xFFFFFFE0];
	s2 =	smov.u32 s1  }
0x2d9: {  	v32 =	vsub.f32 $0.0e+00, v32;
	v30 =	vld [tilespmem:s30+$0x20]  }
0x2da: {  	v39 =	vmul.f32 v22, v22;
	v34 =	vmul.f32 v34, v36;
	[tilespmem:v15+s13+$0x0] =	vst.idx.add.f32.msk $0xffff, v38  }
0x2db: {  	v40 =	vmul.f32 v29, v4;
	v4 =	vmov v33;
	v36 =	vld [tilespmem:s30+$0x10];
	v38 =	vmul.f32 v35, v35  }
0x2dc: {  	v42 =	vmul.f32 v25, v25;
	v43 =	vmul.f32 v34, v11;
	v41 =	vld [tilespmem:s29+$0xFFFFFFE0]  }
0x2dd: {  	v46 =	vmul.f32 v34, v9;
	v9 =	vmov v27;
	v44 =	vmul.f32 v28, v28;
	v45 =	vld [tilespmem:s29+$0x10]  }
0x2de: {  	v33 =	vmul.f32 v33, v4;
	v34 =	vmul.f32 v34, v13;
	[tilespmem:v26+s12+$0x0] =	vst.idx.add.f32.msk $0xffff, v40;
	v11 =	vmov v30  }
0x2df: {  	v13 =	vadd.f32 v42, v44;
	[tilespmem:v18+s12+$0x0] =	vst.idx.add.f32.msk $0xffff, v46  }
0x2e0: {  	v47 =	vsub.f32 $0.0e+00, v43;
	v42 =	vmul.f32 v16, v16;
	v44 =	vmul.f32 v29, v5;
	[tilespmem:v18+s13+$0x0] =	vst.idx.add.f32.msk $0xffff, v34  }
0x2e1: {  	v48 =	vmul.f32 v8, v8;
	v49 =	vmul.f32 v10, v10;
	v39 =	vadd.f32 v39, v13;
	v13 =	vld [tilespmem:s29+$0x20];
	v5 =	vmovc v41  }
0x2e2: {  	v29 =	vmul.f32 v29, v6;
	v6 =	vsub.f32 $0.0e+00, v23;
	v41 =	vmul.f32 v41, v5;
	[tilespmem:v18+s14+$0x0] =	vst.idx.add.f32.msk $0xffff, v43  }
0x2e3: {  	v23 =	vadd.f32 v48, v42;
	v18 =	vadd.f32 $9.999999770e-03, v39;
	v39 =	vmul.f32 v45, v45;
	[tilespmem:v26+s13+$0x0] =	vst.idx.add.f32.msk $0xffff, v44  }
0x2e4: {  	v33 =	vadd.f32 v41, v33;
	v41 =	vmul.f32 v31, v31;
	[tilespmem:v17+s12+$0x0] =	vst.idx.add.f32.msk $0xffff, v19;
	v19 =	vsub.f32 $0.0e+00, v46  }
0x2e5: {  	v23 =	vadd.f32 v49, v23;
	v38 =	vadd.f32 v39, v38;
	(erf) = vrcp.f32 v18;
	[tilespmem:v17+s13+$0x0] =	vst.idx.add.f32.msk $0xffff, v24  }
0x2e6: {  	v24 =	vsub.f32 $0.0e+00, v40;
	v18 =	vadd.f32 v41, v33;
	[tilespmem:v17+s14+$0x0] =	vst.idx.add.f32.msk $0xffff, v6;
	v6 =	vmov v31  }
0x2e7: {  	v17 =	vadd.f32 $9.999999770e-03, v23;
	v23 =	vmul.f32 v36, v36;
	[tilespmem:v26+s14+$0x0] =	vst.idx.add.f32.msk $0xffff, v29;
	v26 =	vsub.f32 $0.0e+00, v44  }
0x2e8: {  	v20 =	vmul.f32 v21, v20;
	v18 =	vadd.f32 $9.999999770e-03, v18;
	[tilespmem:v37+s12+$0x0] =	vst.idx.add.f32.msk $0xffff, v24;
	v24 =	vsub.f32 $0.0e+00, v29  }
0x2e9: {  	v21 =	vadd.f32 v23, v38;
	(erf) = vrcp.f32 v17;
	[tilespmem:v37+s13+$0x0] =	vst.idx.add.f32.msk $0xffff, v26  }
0x2ea: {  	v17 =	vmul.f32 v20, v1;
	v1 =	vmov v35;
	(erf) = vrcp.f32 v18;
	[tilespmem:v37+s14+$0x0] =	vst.idx.add.f32.msk $0xffff, v24  }
0x2eb: {  	v23 =	vadd.f32 $9.999999770e-03, v21;
	[tilespmem:v15+s14+$0x0] =	vst.idx.add.f32.msk $0xffff, v32;
	v15 =	vmul.f32 v20, v2;
	v20 =	vmul.f32 v20, v3  }
0x2ec: {  	v21 =	vsub.f32 $0.0e+00, v34;
	v3 =	vmov v36;
	v2 =	vmov v45;
	[tilespmem:v14+s12+$0x0] =	vst.idx.add.f32.msk $0xffff, v17  }
0x2ed: {  	(erf) = vrcp.f32 v23;
	[tilespmem:v14+s13+$0x0] =	vst.idx.add.f32.msk $0xffff, v15  }
0x2ee: {  	v17 =	vsub.f32 $0.0e+00, v17;
	v18 =	vpop (erf);
	[tilespmem:v12+s12+$0x0] =	vst.idx.add.f32.msk $0xffff, v19  }
0x2ef: {  	v19 =	vmul.f32 v18, v18;
	[tilespmem:v14+s14+$0x0] =	vst.idx.add.f32.msk $0xffff, v20  }
0x2f0: {  	v14 =	vsub.f32 $0.0e+00, v15;
	[tilespmem:v7+s12+$0x0] =	vst.idx.add.f32.msk $0xffff, v17  }
0x2f1: {  	v17 =	vsub.f32 $0.0e+00, v20;
	v15 =	vmul.f32 v19, v18;
	[tilespmem:v12+s13+$0x0] =	vst.idx.add.f32.msk $0xffff, v21  }
0x2f2: {  	v20 =	vpop (erf);
	[tilespmem:v12+s14+$0x0] =	vst.idx.add.f32.msk $0xffff, v47  }
0x2f3: {  	v12 =	vmul.f32 $4.800000000e+01, v15;
	v19 =	vmul.f32 v20, v20;
	v21 =	vpop (erf);
	[tilespmem:v7+s13+$0x0] =	vst.idx.add.f32.msk $0xffff, v14  }
0x2f4: {  	v15 =	vmul.f32 v15, v18;
	v14 =	vmul.f32 v21, v21;
	[tilespmem:v7+s14+$0x0] =	vst.idx.add.f32.msk $0xffff, v17  }
0x2f5: {  	v18 =	vmul.f32 v13, v13;
	v17 =	vmul.f32 v27, v9;
	v12 =	vsub.f32 $2.400000000e+01, v12;
	v26 =	vld [tilespmem:s0+$0xFFFFFFF0]  }
0x2f6: {  	v24 =	vmul.f32 v14, v21;
	v7 =	vld [tilespmem:s1+$0x10];
	v27 =	vpop (erf)  }
0x2f7: {  	v17 =	vadd.f32 v18, v17;
	v18 =	vmul.f32 v30, v11;
	v15 =	vmul.f32 v12, v15;
	v14 =	vld [tilespmem:s0+$0x10]  }
0x2f8: {  	v29 =	vmul.f32 v19, v20;
	v23 =	vmul.f32 $4.800000000e+01, v24;
	v12 =	vld [tilespmem:s1+$0x20]  }
0x2f9: {  	v30 =	vmul.f32 v27, v27;
	v31 =	vadd.f32 v18, v17;
	v28 =	vmul.f32 v15, v28;
	v18 =	vld [tilespmem:s0+$0x20]  }
0x2fa: {  	v34 =	vmul.f32 $4.800000000e+01, v29;
	v33 =	vmul.f32 v15, v25;
	v32 =	vsub.f32 $2.400000000e+01, v23;
	v25 =	vld [tilespmem:s0+$0x0]  }
0x2fb: {  	v30 =	vmul.f32 v30, v27;
	v23 =	vmul.f32 v15, v22;
	v19 =	vsub.f32 $0.0e+00, v28;
	v15 =	vld [tilespmem:s1+$0x0]  }
.Ltmp3:
0x2fc: {  	v20 =	vmul.f32 v29, v20;
	v22 =	vsub.f32 $2.400000000e+01, v34;
	v29 =	vadd.f32 $9.999999770e-03, v31;
	v17 =	vld [tilespmem:s1+$0xFFFFFFF0];
	(pc) =	sbr.rel @p0 .LBB2_8-.Ltmp3, $4  }
0x2fd: {  	v21 =	vmul.f32 v24, v21;
	v24 =	vsub.f32 $0.0e+00, v33;
	[tilespmem:v26+s12+$0x0] =	vst.idx.add.f32.msk $0xffff, v28;
	v28 =	vmul.f32 $4.800000000e+01, v30  }
0x2fe: {  	v22 =	vmul.f32 v22, v20;
	[tilespmem:v26+s13+$0x0] =	vst.idx.add.f32.msk $0xffff, v33;
	(erf) = vrcp.f32 v29  }
0x2ff: {  	v20 =	vmul.f32 v30, v27;
	v29 =	vmul.f32 v32, v21;
	[tilespmem:v26+s14+$0x0] =	vst.idx.add.f32.msk $0xffff, v23;
	v21 =	vsub.f32 $2.400000000e+01, v28  }
0x300: {  	s28 =	sadd.s32 $0x50, s28;
	s30 =	sadd.s32 $0x50, s30;
	s29 =	sadd.s32 $0x50, s29;
	v28 =	vmul.f32 v22, v16;
	v26 =	vld [tilespmem:s0+$0xFFFFFFE0]  }
0x301: {  	_ =	sdelay $0x2  }
0x302: {  	v8 =	vmul.f32 v22, v8  }
0x303: {  	v10 =	vmul.f32 v22, v10;
	[tilespmem:v25+s12+$0x0] =	vst.idx.add.f32.msk $0xffff, v28  }
0x304: {  	v22 =	vsub.f32 $0.0e+00, v28;
	[tilespmem:v25+s13+$0x0] =	vst.idx.add.f32.msk $0xffff, v8  }
0x305: {  	[tilespmem:v25+s14+$0x0] =	vst.idx.add.f32.msk $0xffff, v10  }
0x306: {  	[tilespmem:v15+s12+$0x0] =	vst.idx.add.f32.msk $0xffff, v22  }
0x307: {  	v22 =	vld [tilespmem:s2+$0xFFFFFFE0];
	_ =	sdelay $0x1  }
0x308: {  	v4 =	vmul.f32 v29, v4;
	[tilespmem:v17+s12+$0x0] =	vst.idx.add.f32.msk $0xffff, v19;
	v16 =	vpop (erf)  }
0x309: {  	[tilespmem:v17+s13+$0x0] =	vst.idx.add.f32.msk $0xffff, v24;
	v8 =	vsub.f32 $0.0e+00, v8;
	v27 =	vmul.f32 v16, v16  }
0x30a: {  	v5 =	vmul.f32 v29, v5;
	[tilespmem:v26+s12+$0x0] =	vst.idx.add.f32.msk $0xffff, v4  }
0x30b: {  	v6 =	vmul.f32 v29, v6;
	[tilespmem:v15+s13+$0x0] =	vst.idx.add.f32.msk $0xffff, v8;
	v27 =	vmul.f32 v27, v16  }
0x30c: {  	v4 =	vsub.f32 $0.0e+00, v4;
	[tilespmem:v26+s13+$0x0] =	vst.idx.add.f32.msk $0xffff, v5  }
0x30d: {  	v10 =	vsub.f32 $0.0e+00, v10;
	[tilespmem:v26+s14+$0x0] =	vst.idx.add.f32.msk $0xffff, v6;
	v30 =	vmul.f32 $4.800000000e+01, v27  }
0x30e: {  	v5 =	vsub.f32 $0.0e+00, v5;
	[tilespmem:v22+s12+$0x0] =	vst.idx.add.f32.msk $0xffff, v4;
	v4 =	vsub.f32 $0.0e+00, v6;
	v6 =	vmul.f32 v21, v20  }
0x30f: {  	[tilespmem:v15+s14+$0x0] =	vst.idx.add.f32.msk $0xffff, v10;
	v16 =	vmul.f32 v27, v16;
	v27 =	vsub.f32 $2.400000000e+01, v30  }
0x310: {  	[tilespmem:v22+s13+$0x0] =	vst.idx.add.f32.msk $0xffff, v5;
	v1 =	vmul.f32 v6, v1  }
0x311: {  	[tilespmem:v22+s14+$0x0] =	vst.idx.add.f32.msk $0xffff, v4;
	v2 =	vmul.f32 v6, v2;
	v16 =	vmul.f32 v27, v16  }
0x312: {  	v3 =	vmul.f32 v6, v3;
	[tilespmem:v14+s12+$0x0] =	vst.idx.add.f32.msk $0xffff, v1  }
0x313: {  	v8 =	vmul.f32 v16, v9;
	[tilespmem:v14+s13+$0x0] =	vst.idx.add.f32.msk $0xffff, v2  }
0x314: {  	v9 =	vmul.f32 v16, v13;
	v13 =	vsub.f32 $0.0e+00, v23;
	[tilespmem:v14+s14+$0x0] =	vst.idx.add.f32.msk $0xffff, v3  }
0x315: {  	v1 =	vsub.f32 $0.0e+00, v1;
	[tilespmem:v18+s12+$0x0] =	vst.idx.add.f32.msk $0xffff, v8  }
0x316: {  	[tilespmem:v17+s14+$0x0] =	vst.idx.add.f32.msk $0xffff, v13  }
0x317: {  	v11 =	vmul.f32 v16, v11;
	[tilespmem:v7+s12+$0x0] =	vst.idx.add.f32.msk $0xffff, v1  }
0x318: {  	v1 =	vsub.f32 $0.0e+00, v2;
	[tilespmem:v18+s13+$0x0] =	vst.idx.add.f32.msk $0xffff, v9  }
0x319: {  	v4 =	vsub.f32 $0.0e+00, v8;
	[tilespmem:v18+s14+$0x0] =	vst.idx.add.f32.msk $0xffff, v11  }
0x31a: {  	v2 =	vsub.f32 $0.0e+00, v3;
	[tilespmem:v7+s13+$0x0] =	vst.idx.add.f32.msk $0xffff, v1  }
0x31b: {  	[tilespmem:v12+s12+$0x0] =	vst.idx.add.f32.msk $0xffff, v4;
	v4 =	vsub.f32 $0.0e+00, v9  }
0x31c: {  	v5 =	vsub.f32 $0.0e+00, v11;
	[tilespmem:v7+s14+$0x0] =	vst.idx.add.f32.msk $0xffff, v2  }
0x31d: {  	[tilespmem:v12+s13+$0x0] =	vst.idx.add.f32.msk $0xffff, v4  }
0x31e: {  	[tilespmem:v12+s14+$0x0] =	vst.idx.add.f32.msk $0xffff, v5  }
0x31f: {  	_ =	swait.ge [sflag:s15], $0xFA0  }
0x320: {  	[sflag:s15] =	ssyncset.done $0x0  }
0x321: {  	[sflag:s15] =	ssyncadd.s32 $0xFFFFF060  }
0x322: {  	_ =	swait.ge [sflag:s16], $0xFA0  }
0x323: {  	[sflag:s16] =	ssyncset.done $0x0  }
0x324: {  	[sflag:s16] =	ssyncadd.s32 $0xFFFFF060  }
0x325: {  	_ =	swait.ge [sflag:s17], $0xFA0  }
0x326: {  	[sflag:s17] =	ssyncset.done $0x0  }
0x327: {  	[sflag:s17] =	ssyncadd.s32 $0xFFFFF060  }
0x328: {  	_ =	swait.ge [sflag:s18], $0xFA0  }
0x329: {  	[sflag:s18] =	ssyncset.done $0x0  }
0x32a: {  	[sflag:s18] =	ssyncadd.s32 $0xFFFFF060  }
0x32b: {  	_ =	swait.ge [sflag:s19], $0xFA0  }
0x32c: {  	[sflag:s19] =	ssyncset.done $0x0  }
0x32d: {  	s0 =	rddreg [dreg:$0x19];
	[sflag:s19] =	ssyncadd.s32 $0xFFFFF060  }
0x32e: {  	[tilespmem:s3], [sflag:$0x1] =	stream.linear.gather [hbm4b:s0+s3], $0xFA0, $0x38;
	[tilespmem:$0x1B480] =	vst v63  }
0x32f: {  	s2 =	rddreg [dreg:$0x1a]  }
0x330: {  	[tilespmem:s4], [sflag:$0x2] =	stream.linear.gather [hbm4b:s2+s3], $0xFA0, $0x38;
	[tilespmem:$0x1B480] =	vst v63  }
0x331: {  	s1 =	simm.s32 $0x2000;
	s26 =	rddreg [dreg:$0x1b]  }
0x332: {  	[tilespmem:s1], [sflag:$0x3] =	stream.linear.gather [hbm4b:s26+s3], $0xFA0, $0x38;
	[tilespmem:$0x1B480] =	vst v63  }
0x333: {  	s31 =	rddreg [dreg:$0x1d]  }
0x334: {  	[tilespmem:s5], [sflag:$0x4] =	stream.linear.gather [hbm4b:s31+s3], $0xFA0, $0x38;
	[tilespmem:$0x1B480] =	vst v63  }
0x335: {  	s2 =	simm.s32 $0x4020;
	s1 =	rddreg [dreg:$0x1c]  }
0x336: {  	[tilespmem:s6], [sflag:$0x5] =	stream.linear.gather [hbm4b:s1+s3], $0xFA0, $0x38;
	[tilespmem:$0x1B480] =	vst v63  }
0x337: {  	s26 =	simm.s32 $0x3020;
	v15 =	vld [tilespmem:s2+$0xFFFFFFF0]  }
0x338: {  	s31 =	simm.s32 $0x5020;
	v16 =	vld [tilespmem:s26+$0xFFFFFFF0]  }
0x339: {  	v19 =	vld [tilespmem:s31+$0xFFFFFFF0]  }
0x33a: {  	v27 =	vld [tilespmem:s26+$0x0]  }
0x33b: {  	v8 =	vld [tilespmem:s2+$0x0]  }
0x33c: {  	v4 =	vld [tilespmem:s26+$0xFFFFFFE0]  }
0x33d: {  	v5 =	vld [tilespmem:s2+$0xFFFFFFE0]  }
0x33e: {  	v10 =	vld [tilespmem:s31+$0x0]  }
0x33f: {  	v6 =	vld [tilespmem:s31+$0xFFFFFFE0];
	v1 =	vmul.f32 v15, v15;
	v2 =	vmul.f32 v16, v16  }
0x340: {  	v3 =	vmul.f32 v19, v19  }
0x341: {  	v7 =	vmul.f32 v27, v27;
	v9 =	vmul.f32 v8, v8;
	v1 =	vadd.f32 v1, v2  }
0x342: {  	v11 =	vmul.f32 v4, v4;
	v12 =	vmul.f32 v5, v5;
	v2 =	vld [tilespmem:s2+$0x10]  }
0x343: {  	v14 =	vmul.f32 v10, v10;
	v7 =	vadd.f32 v9, v7;
	v3 =	vadd.f32 v3, v1;
	v1 =	vld [tilespmem:s26+$0x10]  }
0x344: {  	v9 =	vadd.f32 v12, v11;
	v11 =	vmul.f32 v6, v6  }
0x345: {  	v7 =	vadd.f32 v14, v7;
	v13 =	vadd.f32 $9.999999770e-03, v3;
	v3 =	vld [tilespmem:s31+$0x10]  }
0x346: {  	v9 =	vadd.f32 v11, v9  }
0x347: {  	v7 =	vadd.f32 $9.999999770e-03, v7;
	(erf) = vrcp.f32 v13  }
0x348: {  	v9 =	vadd.f32 $9.999999770e-03, v9;
	v12 =	vmul.f32 v2, v2;
	v11 =	vmul.f32 v1, v1  }
0x349: {  	(erf) = vrcp.f32 v7  }
0x34a: {  	(erf) = vrcp.f32 v9;
	v11 =	vadd.f32 v12, v11;
	v12 =	vmul.f32 v3, v3;
	_ =	sdelay $0x1  }
0x34b: {  	v7 =	vadd.f32 v12, v11;
	_ =	sdelay $0x1  }
0x34c: {  	v7 =	vadd.f32 $9.999999770e-03, v7  }
0x34d: {  	v13 =	vld [tilespmem:s2+$0x20]  }
0x34e: {  	v12 =	vpop (erf);
	(erf) = vrcp.f32 v7  }
0x34f: {  	v9 =	vld [tilespmem:s26+$0x20];
	v11 =	vmul.f32 v12, v12  }
0x350: {  	v20 =	vpop (erf)  }
0x351: {  	v17 =	vmul.f32 v20, v20;
	v21 =	vpop (erf);
	v7 =	vmul.f32 v11, v12;
	v11 =	vld [tilespmem:s31+$0x20]  }
0x352: {  	s0 =	simm.s32 $0x7020;
	v23 =	vmul.f32 v13, v13;
	v18 =	vmul.f32 v21, v21  }
0x353: {  	v26 =	vld [tilespmem:s0+$0xFFFFFFF0];
	v30 =	vmul.f32 v17, v20;
	v14 =	vmul.f32 $4.800000000e+01, v7  }
0x354: {  	s1 =	simm.s32 $0x9020;
	v25 =	vld [tilespmem:s0+$0x0];
	v22 =	vmul.f32 v9, v9;
	v24 =	vmul.f32 v18, v21  }
0x355: {  	v12 =	vmul.f32 v7, v12;
	v7 =	vld [tilespmem:s1+$0x10];
	v32 =	vmul.f32 $4.800000000e+01, v30;
	v14 =	vsub.f32 $2.400000000e+01, v14  }
0x356: {  	v17 =	vadd.f32 v23, v22;
	v18 =	vld [tilespmem:s0+$0x20];
	v22 =	vmul.f32 $4.800000000e+01, v24;
	v29 =	vmul.f32 v11, v11  }
0x357: {  	v20 =	vmul.f32 v30, v20;
	v28 =	vmul.f32 v14, v12;
	v14 =	vld [tilespmem:s0+$0x10];
	v31 =	vpop (erf)  }
0x358: {  	v12 =	vld [tilespmem:s1+$0x20];
	v33 =	vsub.f32 $2.400000000e+01, v22;
	v23 =	vmul.f32 v31, v31;
	v29 =	vadd.f32 v29, v17  }
0x359: {  	v22 =	vsub.f32 $2.400000000e+01, v32;
	v17 =	vld [tilespmem:s1+$0xFFFFFFF0];
	v16 =	vmul.f32 v28, v16;
	v34 =	vmul.f32 v28, v15  }
0x35a: {  	v15 =	vld [tilespmem:s1+$0x0];
	v35 =	vmul.f32 v23, v31;
	v23 =	vmul.f32 v28, v19;
	v28 =	vadd.f32 $9.999999770e-03, v29  }
0x35b: {  	v21 =	vmul.f32 v24, v21;
	v22 =	vmul.f32 v22, v20;
	[tilespmem:v26+s12+$0x0] =	vst.idx.add.f32.msk $0xffff, v16  }
0x35c: {  	v19 =	vsub.f32 $0.0e+00, v16;
	v16 =	vmul.f32 $4.800000000e+01, v35;
	[tilespmem:v26+s13+$0x0] =	vst.idx.add.f32.msk $0xffff, v34;
	(erf) = vrcp.f32 v28  }
0x35d: {  	s28 =	simm.s32 $0x3070;
	s29 =	simm.s32 $0x4070;
	v29 =	vmul.f32 v33, v21;
	v24 =	vsub.f32 $0.0e+00, v34;
	[tilespmem:v26+s14+$0x0] =	vst.idx.add.f32.msk $0xffff, v23  }
0x35e: {  	s30 =	simm.s32 $0x5070;
	s2 =	simm.s32 $0x9020;
	s26 =	simm.s32 $0x0;
	v20 =	vmul.f32 v35, v31;
	v28 =	vmul.f32 v22, v27;
	v26 =	vld [tilespmem:s0+$0xFFFFFFE0];
	v21 =	vsub.f32 $2.400000000e+01, v16  }
.LBB2_10:
0x35f: {  	v31 =	vld [tilespmem:s30+$0xFFFFFFE0];
	s26 =	sadd.s32 $0x5, s26;
	v30 =	vmul.f32 v22, v8;
	v32 =	vmul.f32 v22, v10;
	s0 =	sadd.s32 $0x50, s0;
	s1 =	sadd.s32 $0x50, s1  }
0x360: {  	p0 =	slt.u32 s26, $0xF5;
	[tilespmem:v25+s12+$0x0] =	vst.idx.add.f32.msk $0xffff, v28  }
0x361: {  	v16 =	vld [tilespmem:s28+$0x0]  }
0x362: {  	[tilespmem:v25+s13+$0x0] =	vst.idx.add.f32.msk $0xffff, v30  }
0x363: {  	v8 =	vsub.f32 $0.0e+00, v28;
	v27 =	vld [tilespmem:s28+$0x20]  }
0x364: {  	[tilespmem:v25+s14+$0x0] =	vst.idx.add.f32.msk $0xffff, v32  }
0x365: {  	[tilespmem:v15+s12+$0x0] =	vst.idx.add.f32.msk $0xffff, v8;
	v28 =	vpop (erf)  }
0x366: {  	v8 =	vld [tilespmem:s29+$0x0]  }
0x367: {  	v25 =	vmul.f32 v28, v28;
	v10 =	vld [tilespmem:s30+$0x0]  }
0x368: {  	v22 =	vld [tilespmem:s30+$0xFFFFFFF0]  }
0x369: {  	v34 =	vmul.f32 v25, v28;
	v33 =	vld [tilespmem:s28+$0xFFFFFFE0]  }
0x36a: {  	v25 =	vld [tilespmem:s29+$0xFFFFFFF0]  }
0x36b: {  	v36 =	vmul.f32 v34, v28;
	v34 =	vmul.f32 $4.800000000e+01, v34;
	v35 =	vld [tilespmem:s28+$0x10]  }
0x36c: {  	v28 =	vld [tilespmem:s28+$0xFFFFFFF0]  }
0x36d: {  	v38 =	vsub.f32 $0.0e+00, v30;
	v34 =	vsub.f32 $2.400000000e+01, v34;
	v37 =	vld [tilespmem:s2+$0xFFFFFFE0];
	s2 =	smov.u32 s1  }
0x36e: {  	v32 =	vsub.f32 $0.0e+00, v32;
	v30 =	vld [tilespmem:s30+$0x20]  }
0x36f: {  	v39 =	vmul.f32 v22, v22;
	v34 =	vmul.f32 v34, v36;
	[tilespmem:v15+s13+$0x0] =	vst.idx.add.f32.msk $0xffff, v38  }
0x370: {  	v40 =	vmul.f32 v29, v4;
	v4 =	vmov v33;
	v36 =	vld [tilespmem:s30+$0x10];
	v38 =	vmul.f32 v35, v35  }
0x371: {  	v42 =	vmul.f32 v25, v25;
	v43 =	vmul.f32 v34, v11;
	v41 =	vld [tilespmem:s29+$0xFFFFFFE0]  }
0x372: {  	v46 =	vmul.f32 v34, v9;
	v9 =	vmov v27;
	v44 =	vmul.f32 v28, v28;
	v45 =	vld [tilespmem:s29+$0x10]  }
0x373: {  	v33 =	vmul.f32 v33, v4;
	v34 =	vmul.f32 v34, v13;
	[tilespmem:v26+s12+$0x0] =	vst.idx.add.f32.msk $0xffff, v40;
	v11 =	vmov v30  }
0x374: {  	v13 =	vadd.f32 v42, v44;
	[tilespmem:v18+s12+$0x0] =	vst.idx.add.f32.msk $0xffff, v46  }
0x375: {  	v47 =	vsub.f32 $0.0e+00, v43;
	v42 =	vmul.f32 v16, v16;
	v44 =	vmul.f32 v29, v5;
	[tilespmem:v18+s13+$0x0] =	vst.idx.add.f32.msk $0xffff, v34  }
0x376: {  	v48 =	vmul.f32 v8, v8;
	v49 =	vmul.f32 v10, v10;
	v39 =	vadd.f32 v39, v13;
	v13 =	vld [tilespmem:s29+$0x20];
	v5 =	vmovc v41  }
0x377: {  	v29 =	vmul.f32 v29, v6;
	v6 =	vsub.f32 $0.0e+00, v23;
	v41 =	vmul.f32 v41, v5;
	[tilespmem:v18+s14+$0x0] =	vst.idx.add.f32.msk $0xffff, v43  }
0x378: {  	v23 =	vadd.f32 v48, v42;
	v18 =	vadd.f32 $9.999999770e-03, v39;
	v39 =	vmul.f32 v45, v45;
	[tilespmem:v26+s13+$0x0] =	vst.idx.add.f32.msk $0xffff, v44  }
0x379: {  	v33 =	vadd.f32 v41, v33;
	v41 =	vmul.f32 v31, v31;
	[tilespmem:v17+s12+$0x0] =	vst.idx.add.f32.msk $0xffff, v19;
	v19 =	vsub.f32 $0.0e+00, v46  }
0x37a: {  	v23 =	vadd.f32 v49, v23;
	v38 =	vadd.f32 v39, v38;
	(erf) = vrcp.f32 v18;
	[tilespmem:v17+s13+$0x0] =	vst.idx.add.f32.msk $0xffff, v24  }
0x37b: {  	v24 =	vsub.f32 $0.0e+00, v40;
	v18 =	vadd.f32 v41, v33;
	[tilespmem:v17+s14+$0x0] =	vst.idx.add.f32.msk $0xffff, v6;
	v6 =	vmov v31  }
0x37c: {  	v17 =	vadd.f32 $9.999999770e-03, v23;
	v23 =	vmul.f32 v36, v36;
	[tilespmem:v26+s14+$0x0] =	vst.idx.add.f32.msk $0xffff, v29;
	v26 =	vsub.f32 $0.0e+00, v44  }
0x37d: {  	v20 =	vmul.f32 v21, v20;
	v18 =	vadd.f32 $9.999999770e-03, v18;
	[tilespmem:v37+s12+$0x0] =	vst.idx.add.f32.msk $0xffff, v24;
	v24 =	vsub.f32 $0.0e+00, v29  }
0x37e: {  	v21 =	vadd.f32 v23, v38;
	(erf) = vrcp.f32 v17;
	[tilespmem:v37+s13+$0x0] =	vst.idx.add.f32.msk $0xffff, v26  }
0x37f: {  	v17 =	vmul.f32 v20, v1;
	v1 =	vmov v35;
	(erf) = vrcp.f32 v18;
	[tilespmem:v37+s14+$0x0] =	vst.idx.add.f32.msk $0xffff, v24  }
0x380: {  	v23 =	vadd.f32 $9.999999770e-03, v21;
	[tilespmem:v15+s14+$0x0] =	vst.idx.add.f32.msk $0xffff, v32;
	v15 =	vmul.f32 v20, v2;
	v20 =	vmul.f32 v20, v3  }
0x381: {  	v21 =	vsub.f32 $0.0e+00, v34;
	v3 =	vmov v36;
	v2 =	vmov v45;
	[tilespmem:v14+s12+$0x0] =	vst.idx.add.f32.msk $0xffff, v17  }
0x382: {  	(erf) = vrcp.f32 v23;
	[tilespmem:v14+s13+$0x0] =	vst.idx.add.f32.msk $0xffff, v15  }
0x383: {  	v17 =	vsub.f32 $0.0e+00, v17;
	v18 =	vpop (erf);
	[tilespmem:v12+s12+$0x0] =	vst.idx.add.f32.msk $0xffff, v19  }
0x384: {  	v19 =	vmul.f32 v18, v18;
	[tilespmem:v14+s14+$0x0] =	vst.idx.add.f32.msk $0xffff, v20  }
0x385: {  	v14 =	vsub.f32 $0.0e+00, v15;
	[tilespmem:v7+s12+$0x0] =	vst.idx.add.f32.msk $0xffff, v17  }
0x386: {  	v17 =	vsub.f32 $0.0e+00, v20;
	v15 =	vmul.f32 v19, v18;
	[tilespmem:v12+s13+$0x0] =	vst.idx.add.f32.msk $0xffff, v21  }
0x387: {  	v20 =	vpop (erf);
	[tilespmem:v12+s14+$0x0] =	vst.idx.add.f32.msk $0xffff, v47  }
0x388: {  	v12 =	vmul.f32 $4.800000000e+01, v15;
	v19 =	vmul.f32 v20, v20;
	v21 =	vpop (erf);
	[tilespmem:v7+s13+$0x0] =	vst.idx.add.f32.msk $0xffff, v14  }
0x389: {  	v15 =	vmul.f32 v15, v18;
	v14 =	vmul.f32 v21, v21;
	[tilespmem:v7+s14+$0x0] =	vst.idx.add.f32.msk $0xffff, v17  }
0x38a: {  	v18 =	vmul.f32 v13, v13;
	v17 =	vmul.f32 v27, v9;
	v12 =	vsub.f32 $2.400000000e+01, v12;
	v26 =	vld [tilespmem:s0+$0xFFFFFFF0]  }
0x38b: {  	v24 =	vmul.f32 v14, v21;
	v7 =	vld [tilespmem:s1+$0x10];
	v27 =	vpop (erf)  }
0x38c: {  	v17 =	vadd.f32 v18, v17;
	v18 =	vmul.f32 v30, v11;
	v15 =	vmul.f32 v12, v15;
	v14 =	vld [tilespmem:s0+$0x10]  }
0x38d: {  	v29 =	vmul.f32 v19, v20;
	v23 =	vmul.f32 $4.800000000e+01, v24;
	v12 =	vld [tilespmem:s1+$0x20]  }
0x38e: {  	v30 =	vmul.f32 v27, v27;
	v31 =	vadd.f32 v18, v17;
	v28 =	vmul.f32 v15, v28;
	v18 =	vld [tilespmem:s0+$0x20]  }
0x38f: {  	v34 =	vmul.f32 $4.800000000e+01, v29;
	v33 =	vmul.f32 v15, v25;
	v32 =	vsub.f32 $2.400000000e+01, v23;
	v25 =	vld [tilespmem:s0+$0x0]  }
0x390: {  	v30 =	vmul.f32 v30, v27;
	v23 =	vmul.f32 v15, v22;
	v19 =	vsub.f32 $0.0e+00, v28;
	v15 =	vld [tilespmem:s1+$0x0]  }
.Ltmp4:
0x391: {  	v20 =	vmul.f32 v29, v20;
	v22 =	vsub.f32 $2.400000000e+01, v34;
	v29 =	vadd.f32 $9.999999770e-03, v31;
	v17 =	vld [tilespmem:s1+$0xFFFFFFF0];
	(pc) =	sbr.rel @p0 .LBB2_10-.Ltmp4, $4  }
0x392: {  	v21 =	vmul.f32 v24, v21;
	v24 =	vsub.f32 $0.0e+00, v33;
	[tilespmem:v26+s12+$0x0] =	vst.idx.add.f32.msk $0xffff, v28;
	v28 =	vmul.f32 $4.800000000e+01, v30  }
0x393: {  	v22 =	vmul.f32 v22, v20;
	[tilespmem:v26+s13+$0x0] =	vst.idx.add.f32.msk $0xffff, v33;
	(erf) = vrcp.f32 v29  }
0x394: {  	v20 =	vmul.f32 v30, v27;
	v29 =	vmul.f32 v32, v21;
	[tilespmem:v26+s14+$0x0] =	vst.idx.add.f32.msk $0xffff, v23;
	v21 =	vsub.f32 $2.400000000e+01, v28  }
0x395: {  	s28 =	sadd.s32 $0x50, s28;
	s30 =	sadd.s32 $0x50, s30;
	s29 =	sadd.s32 $0x50, s29;
	v28 =	vmul.f32 v22, v16;
	v26 =	vld [tilespmem:s0+$0xFFFFFFE0]  }
0x396: {  	_ =	sdelay $0x2  }
0x397: {  	v8 =	vmul.f32 v22, v8  }
0x398: {  	v10 =	vmul.f32 v22, v10;
	[tilespmem:v25+s12+$0x0] =	vst.idx.add.f32.msk $0xffff, v28  }
0x399: {  	v22 =	vsub.f32 $0.0e+00, v28;
	[tilespmem:v25+s13+$0x0] =	vst.idx.add.f32.msk $0xffff, v8  }
0x39a: {  	[tilespmem:v25+s14+$0x0] =	vst.idx.add.f32.msk $0xffff, v10  }
0x39b: {  	[tilespmem:v15+s12+$0x0] =	vst.idx.add.f32.msk $0xffff, v22  }
0x39c: {  	v22 =	vld [tilespmem:s2+$0xFFFFFFE0];
	_ =	sdelay $0x1  }
0x39d: {  	v4 =	vmul.f32 v29, v4;
	[tilespmem:v17+s12+$0x0] =	vst.idx.add.f32.msk $0xffff, v19;
	v16 =	vpop (erf)  }
0x39e: {  	[tilespmem:v17+s13+$0x0] =	vst.idx.add.f32.msk $0xffff, v24;
	v8 =	vsub.f32 $0.0e+00, v8;
	v27 =	vmul.f32 v16, v16  }
0x39f: {  	v5 =	vmul.f32 v29, v5;
	[tilespmem:v26+s12+$0x0] =	vst.idx.add.f32.msk $0xffff, v4  }
0x3a0: {  	v6 =	vmul.f32 v29, v6;
	[tilespmem:v15+s13+$0x0] =	vst.idx.add.f32.msk $0xffff, v8;
	v27 =	vmul.f32 v27, v16  }
0x3a1: {  	v4 =	vsub.f32 $0.0e+00, v4;
	[tilespmem:v26+s13+$0x0] =	vst.idx.add.f32.msk $0xffff, v5  }
0x3a2: {  	v10 =	vsub.f32 $0.0e+00, v10;
	[tilespmem:v26+s14+$0x0] =	vst.idx.add.f32.msk $0xffff, v6;
	v30 =	vmul.f32 $4.800000000e+01, v27  }
0x3a3: {  	v5 =	vsub.f32 $0.0e+00, v5;
	[tilespmem:v22+s12+$0x0] =	vst.idx.add.f32.msk $0xffff, v4;
	v4 =	vsub.f32 $0.0e+00, v6;
	v6 =	vmul.f32 v21, v20  }
0x3a4: {  	[tilespmem:v15+s14+$0x0] =	vst.idx.add.f32.msk $0xffff, v10;
	v16 =	vmul.f32 v27, v16;
	v27 =	vsub.f32 $2.400000000e+01, v30  }
0x3a5: {  	[tilespmem:v22+s13+$0x0] =	vst.idx.add.f32.msk $0xffff, v5;
	v1 =	vmul.f32 v6, v1  }
0x3a6: {  	[tilespmem:v22+s14+$0x0] =	vst.idx.add.f32.msk $0xffff, v4;
	v2 =	vmul.f32 v6, v2;
	v16 =	vmul.f32 v27, v16  }
0x3a7: {  	v3 =	vmul.f32 v6, v3;
	[tilespmem:v14+s12+$0x0] =	vst.idx.add.f32.msk $0xffff, v1  }
0x3a8: {  	v8 =	vmul.f32 v16, v9;
	[tilespmem:v14+s13+$0x0] =	vst.idx.add.f32.msk $0xffff, v2  }
0x3a9: {  	v9 =	vmul.f32 v16, v13;
	v13 =	vsub.f32 $0.0e+00, v23;
	[tilespmem:v14+s14+$0x0] =	vst.idx.add.f32.msk $0xffff, v3  }
0x3aa: {  	v1 =	vsub.f32 $0.0e+00, v1;
	[tilespmem:v18+s12+$0x0] =	vst.idx.add.f32.msk $0xffff, v8  }
0x3ab: {  	[tilespmem:v17+s14+$0x0] =	vst.idx.add.f32.msk $0xffff, v13  }
0x3ac: {  	v11 =	vmul.f32 v16, v11;
	[tilespmem:v7+s12+$0x0] =	vst.idx.add.f32.msk $0xffff, v1  }
0x3ad: {  	v1 =	vsub.f32 $0.0e+00, v2;
	[tilespmem:v18+s13+$0x0] =	vst.idx.add.f32.msk $0xffff, v9  }
0x3ae: {  	v4 =	vsub.f32 $0.0e+00, v8;
	[tilespmem:v18+s14+$0x0] =	vst.idx.add.f32.msk $0xffff, v11  }
0x3af: {  	v2 =	vsub.f32 $0.0e+00, v3;
	[tilespmem:v7+s13+$0x0] =	vst.idx.add.f32.msk $0xffff, v1  }
0x3b0: {  	[tilespmem:v12+s12+$0x0] =	vst.idx.add.f32.msk $0xffff, v4;
	v4 =	vsub.f32 $0.0e+00, v9  }
0x3b1: {  	v5 =	vsub.f32 $0.0e+00, v11;
	[tilespmem:v7+s14+$0x0] =	vst.idx.add.f32.msk $0xffff, v2  }
0x3b2: {  	[tilespmem:v12+s13+$0x0] =	vst.idx.add.f32.msk $0xffff, v4  }
0x3b3: {  	[tilespmem:v12+s14+$0x0] =	vst.idx.add.f32.msk $0xffff, v5  }
0x3b4: {  	_ =	swait.ge [sflag:s7], $0xFA0  }
0x3b5: {  	[sflag:s7] =	ssyncset.done $0x0  }
0x3b6: {  	[sflag:s7] =	ssyncadd.s32 $0xFFFFF060  }
0x3b7: {  	_ =	swait.ge [sflag:s8], $0xFA0  }
0x3b8: {  	[sflag:s8] =	ssyncset.done $0x0  }
0x3b9: {  	[sflag:s8] =	ssyncadd.s32 $0xFFFFF060  }
0x3ba: {  	_ =	swait.ge [sflag:s9], $0xFA0  }
0x3bb: {  	[sflag:s9] =	ssyncset.done $0x0  }
0x3bc: {  	[sflag:s9] =	ssyncadd.s32 $0xFFFFF060  }
0x3bd: {  	_ =	swait.ge [sflag:s10], $0xFA0  }
0x3be: {  	[sflag:s10] =	ssyncset.done $0x0  }
0x3bf: {  	[sflag:s10] =	ssyncadd.s32 $0xFFFFF060  }
0x3c0: {  	_ =	swait.ge [sflag:s11], $0xFA0  }
0x3c1: {  	[sflag:s11] =	ssyncset.done $0x0  }
0x3c2: {  	s0 =	simm.s32 $0x1020;
	[sflag:s11] =	ssyncadd.s32 $0xFFFFF060  }
0x3c3: {  	s1 =	simm.s32 $0x20;
	v15 =	vld [tilespmem:s0+$0xFFFFFFF0]  }
0x3c4: {  	s31 =	simm.s32 $0x2020;
	v16 =	vld [tilespmem:s1+$0xFFFFFFF0]  }
0x3c5: {  	v19 =	vld [tilespmem:s31+$0xFFFFFFF0]  }
0x3c6: {  	v27 =	vld [tilespmem:s1+$0x0]  }
0x3c7: {  	v8 =	vld [tilespmem:s0+$0x0]  }
0x3c8: {  	v4 =	vld [tilespmem:s1+$0xFFFFFFE0]  }
0x3c9: {  	v5 =	vld [tilespmem:s0+$0xFFFFFFE0]  }
0x3ca: {  	v10 =	vld [tilespmem:s31+$0x0]  }
0x3cb: {  	v6 =	vld [tilespmem:s31+$0xFFFFFFE0];
	v1 =	vmul.f32 v15, v15;
	v2 =	vmul.f32 v16, v16  }
0x3cc: {  	v3 =	vmul.f32 v19, v19  }
0x3cd: {  	v7 =	vmul.f32 v27, v27;
	v9 =	vmul.f32 v8, v8;
	v1 =	vadd.f32 v1, v2  }
0x3ce: {  	v11 =	vmul.f32 v4, v4;
	v12 =	vmul.f32 v5, v5;
	v2 =	vld [tilespmem:s0+$0x10]  }
0x3cf: {  	v14 =	vmul.f32 v10, v10;
	v7 =	vadd.f32 v9, v7;
	v3 =	vadd.f32 v3, v1;
	v1 =	vld [tilespmem:s1+$0x10]  }
0x3d0: {  	v9 =	vadd.f32 v12, v11;
	v11 =	vmul.f32 v6, v6  }
0x3d1: {  	v7 =	vadd.f32 v14, v7;
	v13 =	vadd.f32 $9.999999770e-03, v3;
	v3 =	vld [tilespmem:s31+$0x10]  }
0x3d2: {  	v9 =	vadd.f32 v11, v9  }
0x3d3: {  	v7 =	vadd.f32 $9.999999770e-03, v7;
	(erf) = vrcp.f32 v13  }
0x3d4: {  	v9 =	vadd.f32 $9.999999770e-03, v9;
	v12 =	vmul.f32 v2, v2;
	v11 =	vmul.f32 v1, v1  }
0x3d5: {  	(erf) = vrcp.f32 v7  }
0x3d6: {  	(erf) = vrcp.f32 v9;
	v11 =	vadd.f32 v12, v11;
	v12 =	vmul.f32 v3, v3;
	_ =	sdelay $0x1  }
0x3d7: {  	v7 =	vadd.f32 v12, v11;
	_ =	sdelay $0x1  }
0x3d8: {  	v7 =	vadd.f32 $9.999999770e-03, v7  }
0x3d9: {  	v13 =	vld [tilespmem:s0+$0x20]  }
0x3da: {  	v12 =	vpop (erf);
	(erf) = vrcp.f32 v7  }
0x3db: {  	v9 =	vld [tilespmem:s1+$0x20];
	v11 =	vmul.f32 v12, v12  }
0x3dc: {  	v20 =	vpop (erf)  }
0x3dd: {  	v17 =	vmul.f32 v20, v20;
	v21 =	vpop (erf);
	v7 =	vmul.f32 v11, v12;
	v11 =	vld [tilespmem:s31+$0x20]  }
0x3de: {  	s0 =	simm.s32 $0x6020;
	v23 =	vmul.f32 v13, v13;
	v18 =	vmul.f32 v21, v21  }
0x3df: {  	v26 =	vld [tilespmem:s0+$0xFFFFFFF0];
	v30 =	vmul.f32 v17, v20;
	v14 =	vmul.f32 $4.800000000e+01, v7  }
0x3e0: {  	v25 =	vld [tilespmem:s0+$0x0];
	s1 =	simm.s32 $0x8020;
	v22 =	vmul.f32 v9, v9;
	v24 =	vmul.f32 v18, v21  }
0x3e1: {  	v12 =	vmul.f32 v7, v12;
	v7 =	vld [tilespmem:s1+$0x10];
	v32 =	vmul.f32 $4.800000000e+01, v30;
	v14 =	vsub.f32 $2.400000000e+01, v14  }
0x3e2: {  	v17 =	vadd.f32 v23, v22;
	v18 =	vld [tilespmem:s0+$0x20];
	v22 =	vmul.f32 $4.800000000e+01, v24;
	v29 =	vmul.f32 v11, v11  }
0x3e3: {  	v20 =	vmul.f32 v30, v20;
	v28 =	vmul.f32 v14, v12;
	v14 =	vld [tilespmem:s0+$0x10];
	v31 =	vpop (erf)  }
0x3e4: {  	v12 =	vld [tilespmem:s1+$0x20];
	v33 =	vsub.f32 $2.400000000e+01, v22;
	v23 =	vmul.f32 v31, v31;
	v29 =	vadd.f32 v29, v17  }
0x3e5: {  	v22 =	vsub.f32 $2.400000000e+01, v32;
	v17 =	vld [tilespmem:s1+$0xFFFFFFF0];
	v16 =	vmul.f32 v28, v16;
	v34 =	vmul.f32 v28, v15  }
0x3e6: {  	v15 =	vld [tilespmem:s1+$0x0];
	v35 =	vmul.f32 v23, v31;
	v23 =	vmul.f32 v28, v19;
	v28 =	vadd.f32 $9.999999770e-03, v29  }
0x3e7: {  	v21 =	vmul.f32 v24, v21;
	v22 =	vmul.f32 v22, v20;
	[tilespmem:v26+s12+$0x0] =	vst.idx.add.f32.msk $0xffff, v16  }
0x3e8: {  	v19 =	vsub.f32 $0.0e+00, v16;
	v16 =	vmul.f32 $4.800000000e+01, v35;
	[tilespmem:v26+s13+$0x0] =	vst.idx.add.f32.msk $0xffff, v34;
	(erf) = vrcp.f32 v28  }
0x3e9: {  	s26 =	simm.s32 $0x0;
	s28 =	simm.s32 $0x70;
	v29 =	vmul.f32 v33, v21;
	v24 =	vsub.f32 $0.0e+00, v34;
	[tilespmem:v26+s14+$0x0] =	vst.idx.add.f32.msk $0xffff, v23  }
0x3ea: {  	s29 =	simm.s32 $0x1070;
	s30 =	simm.s32 $0x2070;
	s2 =	simm.s32 $0x8020;
	v20 =	vmul.f32 v35, v31;
	v28 =	vmul.f32 v22, v27;
	v26 =	vld [tilespmem:s0+$0xFFFFFFE0];
	v21 =	vsub.f32 $2.400000000e+01, v16  }
.LBB2_12:
0x3eb: {  	v31 =	vld [tilespmem:s30+$0xFFFFFFE0];
	s26 =	sadd.s32 $0x5, s26;
	v30 =	vmul.f32 v22, v8;
	v32 =	vmul.f32 v22, v10;
	s0 =	sadd.s32 $0x50, s0;
	s1 =	sadd.s32 $0x50, s1  }
0x3ec: {  	p0 =	slt.u32 s26, $0xF5;
	[tilespmem:v25+s12+$0x0] =	vst.idx.add.f32.msk $0xffff, v28  }
0x3ed: {  	v16 =	vld [tilespmem:s28+$0x0]  }
0x3ee: {  	[tilespmem:v25+s13+$0x0] =	vst.idx.add.f32.msk $0xffff, v30  }
0x3ef: {  	v8 =	vsub.f32 $0.0e+00, v28;
	v27 =	vld [tilespmem:s28+$0x20]  }
0x3f0: {  	[tilespmem:v25+s14+$0x0] =	vst.idx.add.f32.msk $0xffff, v32  }
0x3f1: {  	[tilespmem:v15+s12+$0x0] =	vst.idx.add.f32.msk $0xffff, v8;
	v28 =	vpop (erf)  }
0x3f2: {  	v8 =	vld [tilespmem:s29+$0x0]  }
0x3f3: {  	v25 =	vmul.f32 v28, v28;
	v10 =	vld [tilespmem:s30+$0x0]  }
0x3f4: {  	v22 =	vld [tilespmem:s30+$0xFFFFFFF0]  }
0x3f5: {  	v34 =	vmul.f32 v25, v28;
	v33 =	vld [tilespmem:s28+$0xFFFFFFE0]  }
0x3f6: {  	v25 =	vld [tilespmem:s29+$0xFFFFFFF0]  }
0x3f7: {  	v36 =	vmul.f32 v34, v28;
	v34 =	vmul.f32 $4.800000000e+01, v34;
	v35 =	vld [tilespmem:s28+$0x10]  }
0x3f8: {  	v28 =	vld [tilespmem:s28+$0xFFFFFFF0]  }
0x3f9: {  	v38 =	vsub.f32 $0.0e+00, v30;
	v34 =	vsub.f32 $2.400000000e+01, v34;
	v37 =	vld [tilespmem:s2+$0xFFFFFFE0];
	s2 =	smov.u32 s1  }
0x3fa: {  	v32 =	vsub.f32 $0.0e+00, v32;
	v30 =	vld [tilespmem:s30+$0x20]  }
0x3fb: {  	v39 =	vmul.f32 v22, v22;
	v34 =	vmul.f32 v34, v36;
	[tilespmem:v15+s13+$0x0] =	vst.idx.add.f32.msk $0xffff, v38  }
0x3fc: {  	v40 =	vmul.f32 v29, v4;
	v4 =	vmov v33;
	v36 =	vld [tilespmem:s30+$0x10];
	v38 =	vmul.f32 v35, v35  }
0x3fd: {  	v42 =	vmul.f32 v25, v25;
	v43 =	vmul.f32 v34, v11;
	v41 =	vld [tilespmem:s29+$0xFFFFFFE0]  }
0x3fe: {  	v46 =	vmul.f32 v34, v9;
	v9 =	vmov v27;
	v44 =	vmul.f32 v28, v28;
	v45 =	vld [tilespmem:s29+$0x10]  }
0x3ff: {  	v33 =	vmul.f32 v33, v4;
	v34 =	vmul.f32 v34, v13;
	[tilespmem:v26+s12+$0x0] =	vst.idx.add.f32.msk $0xffff, v40;
	v11 =	vmov v30  }
0x400: {  	v13 =	vadd.f32 v42, v44;
	[tilespmem:v18+s12+$0x0] =	vst.idx.add.f32.msk $0xffff, v46  }
0x401: {  	v47 =	vsub.f32 $0.0e+00, v43;
	v42 =	vmul.f32 v16, v16;
	v44 =	vmul.f32 v29, v5;
	[tilespmem:v18+s13+$0x0] =	vst.idx.add.f32.msk $0xffff, v34  }
0x402: {  	v48 =	vmul.f32 v8, v8;
	v49 =	vmul.f32 v10, v10;
	v39 =	vadd.f32 v39, v13;
	v13 =	vld [tilespmem:s29+$0x20];
	v5 =	vmovc v41  }
0x403: {  	v29 =	vmul.f32 v29, v6;
	v6 =	vsub.f32 $0.0e+00, v23;
	v41 =	vmul.f32 v41, v5;
	[tilespmem:v18+s14+$0x0] =	vst.idx.add.f32.msk $0xffff, v43  }
0x404: {  	v23 =	vadd.f32 v48, v42;
	v18 =	vadd.f32 $9.999999770e-03, v39;
	v39 =	vmul.f32 v45, v45;
	[tilespmem:v26+s13+$0x0] =	vst.idx.add.f32.msk $0xffff, v44  }
0x405: {  	v33 =	vadd.f32 v41, v33;
	v41 =	vmul.f32 v31, v31;
	[tilespmem:v17+s12+$0x0] =	vst.idx.add.f32.msk $0xffff, v19;
	v19 =	vsub.f32 $0.0e+00, v46  }
0x406: {  	v23 =	vadd.f32 v49, v23;
	v38 =	vadd.f32 v39, v38;
	(erf) = vrcp.f32 v18;
	[tilespmem:v17+s13+$0x0] =	vst.idx.add.f32.msk $0xffff, v24  }
0x407: {  	v24 =	vsub.f32 $0.0e+00, v40;
	v18 =	vadd.f32 v41, v33;
	[tilespmem:v17+s14+$0x0] =	vst.idx.add.f32.msk $0xffff, v6;
	v6 =	vmov v31  }
0x408: {  	v17 =	vadd.f32 $9.999999770e-03, v23;
	v23 =	vmul.f32 v36, v36;
	[tilespmem:v26+s14+$0x0] =	vst.idx.add.f32.msk $0xffff, v29;
	v26 =	vsub.f32 $0.0e+00, v44  }
0x409: {  	v20 =	vmul.f32 v21, v20;
	v18 =	vadd.f32 $9.999999770e-03, v18;
	[tilespmem:v37+s12+$0x0] =	vst.idx.add.f32.msk $0xffff, v24;
	v24 =	vsub.f32 $0.0e+00, v29  }
0x40a: {  	v21 =	vadd.f32 v23, v38;
	(erf) = vrcp.f32 v17;
	[tilespmem:v37+s13+$0x0] =	vst.idx.add.f32.msk $0xffff, v26  }
0x40b: {  	v17 =	vmul.f32 v20, v1;
	v1 =	vmov v35;
	(erf) = vrcp.f32 v18;
	[tilespmem:v37+s14+$0x0] =	vst.idx.add.f32.msk $0xffff, v24  }
0x40c: {  	v23 =	vadd.f32 $9.999999770e-03, v21;
	[tilespmem:v15+s14+$0x0] =	vst.idx.add.f32.msk $0xffff, v32;
	v15 =	vmul.f32 v20, v2;
	v20 =	vmul.f32 v20, v3  }
0x40d: {  	v21 =	vsub.f32 $0.0e+00, v34;
	v3 =	vmov v36;
	v2 =	vmov v45;
	[tilespmem:v14+s12+$0x0] =	vst.idx.add.f32.msk $0xffff, v17  }
0x40e: {  	(erf) = vrcp.f32 v23;
	[tilespmem:v14+s13+$0x0] =	vst.idx.add.f32.msk $0xffff, v15  }
0x40f: {  	v17 =	vsub.f32 $0.0e+00, v17;
	v18 =	vpop (erf);
	[tilespmem:v12+s12+$0x0] =	vst.idx.add.f32.msk $0xffff, v19  }
0x410: {  	v19 =	vmul.f32 v18, v18;
	[tilespmem:v14+s14+$0x0] =	vst.idx.add.f32.msk $0xffff, v20  }
0x411: {  	v14 =	vsub.f32 $0.0e+00, v15;
	[tilespmem:v7+s12+$0x0] =	vst.idx.add.f32.msk $0xffff, v17  }
0x412: {  	v17 =	vsub.f32 $0.0e+00, v20;
	v15 =	vmul.f32 v19, v18;
	[tilespmem:v12+s13+$0x0] =	vst.idx.add.f32.msk $0xffff, v21  }
0x413: {  	v20 =	vpop (erf);
	[tilespmem:v12+s14+$0x0] =	vst.idx.add.f32.msk $0xffff, v47  }
0x414: {  	v12 =	vmul.f32 $4.800000000e+01, v15;
	v19 =	vmul.f32 v20, v20;
	v21 =	vpop (erf);
	[tilespmem:v7+s13+$0x0] =	vst.idx.add.f32.msk $0xffff, v14  }
0x415: {  	v15 =	vmul.f32 v15, v18;
	v14 =	vmul.f32 v21, v21;
	[tilespmem:v7+s14+$0x0] =	vst.idx.add.f32.msk $0xffff, v17  }
0x416: {  	v18 =	vmul.f32 v13, v13;
	v17 =	vmul.f32 v27, v9;
	v12 =	vsub.f32 $2.400000000e+01, v12;
	v26 =	vld [tilespmem:s0+$0xFFFFFFF0]  }
0x417: {  	v24 =	vmul.f32 v14, v21;
	v7 =	vld [tilespmem:s1+$0x10];
	v27 =	vpop (erf)  }
0x418: {  	v17 =	vadd.f32 v18, v17;
	v18 =	vmul.f32 v30, v11;
	v15 =	vmul.f32 v12, v15;
	v14 =	vld [tilespmem:s0+$0x10]  }
0x419: {  	v29 =	vmul.f32 v19, v20;
	v23 =	vmul.f32 $4.800000000e+01, v24;
	v12 =	vld [tilespmem:s1+$0x20]  }
0x41a: {  	v30 =	vmul.f32 v27, v27;
	v31 =	vadd.f32 v18, v17;
	v28 =	vmul.f32 v15, v28;
	v18 =	vld [tilespmem:s0+$0x20]  }
0x41b: {  	v34 =	vmul.f32 $4.800000000e+01, v29;
	v33 =	vmul.f32 v15, v25;
	v32 =	vsub.f32 $2.400000000e+01, v23;
	v25 =	vld [tilespmem:s0+$0x0]  }
0x41c: {  	v30 =	vmul.f32 v30, v27;
	v23 =	vmul.f32 v15, v22;
	v19 =	vsub.f32 $0.0e+00, v28;
	v15 =	vld [tilespmem:s1+$0x0]  }
.Ltmp5:
0x41d: {  	v20 =	vmul.f32 v29, v20;
	v22 =	vsub.f32 $2.400000000e+01, v34;
	v29 =	vadd.f32 $9.999999770e-03, v31;
	v17 =	vld [tilespmem:s1+$0xFFFFFFF0];
	(pc) =	sbr.rel @p0 .LBB2_12-.Ltmp5, $4  }
0x41e: {  	v21 =	vmul.f32 v24, v21;
	v24 =	vsub.f32 $0.0e+00, v33;
	[tilespmem:v26+s12+$0x0] =	vst.idx.add.f32.msk $0xffff, v28;
	v28 =	vmul.f32 $4.800000000e+01, v30  }
0x41f: {  	v22 =	vmul.f32 v22, v20;
	[tilespmem:v26+s13+$0x0] =	vst.idx.add.f32.msk $0xffff, v33;
	(erf) = vrcp.f32 v29  }
0x420: {  	v20 =	vmul.f32 v30, v27;
	v29 =	vmul.f32 v32, v21;
	[tilespmem:v26+s14+$0x0] =	vst.idx.add.f32.msk $0xffff, v23;
	v21 =	vsub.f32 $2.400000000e+01, v28  }
0x421: {  	s28 =	sadd.s32 $0x50, s28;
	s30 =	sadd.s32 $0x50, s30;
	s29 =	sadd.s32 $0x50, s29;
	v28 =	vmul.f32 v22, v16;
	v26 =	vld [tilespmem:s0+$0xFFFFFFE0]  }
0x422: {  	_ =	sdelay $0x3  }
0x423: {  	[tilespmem:v17+s12+$0x0] =	vst.idx.add.f32.msk $0xffff, v19  }
0x424: {  	v8 =	vmul.f32 v22, v8;
	[tilespmem:v25+s12+$0x0] =	vst.idx.add.f32.msk $0xffff, v28  }
0x425: {  	v10 =	vmul.f32 v22, v10;
	[tilespmem:v17+s13+$0x0] =	vst.idx.add.f32.msk $0xffff, v24  }
0x426: {  	[tilespmem:v25+s13+$0x0] =	vst.idx.add.f32.msk $0xffff, v8  }
0x427: {  	v32 =	vmul.f32 v21, v20;
	v62 =	vsub.f32 $0.0e+00, v28;
	[tilespmem:v25+s14+$0x0] =	vst.idx.add.f32.msk $0xffff, v10  }
0x428: {  	v4 =	vmul.f32 v29, v4;
	v25 =	vld [tilespmem:s2+$0xFFFFFFE0]  }
0x429: {  	v1 =	vmul.f32 v32, v1;
	[tilespmem:v15+s12+$0x0] =	vst.idx.add.f32.msk $0xffff, v62  }
0x42a: {  	v8 =	vsub.f32 $0.0e+00, v8;
	[tilespmem:v26+s12+$0x0] =	vst.idx.add.f32.msk $0xffff, v4  }
0x42b: {  	v5 =	vmul.f32 v29, v5;
	[tilespmem:v14+s12+$0x0] =	vst.idx.add.f32.msk $0xffff, v1  }
0x42c: {  	v2 =	vmul.f32 v32, v2;
	[tilespmem:v15+s13+$0x0] =	vst.idx.add.f32.msk $0xffff, v8;
	v16 =	vpop (erf)  }
0x42d: {  	v6 =	vmul.f32 v29, v6;
	[tilespmem:v26+s13+$0x0] =	vst.idx.add.f32.msk $0xffff, v5;
	v27 =	vmul.f32 v16, v16  }
0x42e: {  	v3 =	vmul.f32 v32, v3;
	[tilespmem:v14+s13+$0x0] =	vst.idx.add.f32.msk $0xffff, v2  }
0x42f: {  	v1 =	vsub.f32 $0.0e+00, v1;
	[tilespmem:v26+s14+$0x0] =	vst.idx.add.f32.msk $0xffff, v6;
	v27 =	vmul.f32 v27, v16  }
0x430: {  	v10 =	vsub.f32 $0.0e+00, v10;
	[tilespmem:v14+s14+$0x0] =	vst.idx.add.f32.msk $0xffff, v3  }
0x431: {  	[tilespmem:v7+s12+$0x0] =	vst.idx.add.f32.msk $0xffff, v1;
	v1 =	vsub.f32 $0.0e+00, v2;
	v30 =	vmul.f32 $4.800000000e+01, v27  }
0x432: {  	[tilespmem:v15+s14+$0x0] =	vst.idx.add.f32.msk $0xffff, v10;
	v2 =	vsub.f32 $0.0e+00, v3  }
0x433: {  	v4 =	vsub.f32 $0.0e+00, v4;
	[tilespmem:v7+s13+$0x0] =	vst.idx.add.f32.msk $0xffff, v1;
	v16 =	vmul.f32 v27, v16;
	v63 =	vsub.f32 $2.400000000e+01, v30  }
0x434: {  	v5 =	vsub.f32 $0.0e+00, v5;
	[tilespmem:v7+s14+$0x0] =	vst.idx.add.f32.msk $0xffff, v2  }
0x435: {  	v31 =	vsub.f32 $0.0e+00, v6;
	[tilespmem:v25+s12+$0x0] =	vst.idx.add.f32.msk $0xffff, v4;
	v16 =	vmul.f32 v63, v16  }
0x436: {  	[tilespmem:v25+s13+$0x0] =	vst.idx.add.f32.msk $0xffff, v5;
	v30 =	vsub.f32 $0.0e+00, v23  }
0x437: {  	[tilespmem:v25+s14+$0x0] =	vst.idx.add.f32.msk $0xffff, v31;
	v27 =	vmul.f32 v16, v9  }
0x438: {  	[tilespmem:v17+s14+$0x0] =	vst.idx.add.f32.msk $0xffff, v30;
	v28 =	vmul.f32 v16, v13  }
0x439: {  	v11 =	vmul.f32 v16, v11;
	[tilespmem:v18+s12+$0x0] =	vst.idx.add.f32.msk $0xffff, v27  }
0x43a: {  	v33 =	vsub.f32 $0.0e+00, v27;
	[tilespmem:v18+s13+$0x0] =	vst.idx.add.f32.msk $0xffff, v28  }
0x43b: {  	v34 =	vsub.f32 $0.0e+00, v28;
	[tilespmem:v18+s14+$0x0] =	vst.idx.add.f32.msk $0xffff, v11  }
0x43c: {  	v35 =	vsub.f32 $0.0e+00, v11;
	[tilespmem:v12+s12+$0x0] =	vst.idx.add.f32.msk $0xffff, v33  }
0x43d: {  	[tilespmem:v12+s13+$0x0] =	vst.idx.add.f32.msk $0xffff, v34  }
0x43e: {  	[tilespmem:v12+s14+$0x0] =	vst.idx.add.f32.msk $0xffff, v35  }
0x43f: {  	_ =	swait.ge [sflag:s20], $0x2710  }
0x440: {  	[sflag:s20] =	ssyncset.done $0x0  }
0x441: {  	s0 =	simm.s32 $0x18DC0;
	[sflag:s20] =	ssyncadd.s32 $0xFFFFD8F0  }
0x442: {  	v36 =	vld [tilespmem:s0+$0xB0]  }
0x443: {  	v1 =	vld [tilespmem:s0+$0xFFFFFF50]  }
0x444: {  	s26 =	simm.s32 $0xA0C0;
	v2 =	vld [tilespmem:s0+$0xFFFFFF60]  }
0x445: {  	v37 =	vld [tilespmem:s26+$0xB0]  }
0x446: {  	v3 =	vld [tilespmem:s0+$0xFFFFFF70]  }
0x447: {  	v4 =	vld [tilespmem:s0+$0xFFFFFF80]  }
0x448: {  	s28 =	simm.s32 $0x0;
	v5 =	vld [tilespmem:s0+$0xFFFFFF90]  }
0x449: {  	s1 =	sand.u32 $0x3FF0, s28;
	v6 =	vld [tilespmem:s0+$0xFFFFFFA0]  }
0x44a: {  	v38 =	vld [tilespmem:s1+$0x18E80]  }
0x44b: {  	v39 =	vld [tilespmem:s1+$0x18D80]  }
0x44c: {  	v40 =	vld [tilespmem:s1+$0x18E00]  }
0x44d: {  	v41 =	vld [tilespmem:s1+$0xA180]  }
0x44e: {  	v42 =	vld [tilespmem:s1+$0xA080]  }
0x44f: {  	v43 =	vld [tilespmem:s1+$0xA100]  }
0x450: {  	v7 =	vld [tilespmem:s0+$0xFFFFFFB0]  }
0x451: {  	v10 =	vld [tilespmem:s0+$0xFFFFFFE0]  }
0x452: {  	v9 =	vld [tilespmem:s0+$0xFFFFFFF0]  }
0x453: {  	v11 =	vld [tilespmem:s0+$0x0]  }
0x454: {  	v45 =	vld [tilespmem:s0+$0x10]  }
0x455: {  	v46 =	vld [tilespmem:s0+$0x20]  }
0x456: {  	v47 =	vld [tilespmem:s0+$0x30]  }
0x457: {  	v48 =	vld [tilespmem:s0+$0x50]  }
0x458: {  	v49 =	vld [tilespmem:s0+$0x60]  }
0x459: {  	v50 =	vld [tilespmem:s0+$0x70]  }
0x45a: {  	v51 =	vld [tilespmem:s0+$0x80]  }
0x45b: {  	v52 =	vld [tilespmem:s0+$0x90]  }
0x45c: {  	v53 =	vld [tilespmem:s0+$0xA0]  }
0x45d: {  	v54 =	vld [tilespmem:s0+$0xFFFFFF40]  }
0x45e: {  	v55 =	vld [tilespmem:s26+$0xFFFFFF40]  }
0x45f: {  	v56 =	vld [tilespmem:s26+$0xFFFFFF50]  }
0x460: {  	v57 =	vld [tilespmem:s26+$0xFFFFFF60]  }
0x461: {  	v58 =	vld [tilespmem:s26+$0xFFFFFF70]  }
0x462: {  	v59 =	vld [tilespmem:s26+$0xFFFFFF80]  }
0x463: {  	v60 =	vld [tilespmem:s26+$0xFFFFFF90]  }
0x464: {  	v61 =	vld [tilespmem:s26+$0xFFFFFFA0]  }
0x465: {  	v62 =	vld [tilespmem:s26+$0xFFFFFFB0]  }
0x466: {  	v63 =	vld [tilespmem:s26+$0xFFFFFFD0]  }
0x467: {  	v31 =	vld [tilespmem:s26+$0xFFFFFFE0]  }
0x468: {  	v32 =	vld [tilespmem:s26+$0xFFFFFFF0]  }
0x469: {  	v33 =	vld [tilespmem:s26+$0x0]  }
0x46a: {  	v34 =	vld [tilespmem:s26+$0x10]  }
0x46b: {  	v35 =	vld [tilespmem:s26+$0x20]  }
0x46c: {  	[tilespmem:v36+s21+$0x0] =	vst.idx.add.f32.msk $0xffff, v37  }
0x46d: {  	[tilespmem:v38+s21+$0x0] =	vst.idx.add.f32.msk $0xffff, v41  }
0x46e: {  	[tilespmem:v39+s21+$0x0] =	vst.idx.add.f32.msk $0xffff, v42  }
0x46f: {  	[tilespmem:v40+s21+$0x0] =	vst.idx.add.f32.msk $0xffff, v43  }
0x470: {  	v37 =	vld [tilespmem:s26+$0x50]  }
0x471: {  	v41 =	vld [tilespmem:s26+$0x90]  }
0x472: {  	v42 =	vld [tilespmem:s26+$0xA0]  }
0x473: {  	[tilespmem:v54+s21+$0x0] =	vst.idx.add.f32.msk $0xffff, v55  }
0x474: {  	[tilespmem:v1+s21+$0x0] =	vst.idx.add.f32.msk $0xffff, v56  }
0x475: {  	[tilespmem:v2+s21+$0x0] =	vst.idx.add.f32.msk $0xffff, v57  }
0x476: {  	[tilespmem:v3+s21+$0x0] =	vst.idx.add.f32.msk $0xffff, v58  }
0x477: {  	[tilespmem:v4+s21+$0x0] =	vst.idx.add.f32.msk $0xffff, v59  }
0x478: {  	[tilespmem:v5+s21+$0x0] =	vst.idx.add.f32.msk $0xffff, v60  }
0x479: {  	[tilespmem:v6+s21+$0x0] =	vst.idx.add.f32.msk $0xffff, v61  }
0x47a: {  	[tilespmem:v7+s21+$0x0] =	vst.idx.add.f32.msk $0xffff, v62  }
0x47b: {  	[tilespmem:v10+s21+$0x0] =	vst.idx.add.f32.msk $0xffff, v31  }
0x47c: {  	[tilespmem:v9+s21+$0x0] =	vst.idx.add.f32.msk $0xffff, v32  }
0x47d: {  	[tilespmem:v11+s21+$0x0] =	vst.idx.add.f32.msk $0xffff, v33  }
0x47e: {  	[tilespmem:v45+s21+$0x0] =	vst.idx.add.f32.msk $0xffff, v34  }
0x47f: {  	s29 =	simm.s32 $0xC840;
	[tilespmem:v46+s21+$0x0] =	vst.idx.add.f32.msk $0xffff, v35  }
0x480: {  	v8 =	vld [tilespmem:s29+$0xB0]  }
0x481: {  	v12 =	vld [tilespmem:s1+$0xC900]  }
0x482: {  	v13 =	vld [tilespmem:s1+$0xC800]  }
0x483: {  	v14 =	vld [tilespmem:s1+$0xC880]  }
0x484: {  	v22 =	vld [tilespmem:s29+$0xFFFFFF40]  }
0x485: {  	v23 =	vld [tilespmem:s29+$0xFFFFFF50]  }
0x486: {  	v24 =	vld [tilespmem:s29+$0xFFFFFF60]  }
0x487: {  	v25 =	vld [tilespmem:s29+$0xFFFFFF70]  }
0x488: {  	v26 =	vld [tilespmem:s29+$0xFFFFFF80]  }
0x489: {  	v27 =	vld [tilespmem:s29+$0xFFFFFF90]  }
0x48a: {  	v28 =	vld [tilespmem:s29+$0xFFFFFFA0]  }
0x48b: {  	v29 =	vld [tilespmem:s29+$0xFFFFFFB0]  }
0x48c: {  	v31 =	vld [tilespmem:s29+$0xFFFFFFE0]  }
0x48d: {  	v32 =	vld [tilespmem:s29+$0xFFFFFFF0]  }
0x48e: {  	v33 =	vld [tilespmem:s29+$0x0]  }
0x48f: {  	v34 =	vld [tilespmem:s29+$0x10]  }
0x490: {  	v35 =	vld [tilespmem:s29+$0x20]  }
0x491: {  	[tilespmem:v48+s21+$0x0] =	vst.idx.add.f32.msk $0xffff, v37  }
0x492: {  	[tilespmem:v52+s21+$0x0] =	vst.idx.add.f32.msk $0xffff, v41  }
0x493: {  	[tilespmem:v53+s21+$0x0] =	vst.idx.add.f32.msk $0xffff, v42  }
0x494: {  	[tilespmem:v36+s22+$0x0] =	vst.idx.add.f32.msk $0xffff, v8  }
0x495: {  	[tilespmem:v38+s22+$0x0] =	vst.idx.add.f32.msk $0xffff, v12  }
0x496: {  	[tilespmem:v39+s22+$0x0] =	vst.idx.add.f32.msk $0xffff, v13  }
0x497: {  	[tilespmem:v40+s22+$0x0] =	vst.idx.add.f32.msk $0xffff, v14  }
0x498: {  	v37 =	vld [tilespmem:s29+$0x50]  }
0x499: {  	v41 =	vld [tilespmem:s29+$0x90]  }
0x49a: {  	v42 =	vld [tilespmem:s29+$0xA0]  }
0x49b: {  	[tilespmem:v54+s22+$0x0] =	vst.idx.add.f32.msk $0xffff, v22  }
0x49c: {  	[tilespmem:v1+s22+$0x0] =	vst.idx.add.f32.msk $0xffff, v23  }
0x49d: {  	[tilespmem:v2+s22+$0x0] =	vst.idx.add.f32.msk $0xffff, v24  }
0x49e: {  	[tilespmem:v3+s22+$0x0] =	vst.idx.add.f32.msk $0xffff, v25  }
0x49f: {  	[tilespmem:v4+s22+$0x0] =	vst.idx.add.f32.msk $0xffff, v26  }
0x4a0: {  	[tilespmem:v5+s22+$0x0] =	vst.idx.add.f32.msk $0xffff, v27  }
0x4a1: {  	[tilespmem:v6+s22+$0x0] =	vst.idx.add.f32.msk $0xffff, v28  }
0x4a2: {  	[tilespmem:v7+s22+$0x0] =	vst.idx.add.f32.msk $0xffff, v29  }
0x4a3: {  	[tilespmem:v10+s22+$0x0] =	vst.idx.add.f32.msk $0xffff, v31  }
0x4a4: {  	[tilespmem:v9+s22+$0x0] =	vst.idx.add.f32.msk $0xffff, v32  }
0x4a5: {  	[tilespmem:v11+s22+$0x0] =	vst.idx.add.f32.msk $0xffff, v33  }
0x4a6: {  	[tilespmem:v45+s22+$0x0] =	vst.idx.add.f32.msk $0xffff, v34  }
0x4a7: {  	s30 =	simm.s32 $0xEFC0;
	[tilespmem:v46+s22+$0x0] =	vst.idx.add.f32.msk $0xffff, v35  }
0x4a8: {  	v8 =	vld [tilespmem:s30+$0xB0]  }
0x4a9: {  	v12 =	vld [tilespmem:s1+$0xF080]  }
0x4aa: {  	v13 =	vld [tilespmem:s1+$0xEF80]  }
0x4ab: {  	v44 =	vld [tilespmem:s1+$0xF000]  }
0x4ac: {  	v22 =	vld [tilespmem:s30+$0xFFFFFF40]  }
0x4ad: {  	v23 =	vld [tilespmem:s30+$0xFFFFFF50]  }
0x4ae: {  	v24 =	vld [tilespmem:s30+$0xFFFFFF60]  }
0x4af: {  	v25 =	vld [tilespmem:s30+$0xFFFFFF70]  }
0x4b0: {  	v26 =	vld [tilespmem:s30+$0xFFFFFF80]  }
0x4b1: {  	v27 =	vld [tilespmem:s30+$0xFFFFFF90]  }
0x4b2: {  	v28 =	vld [tilespmem:s30+$0xFFFFFFA0]  }
0x4b3: {  	v29 =	vld [tilespmem:s30+$0xFFFFFFB0]  }
0x4b4: {  	v31 =	vld [tilespmem:s30+$0xFFFFFFE0]  }
0x4b5: {  	v32 =	vld [tilespmem:s30+$0xFFFFFFF0]  }
0x4b6: {  	v33 =	vld [tilespmem:s30+$0x0]  }
0x4b7: {  	v34 =	vld [tilespmem:s30+$0x10]  }
0x4b8: {  	v35 =	vld [tilespmem:s30+$0x20]  }
0x4b9: {  	[tilespmem:v48+s22+$0x0] =	vst.idx.add.f32.msk $0xffff, v37  }
0x4ba: {  	[tilespmem:v52+s22+$0x0] =	vst.idx.add.f32.msk $0xffff, v41  }
0x4bb: {  	[tilespmem:v53+s22+$0x0] =	vst.idx.add.f32.msk $0xffff, v42  }
0x4bc: {  	[tilespmem:v36+s23+$0x0] =	vst.idx.add.f32.msk $0xffff, v8  }
0x4bd: {  	[tilespmem:v38+s23+$0x0] =	vst.idx.add.f32.msk $0xffff, v12  }
0x4be: {  	v8 =	vld [tilespmem:s0+$0xFFFFFFD0]  }
0x4bf: {  	[tilespmem:v39+s23+$0x0] =	vst.idx.add.f32.msk $0xffff, v13  }
0x4c0: {  	[tilespmem:v40+s23+$0x0] =	vst.idx.add.f32.msk $0xffff, v44  }
0x4c1: {  	v36 =	vld [tilespmem:s26+$0x30]  }
0x4c2: {  	v38 =	vld [tilespmem:s26+$0x60]  }
0x4c3: {  	v39 =	vld [tilespmem:s26+$0x70]  }
0x4c4: {  	v40 =	vld [tilespmem:s26+$0x80]  }
0x4c5: {  	v37 =	vld [tilespmem:s30+$0x50]  }
0x4c6: {  	v41 =	vld [tilespmem:s30+$0x90]  }
0x4c7: {  	v42 =	vld [tilespmem:s30+$0xA0]  }
0x4c8: {  	[tilespmem:v54+s23+$0x0] =	vst.idx.add.f32.msk $0xffff, v22  }
0x4c9: {  	[tilespmem:v1+s23+$0x0] =	vst.idx.add.f32.msk $0xffff, v23  }
0x4ca: {  	[tilespmem:v2+s23+$0x0] =	vst.idx.add.f32.msk $0xffff, v24  }
0x4cb: {  	[tilespmem:v3+s23+$0x0] =	vst.idx.add.f32.msk $0xffff, v25  }
0x4cc: {  	[tilespmem:v4+s23+$0x0] =	vst.idx.add.f32.msk $0xffff, v26  }
0x4cd: {  	[tilespmem:v5+s23+$0x0] =	vst.idx.add.f32.msk $0xffff, v27  }
0x4ce: {  	[tilespmem:v6+s23+$0x0] =	vst.idx.add.f32.msk $0xffff, v28  }
0x4cf: {  	[tilespmem:v7+s23+$0x0] =	vst.idx.add.f32.msk $0xffff, v29  }
0x4d0: {  	[tilespmem:v10+s23+$0x0] =	vst.idx.add.f32.msk $0xffff, v31  }
0x4d1: {  	[tilespmem:v9+s23+$0x0] =	vst.idx.add.f32.msk $0xffff, v32  }
0x4d2: {  	[tilespmem:v11+s23+$0x0] =	vst.idx.add.f32.msk $0xffff, v33  }
0x4d3: {  	[tilespmem:v45+s23+$0x0] =	vst.idx.add.f32.msk $0xffff, v34  }
0x4d4: {  	[tilespmem:v46+s23+$0x0] =	vst.idx.add.f32.msk $0xffff, v35  }
0x4d5: {  	[tilespmem:v47+s21+$0x0] =	vst.idx.add.f32.msk $0xffff, v36  }
0x4d6: {  	[tilespmem:v49+s21+$0x0] =	vst.idx.add.f32.msk $0xffff, v38  }
0x4d7: {  	[tilespmem:v50+s21+$0x0] =	vst.idx.add.f32.msk $0xffff, v39  }
0x4d8: {  	[tilespmem:v51+s21+$0x0] =	vst.idx.add.f32.msk $0xffff, v40  }
0x4d9: {  	[tilespmem:v48+s23+$0x0] =	vst.idx.add.f32.msk $0xffff, v37  }
0x4da: {  	[tilespmem:v52+s23+$0x0] =	vst.idx.add.f32.msk $0xffff, v41  }
0x4db: {  	[tilespmem:v53+s23+$0x0] =	vst.idx.add.f32.msk $0xffff, v42  }
0x4dc: {  	v36 =	vld [tilespmem:s29+$0x30]  }
0x4dd: {  	v38 =	vld [tilespmem:s29+$0x60]  }
0x4de: {  	v39 =	vld [tilespmem:s29+$0x70]  }
0x4df: {  	v40 =	vld [tilespmem:s29+$0x80]  }
0x4e0: {  	[tilespmem:v8+s21+$0x0] =	vst.idx.add.f32.msk $0xffff, v63  }
0x4e1: {  	v30 =	vld [tilespmem:s29+$0xFFFFFFD0]  }
0x4e2: {  	[tilespmem:v47+s22+$0x0] =	vst.idx.add.f32.msk $0xffff, v36  }
0x4e3: {  	[tilespmem:v49+s22+$0x0] =	vst.idx.add.f32.msk $0xffff, v38  }
0x4e4: {  	[tilespmem:v50+s22+$0x0] =	vst.idx.add.f32.msk $0xffff, v39  }
0x4e5: {  	[tilespmem:v51+s22+$0x0] =	vst.idx.add.f32.msk $0xffff, v40  }
0x4e6: {  	v36 =	vld [tilespmem:s30+$0x30]  }
0x4e7: {  	v38 =	vld [tilespmem:s30+$0x60]  }
0x4e8: {  	v39 =	vld [tilespmem:s30+$0x70]  }
0x4e9: {  	v40 =	vld [tilespmem:s30+$0x80]  }
0x4ea: {  	[tilespmem:v8+s22+$0x0] =	vst.idx.add.f32.msk $0xffff, v30  }
0x4eb: {  	v30 =	vld [tilespmem:s30+$0xFFFFFFD0]  }
0x4ec: {  	[tilespmem:v47+s23+$0x0] =	vst.idx.add.f32.msk $0xffff, v36  }
0x4ed: {  	[tilespmem:v49+s23+$0x0] =	vst.idx.add.f32.msk $0xffff, v38  }
0x4ee: {  	[tilespmem:v50+s23+$0x0] =	vst.idx.add.f32.msk $0xffff, v39  }
0x4ef: {  	[tilespmem:v51+s23+$0x0] =	vst.idx.add.f32.msk $0xffff, v40  }
0x4f0: {  	s31 =	simm.s32 $0x0;
	s0 =	simm.s32 $0x18F50;
	[tilespmem:v8+s23+$0x0] =	vst.idx.add.f32.msk $0xffff, v30  }
.LBB2_14:
0x4f1: {  	v7 =	vld [tilespmem:s0+$0xB0]  }
0x4f2: {  	v1 =	vld [tilespmem:s0+$0xFFFFFF50]  }
0x4f3: {  	s26 =	sadd.s32 $0x190, s26;
	v2 =	vld [tilespmem:s0+$0xFFFFFF60]  }
0x4f4: {  	v8 =	vld [tilespmem:s26+$0xB0]  }
0x4f5: {  	v3 =	vld [tilespmem:s0+$0xFFFFFF70]  }
0x4f6: {  	v4 =	vld [tilespmem:s0+$0xFFFFFF80]  }
0x4f7: {  	v5 =	vld [tilespmem:s0+$0xFFFFFF90]  }
0x4f8: {  	v6 =	vld [tilespmem:s0+$0xFFFFFFA0]  }
0x4f9: {  	s28 =	sadd.s32 $0x190, s28;
	s29 =	sadd.s32 $0x190, s29;
	[tilespmem:v7+s21+$0x0] =	vst.idx.add.f32.msk $0xffff, v8  }
0x4fa: {  	s31 =	sadd.s32 $0x19, s31;
	s1 =	sand.u32 $0x3FF0, s28;
	v8 =	vld [tilespmem:s29+$0xB0]  }
0x4fb: {  	p0 =	slt.u32 s31, $0x258;
	v9 =	vld [tilespmem:s1+$0x18E80]  }
0x4fc: {  	v10 =	vld [tilespmem:s1+$0x18D80]  }
0x4fd: {  	v11 =	vld [tilespmem:s1+$0x18E00]  }
0x4fe: {  	v12 =	vld [tilespmem:s1+$0xA180]  }
0x4ff: {  	v13 =	vld [tilespmem:s1+$0xA080]  }
0x500: {  	v14 =	vld [tilespmem:s1+$0xA100]  }
0x501: {  	s30 =	sadd.s32 $0x190, s30;
	[tilespmem:v7+s22+$0x0] =	vst.idx.add.f32.msk $0xffff, v8  }
0x502: {  	v8 =	vld [tilespmem:s30+$0xB0]  }
0x503: {  	[tilespmem:v9+s21+$0x0] =	vst.idx.add.f32.msk $0xffff, v12  }
0x504: {  	v12 =	vld [tilespmem:s1+$0xC900]  }
0x505: {  	[tilespmem:v10+s21+$0x0] =	vst.idx.add.f32.msk $0xffff, v13  }
0x506: {  	[tilespmem:v11+s21+$0x0] =	vst.idx.add.f32.msk $0xffff, v14  }
0x507: {  	v13 =	vld [tilespmem:s1+$0xC800]  }
0x508: {  	v14 =	vld [tilespmem:s1+$0xC880]  }
0x509: {  	[tilespmem:v9+s22+$0x0] =	vst.idx.add.f32.msk $0xffff, v12  }
0x50a: {  	v12 =	vld [tilespmem:s1+$0xF080]  }
0x50b: {  	[tilespmem:v7+s23+$0x0] =	vst.idx.add.f32.msk $0xffff, v8  }
0x50c: {  	[tilespmem:v10+s22+$0x0] =	vst.idx.add.f32.msk $0xffff, v13  }
0x50d: {  	[tilespmem:v11+s22+$0x0] =	vst.idx.add.f32.msk $0xffff, v14  }
0x50e: {  	v13 =	vld [tilespmem:s1+$0xEF80]  }
0x50f: {  	[tilespmem:v9+s23+$0x0] =	vst.idx.add.f32.msk $0xffff, v12  }
0x510: {  	v12 =	vld [tilespmem:s1+$0xF000]  }
0x511: {  	v7 =	vld [tilespmem:s0+$0xFFFFFFB0]  }
0x512: {  	v8 =	vld [tilespmem:s0+$0xFFFFFFD0]  }
0x513: {  	[tilespmem:v10+s23+$0x0] =	vst.idx.add.f32.msk $0xffff, v13  }
0x514: {  	v9 =	vld [tilespmem:s0+$0xFFFFFFE0]  }
0x515: {  	[tilespmem:v11+s23+$0x0] =	vst.idx.add.f32.msk $0xffff, v12  }
0x516: {  	v10 =	vld [tilespmem:s0+$0xFFFFFFF0]  }
0x517: {  	v11 =	vld [tilespmem:s0+$0x0]  }
0x518: {  	v12 =	vld [tilespmem:s0+$0x10]  }
0x519: {  	v13 =	vld [tilespmem:s0+$0x20]  }
0x51a: {  	v14 =	vld [tilespmem:s0+$0x30]  }
0x51b: {  	v15 =	vld [tilespmem:s0+$0x50]  }
0x51c: {  	v16 =	vld [tilespmem:s0+$0x60]  }
0x51d: {  	v17 =	vld [tilespmem:s0+$0x70]  }
0x51e: {  	v18 =	vld [tilespmem:s0+$0x80]  }
0x51f: {  	v19 =	vld [tilespmem:s0+$0x90]  }
0x520: {  	v20 =	vld [tilespmem:s0+$0xA0]  }
0x521: {  	v21 =	vld [tilespmem:s0+$0xFFFFFF40]  }
0x522: {  	v22 =	vld [tilespmem:s26+$0xFFFFFF40]  }
0x523: {  	v23 =	vld [tilespmem:s26+$0xFFFFFF50]  }
0x524: {  	v24 =	vld [tilespmem:s26+$0xFFFFFF60]  }
0x525: {  	v25 =	vld [tilespmem:s26+$0xFFFFFF70]  }
0x526: {  	v26 =	vld [tilespmem:s26+$0xFFFFFF80]  }
0x527: {  	v27 =	vld [tilespmem:s26+$0xFFFFFF90]  }
0x528: {  	v28 =	vld [tilespmem:s26+$0xFFFFFFA0]  }
0x529: {  	v29 =	vld [tilespmem:s26+$0xFFFFFFB0]  }
0x52a: {  	v30 =	vld [tilespmem:s26+$0xFFFFFFD0]  }
0x52b: {  	v31 =	vld [tilespmem:s26+$0xFFFFFFE0]  }
0x52c: {  	v32 =	vld [tilespmem:s26+$0xFFFFFFF0]  }
0x52d: {  	v33 =	vld [tilespmem:s26+$0x0]  }
0x52e: {  	v34 =	vld [tilespmem:s26+$0x10]  }
0x52f: {  	v35 =	vld [tilespmem:s26+$0x20]  }
0x530: {  	v36 =	vld [tilespmem:s26+$0x30]  }
0x531: {  	v37 =	vld [tilespmem:s26+$0x50]  }
0x532: {  	v38 =	vld [tilespmem:s26+$0x60]  }
0x533: {  	v39 =	vld [tilespmem:s26+$0x70]  }
0x534: {  	v40 =	vld [tilespmem:s26+$0x80]  }
0x535: {  	v41 =	vld [tilespmem:s26+$0x90]  }
0x536: {  	v42 =	vld [tilespmem:s26+$0xA0]  }
0x537: {  	[tilespmem:v21+s21+$0x0] =	vst.idx.add.f32.msk $0xffff, v22  }
0x538: {  	[tilespmem:v1+s21+$0x0] =	vst.idx.add.f32.msk $0xffff, v23  }
0x539: {  	[tilespmem:v2+s21+$0x0] =	vst.idx.add.f32.msk $0xffff, v24  }
0x53a: {  	[tilespmem:v3+s21+$0x0] =	vst.idx.add.f32.msk $0xffff, v25  }
0x53b: {  	[tilespmem:v4+s21+$0x0] =	vst.idx.add.f32.msk $0xffff, v26  }
0x53c: {  	[tilespmem:v5+s21+$0x0] =	vst.idx.add.f32.msk $0xffff, v27  }
0x53d: {  	[tilespmem:v6+s21+$0x0] =	vst.idx.add.f32.msk $0xffff, v28  }
0x53e: {  	[tilespmem:v7+s21+$0x0] =	vst.idx.add.f32.msk $0xffff, v29  }
0x53f: {  	[tilespmem:v8+s21+$0x0] =	vst.idx.add.f32.msk $0xffff, v30  }
0x540: {  	[tilespmem:v9+s21+$0x0] =	vst.idx.add.f32.msk $0xffff, v31  }
0x541: {  	[tilespmem:v10+s21+$0x0] =	vst.idx.add.f32.msk $0xffff, v32  }
0x542: {  	[tilespmem:v11+s21+$0x0] =	vst.idx.add.f32.msk $0xffff, v33  }
0x543: {  	[tilespmem:v12+s21+$0x0] =	vst.idx.add.f32.msk $0xffff, v34  }
0x544: {  	[tilespmem:v13+s21+$0x0] =	vst.idx.add.f32.msk $0xffff, v35  }
0x545: {  	[tilespmem:v14+s21+$0x0] =	vst.idx.add.f32.msk $0xffff, v36  }
0x546: {  	[tilespmem:v15+s21+$0x0] =	vst.idx.add.f32.msk $0xffff, v37  }
0x547: {  	[tilespmem:v16+s21+$0x0] =	vst.idx.add.f32.msk $0xffff, v38  }
0x548: {  	[tilespmem:v17+s21+$0x0] =	vst.idx.add.f32.msk $0xffff, v39  }
0x549: {  	[tilespmem:v18+s21+$0x0] =	vst.idx.add.f32.msk $0xffff, v40  }
0x54a: {  	[tilespmem:v19+s21+$0x0] =	vst.idx.add.f32.msk $0xffff, v41  }
0x54b: {  	[tilespmem:v20+s21+$0x0] =	vst.idx.add.f32.msk $0xffff, v42  }
0x54c: {  	v22 =	vld [tilespmem:s29+$0xFFFFFF40]  }
0x54d: {  	v23 =	vld [tilespmem:s29+$0xFFFFFF50]  }
0x54e: {  	v24 =	vld [tilespmem:s29+$0xFFFFFF60]  }
0x54f: {  	v25 =	vld [tilespmem:s29+$0xFFFFFF70]  }
0x550: {  	v26 =	vld [tilespmem:s29+$0xFFFFFF80]  }
0x551: {  	v27 =	vld [tilespmem:s29+$0xFFFFFF90]  }
0x552: {  	v28 =	vld [tilespmem:s29+$0xFFFFFFA0]  }
0x553: {  	v29 =	vld [tilespmem:s29+$0xFFFFFFB0]  }
0x554: {  	v30 =	vld [tilespmem:s29+$0xFFFFFFD0]  }
0x555: {  	v31 =	vld [tilespmem:s29+$0xFFFFFFE0]  }
0x556: {  	v32 =	vld [tilespmem:s29+$0xFFFFFFF0]  }
0x557: {  	v33 =	vld [tilespmem:s29+$0x0]  }
0x558: {  	v34 =	vld [tilespmem:s29+$0x10]  }
0x559: {  	v35 =	vld [tilespmem:s29+$0x20]  }
0x55a: {  	v36 =	vld [tilespmem:s29+$0x30]  }
0x55b: {  	v37 =	vld [tilespmem:s29+$0x50]  }
0x55c: {  	v38 =	vld [tilespmem:s29+$0x60]  }
0x55d: {  	v39 =	vld [tilespmem:s29+$0x70]  }
0x55e: {  	v40 =	vld [tilespmem:s29+$0x80]  }
0x55f: {  	v41 =	vld [tilespmem:s29+$0x90]  }
0x560: {  	v42 =	vld [tilespmem:s29+$0xA0]  }
0x561: {  	[tilespmem:v21+s22+$0x0] =	vst.idx.add.f32.msk $0xffff, v22  }
0x562: {  	[tilespmem:v1+s22+$0x0] =	vst.idx.add.f32.msk $0xffff, v23  }
0x563: {  	[tilespmem:v2+s22+$0x0] =	vst.idx.add.f32.msk $0xffff, v24  }
0x564: {  	[tilespmem:v3+s22+$0x0] =	vst.idx.add.f32.msk $0xffff, v25  }
0x565: {  	[tilespmem:v4+s22+$0x0] =	vst.idx.add.f32.msk $0xffff, v26  }
0x566: {  	[tilespmem:v5+s22+$0x0] =	vst.idx.add.f32.msk $0xffff, v27  }
0x567: {  	[tilespmem:v6+s22+$0x0] =	vst.idx.add.f32.msk $0xffff, v28  }
0x568: {  	[tilespmem:v7+s22+$0x0] =	vst.idx.add.f32.msk $0xffff, v29  }
0x569: {  	[tilespmem:v8+s22+$0x0] =	vst.idx.add.f32.msk $0xffff, v30  }
0x56a: {  	[tilespmem:v9+s22+$0x0] =	vst.idx.add.f32.msk $0xffff, v31  }
0x56b: {  	[tilespmem:v10+s22+$0x0] =	vst.idx.add.f32.msk $0xffff, v32  }
0x56c: {  	[tilespmem:v11+s22+$0x0] =	vst.idx.add.f32.msk $0xffff, v33  }
0x56d: {  	[tilespmem:v12+s22+$0x0] =	vst.idx.add.f32.msk $0xffff, v34  }
0x56e: {  	[tilespmem:v13+s22+$0x0] =	vst.idx.add.f32.msk $0xffff, v35  }
0x56f: {  	[tilespmem:v14+s22+$0x0] =	vst.idx.add.f32.msk $0xffff, v36  }
0x570: {  	[tilespmem:v15+s22+$0x0] =	vst.idx.add.f32.msk $0xffff, v37  }
0x571: {  	[tilespmem:v16+s22+$0x0] =	vst.idx.add.f32.msk $0xffff, v38  }
0x572: {  	[tilespmem:v17+s22+$0x0] =	vst.idx.add.f32.msk $0xffff, v39  }
0x573: {  	[tilespmem:v18+s22+$0x0] =	vst.idx.add.f32.msk $0xffff, v40  }
0x574: {  	[tilespmem:v19+s22+$0x0] =	vst.idx.add.f32.msk $0xffff, v41  }
0x575: {  	[tilespmem:v20+s22+$0x0] =	vst.idx.add.f32.msk $0xffff, v42  }
0x576: {  	v22 =	vld [tilespmem:s30+$0xFFFFFF40]  }
0x577: {  	v23 =	vld [tilespmem:s30+$0xFFFFFF50]  }
0x578: {  	v24 =	vld [tilespmem:s30+$0xFFFFFF60]  }
0x579: {  	v25 =	vld [tilespmem:s30+$0xFFFFFF70]  }
0x57a: {  	v26 =	vld [tilespmem:s30+$0xFFFFFF80]  }
0x57b: {  	v27 =	vld [tilespmem:s30+$0xFFFFFF90]  }
0x57c: {  	v28 =	vld [tilespmem:s30+$0xFFFFFFA0]  }
0x57d: {  	v29 =	vld [tilespmem:s30+$0xFFFFFFB0]  }
0x57e: {  	v30 =	vld [tilespmem:s30+$0xFFFFFFD0]  }
0x57f: {  	v31 =	vld [tilespmem:s30+$0xFFFFFFE0]  }
0x580: {  	v32 =	vld [tilespmem:s30+$0xFFFFFFF0]  }
0x581: {  	v33 =	vld [tilespmem:s30+$0x0]  }
0x582: {  	v34 =	vld [tilespmem:s30+$0x10]  }
0x583: {  	v35 =	vld [tilespmem:s30+$0x20]  }
0x584: {  	v36 =	vld [tilespmem:s30+$0x30]  }
0x585: {  	v37 =	vld [tilespmem:s30+$0x50]  }
0x586: {  	v38 =	vld [tilespmem:s30+$0x60]  }
0x587: {  	v39 =	vld [tilespmem:s30+$0x70]  }
0x588: {  	v40 =	vld [tilespmem:s30+$0x80]  }
0x589: {  	v41 =	vld [tilespmem:s30+$0x90]  }
0x58a: {  	v42 =	vld [tilespmem:s30+$0xA0]  }
0x58b: {  	[tilespmem:v21+s23+$0x0] =	vst.idx.add.f32.msk $0xffff, v22  }
0x58c: {  	[tilespmem:v1+s23+$0x0] =	vst.idx.add.f32.msk $0xffff, v23  }
0x58d: {  	[tilespmem:v2+s23+$0x0] =	vst.idx.add.f32.msk $0xffff, v24  }
0x58e: {  	[tilespmem:v3+s23+$0x0] =	vst.idx.add.f32.msk $0xffff, v25  }
0x58f: {  	[tilespmem:v4+s23+$0x0] =	vst.idx.add.f32.msk $0xffff, v26  }
0x590: {  	[tilespmem:v5+s23+$0x0] =	vst.idx.add.f32.msk $0xffff, v27  }
0x591: {  	[tilespmem:v6+s23+$0x0] =	vst.idx.add.f32.msk $0xffff, v28  }
0x592: {  	[tilespmem:v7+s23+$0x0] =	vst.idx.add.f32.msk $0xffff, v29  }
0x593: {  	[tilespmem:v8+s23+$0x0] =	vst.idx.add.f32.msk $0xffff, v30  }
0x594: {  	[tilespmem:v9+s23+$0x0] =	vst.idx.add.f32.msk $0xffff, v31  }
0x595: {  	[tilespmem:v10+s23+$0x0] =	vst.idx.add.f32.msk $0xffff, v32  }
0x596: {  	[tilespmem:v11+s23+$0x0] =	vst.idx.add.f32.msk $0xffff, v33  }
0x597: {  	[tilespmem:v12+s23+$0x0] =	vst.idx.add.f32.msk $0xffff, v34  }
0x598: {  	[tilespmem:v13+s23+$0x0] =	vst.idx.add.f32.msk $0xffff, v35  }
0x599: {  	[tilespmem:v14+s23+$0x0] =	vst.idx.add.f32.msk $0xffff, v36  }
0x59a: {  	[tilespmem:v15+s23+$0x0] =	vst.idx.add.f32.msk $0xffff, v37  }
.Ltmp6:
0x59b: {  	[tilespmem:v16+s23+$0x0] =	vst.idx.add.f32.msk $0xffff, v38;
	(pc) =	sbr.rel @p0 .LBB2_14-.Ltmp6, $4  }
0x59c: {  	[tilespmem:v17+s23+$0x0] =	vst.idx.add.f32.msk $0xffff, v39  }
0x59d: {  	[tilespmem:v18+s23+$0x0] =	vst.idx.add.f32.msk $0xffff, v40  }
0x59e: {  	[tilespmem:v19+s23+$0x0] =	vst.idx.add.f32.msk $0xffff, v41  }
0x59f: {  	s0 =	sadd.s32 $0x190, s0;
	[tilespmem:v20+s23+$0x0] =	vst.idx.add.f32.msk $0xffff, v42  }
0x5a0: {  	s0 =	rddreg [dreg:$0x10]  }
0x5a1: {  	[hbm4b:s0+s3] =	stream.linear.scatter [tilespmem:s21], [sflag:$0xC], $0x2710, $0x38;
	[tilespmem:$0x1B480] =	vst v63  }
0x5a2: {  	_ =	swait.ge [sflag:s24], $0x2710  }
0x5a3: {  	[sflag:s24] =	ssyncset.done $0x0  }
0x5a4: {  	s29 =	rddreg [dreg:$0x1e];
	[sflag:s24] =	ssyncadd.s32 $0xFFFFD8F0  }
0x5a5: {  	[hbm4b:s29+s3] =	stream.linear.scatter [tilespmem:s22], [sflag:$0xC], $0x2710, $0x38;
	[tilespmem:$0x1B480] =	vst v63  }
0x5a6: {  	_ =	swait.ge [sflag:s24], $0x2710  }
0x5a7: {  	[sflag:s24] =	ssyncset.done $0x0  }
0x5a8: {  	s30 =	rddreg [dreg:$0x1f];
	[sflag:s24] =	ssyncadd.s32 $0xFFFFD8F0  }
0x5a9: {  	[hbm4b:s30+s3] =	stream.linear.scatter [tilespmem:s23], [sflag:$0xC], $0x2710, $0x38;
	[tilespmem:$0x1B480] =	vst v63  }
0x5aa: {  	_ =	swait.ge [sflag:s24], $0x2710  }
0x5ab: {  	s31 =	sld [smem:$0x7FD];
	_ =	sdelay $0x1  }
0x5ac: {  	s25 =	sadd.s32 $0x1, s25  }
0x5ad: {  	p0 =	sne.s32 s25, s31  }
.Ltmp7:
0x5ae: {  	_ = 	snop;
	(pc) =	sbr.rel @p0 .LBB2_1-.Ltmp7, $3  }
0x5af: {  	_ =	sdelay $0x1  }
0x5b0: {  	[sflag:s24] =	ssyncset.done $0x0  }
0x5b1: {  	[sflag:s24] =	ssyncadd.s32 $0xFFFFD8F0  }
0x5b2: {  	_ =	sfence.sel $0x180000  }
0x5b3: {  	[bflag:$0x0] =	sbarrier.arrive $0xFFFF  }
0x5b4: {  	_ =	strace $0x90000047  }
0x5b5: {  	s0 =	stileid.u32;
	[bflag:$0x2] =	sbarrier.arrive $0xFFFF  }
0x5b6: {  	p0 =	sne.s32 s0, $0x0;
	s0 =	rddreg [dreg:$0x3]  }
0x5b7: {  	s0 =	sadd.s32 @!p0 $0x100000, s0  }
0x5b8: {  	[sflag:s0] =	ssyncadd.tile.s32 @!p0 $0x1;
	_ =	shalt  }
.Lfunc_end2:
_tile_overlayer_lowered:
.L_overlay_start_2:
0x5b9: {  	(tag) =	ssettag $0x2  }
0x5ba: {  	s0 =	rddreg [dreg:$0x0];
	s2 =	stileid.u32  }
0x5bb: {  	s1 =	rddreg [dreg:$0x1];
	p0 =	sne.s32 s2, $0x0  }
0x5bc: {  	s3 =	rddreg [dreg:$0x2];
	[bflag:$0x3] =	sbarrier.arrive $0xFFFF;
	s2 =	simm.s32 @!p0 $0x1C0C  }
0x5bd: {  	[timem:s3], [sflag:s2] =	dma.local @!p0 [hbm:s0], s1  }
0x5be: {  	s0 =	simm.s32 @!p0 $0xC  }
0x5bf: {  	_ =	swait.ge @!p0 [sflag:s0], s1  }
0x5c0: {  	s1 =	ssub.s32 @!p0 $0x0, s1;
	[sflag:s0] =	ssyncset.done @!p0 $0x0  }
0x5c1: {  	[sflag:s0] =	ssyncadd.s32 @!p0 s1  }
0x5c2: {  	[bflag:$0x3] =	sbarrier.arrive $0xFFFF  }
0x5c3: {  	_ =	shalt  }

</sc_bundles>
